<compile_context>
chip_gen: v7x
topology: tpu7x:2x2x1
jax: 0.10.2.dev20260603
libtpu: 0.0.44.dev20260713+nightly
codegen_flags: <defaults>
</compile_context>

<pallas_src>
import functools

import jax
import jax.numpy as jnp
from jax import lax
from jax.experimental import pallas as pl
from jax.experimental.pallas import tpu as pltpu
from jax.experimental.pallas import tpu_sc as plsc

B, D, E = 10000, 128, 320000
H = 256
BP = 10240

NC, NS = 2, 16
NW = NC * NS
ROWS_PER_TILE = E // NW
WIN = 40
NWIN = ROWS_PER_TILE // WIN
RING = 8
ZR = WIN
ROWS_PER_TILE_B = BP // NS
NZ = ROWS_PER_TILE_B // ZR


def _segment_sum_sc(hyps, seg_ids):
  mesh = plsc.VectorSubcoreMesh(
      core_axis_name="c", subcore_axis_name="s", num_cores=NC,
      num_subcores=NS)

  @functools.partial(
      pl.kernel,
      out_type=jax.ShapeDtypeStruct((NC, BP, D), jnp.float32),
      mesh=mesh,
      scratch_types=[
          pltpu.VMEM((RING, WIN, D), jnp.float32),
          pltpu.VMEM((RING, 1, WIN), jnp.int32),
          pltpu.VMEM_SHARED((BP, D), jnp.float32),
      ] + [pltpu.SemaphoreType.DMA] * (2 * RING),
  )
  def k(hyps_hbm, ids_hbm, out_hbm, rows_v, idx_v, acc_sh, *sems):
    cid = lax.axis_index("c")
    sid = lax.axis_index("s")
    tile = cid * NS + sid
    load_sems = sems[:RING]
    scat_sems = sems[RING:]
    chunk_base = tile * ROWS_PER_TILE

    def start_load(w, b):
      pltpu.async_copy(
          hyps_hbm.at[pl.ds(chunk_base + w * WIN, WIN)], rows_v.at[b],
          load_sems[b])
      pltpu.async_copy(ids_hbm.at[pl.ds(chunk_base + w * WIN, WIN)],
                       idx_v.at[b, 0], load_sems[b])

    def wait_load(w, b):
      pltpu.make_async_copy(
          hyps_hbm.at[pl.ds(chunk_base + w * WIN, WIN)], rows_v.at[b],
          load_sems[b]).wait()
      pltpu.make_async_copy(ids_hbm.at[pl.ds(chunk_base + w * WIN, WIN)],
                            idx_v.at[b, 0], load_sems[b]).wait()

    def start_scatter(b):
      pltpu.async_copy(rows_v.at[b], acc_sh.at[idx_v.at[b, 0]],
                       scat_sems[b], add=True)

    def wait_scatter(b):
      pltpu.make_async_copy(rows_v.at[b], acc_sh.at[idx_v.at[b, 0]],
                            scat_sems[b]).wait()

    for w in range(RING - 1):
      start_load(w, w)

    zslot = RING - 1
    zeros16 = jnp.zeros((16,), jnp.float32)
    def zero_body(i, _):
      for j in range(D // 16):
        rows_v[zslot, i, pl.ds(j * 16, 16)] = zeros16
      return 0
    lax.fori_loop(0, ZR, zero_body, 0)

    tile_out_base = sid * ROWS_PER_TILE_B
    for z in range(NZ):
      pltpu.async_copy(rows_v.at[zslot],
                       acc_sh.at[pl.ds(tile_out_base + z * ZR, ZR)],
                       scat_sems[zslot])
    for z in range(NZ):
      pltpu.make_async_copy(
          rows_v.at[zslot], acc_sh.at[pl.ds(tile_out_base + z * ZR, ZR)],
          scat_sems[zslot]).wait()

    plsc.subcore_barrier()

    def win_body(i, _):
      for j in range(RING):
        w = i * RING + j
        b = j
        wait_load(w, b)
        start_scatter(b)

        @pl.when(w >= 1)
        def _():
          wait_scatter((j - 1) % RING)

        @pl.when(w + RING - 1 < NWIN)
        def _():
          start_load(w + RING - 1, (j + RING - 1) % RING)
      return 0
    lax.fori_loop(0, NWIN // RING, win_body, 0)

    for w in range((NWIN // RING) * RING, NWIN):
      wait_load(w, w % RING)
      start_scatter(w % RING)
      wait_scatter((w - 1) % RING)
    wait_scatter((NWIN - 1) % RING)

    plsc.subcore_barrier()

    pltpu.sync_copy(acc_sh.at[pl.ds(tile_out_base, ROWS_PER_TILE_B)],
                    out_hbm.at[cid, pl.ds(tile_out_base, ROWS_PER_TILE_B)])

  return k(hyps, seg_ids)


def _mlp_body(goals_ref, p_ref, w1_ref, b1_ref, w2_ref, b2_ref,
              w3_ref, b3_ref, out_ref):
  hsum = p_ref[0] + p_ref[1]
  x = jnp.concatenate([goals_ref[...], hsum], axis=1).astype(jnp.bfloat16)
  z1 = lax.dot_general(x, w1_ref[...].astype(jnp.bfloat16),
                       (((1,), (1,)), ((), ())),
                       preferred_element_type=jnp.float32) + b1_ref[...]
  a1 = jnp.where(z1 >= 0, z1, 0.01 * z1).astype(jnp.bfloat16)
  z2 = lax.dot_general(a1, w2_ref[...].astype(jnp.bfloat16),
                       (((1,), (1,)), ((), ())),
                       preferred_element_type=jnp.float32) + b2_ref[...]
  a2 = jnp.where(z2 >= 0, z2, 0.01 * z2)
  z3 = jnp.sum(a2 * w3_ref[...], axis=1) + b3_ref[0, 0]
  out_ref[...] = jax.nn.sigmoid(z3).reshape(out_ref.shape)


def _mlp_tc(goals, partials, W1, b1, W2, b2, W3, b3):
  R = 2048
  grid = BP // R
  full = lambda shape: pl.BlockSpec(shape, lambda i: (0, 0))
  out2 = pl.pallas_call(
      _mlp_body,
      grid=(grid,),
      in_specs=[
          pl.BlockSpec((R, D), lambda i: (i, 0)),
          pl.BlockSpec((NC, R, D), lambda i: (0, i, 0)),
          full(W1.shape),
          full((1, H)),
          full(W2.shape),
          full((1, H)),
          full(W3.shape),
          full((1, 1)),
      ],
      out_specs=pl.BlockSpec((R // 128, 128), lambda i: (i, 0)),
      out_shape=jax.ShapeDtypeStruct((BP // 128, 128), jnp.float32),
  )(goals, partials, W1, b1.reshape(1, H), W2, b2.reshape(1, H), W3,
    b3.reshape(1, 1))
  return out2.reshape(BP)[:B].reshape(B, 1)


def kernel(goals, hyps, segment_ids, W1, b1, W2, b2, W3, b3):
  seg = segment_ids.astype(jnp.int32)
  partials = _segment_sum_sc(hyps, seg)
  return _mlp_tc(goals, partials, W1, b1, W2, b2, W3, b3)

# --- scband reference (transcript-rebuilt; emitter-appended) ---
"""Pipeline reference for scband-agent-model-46574625358035 (READ-ONLY COPY).

The authoritative reference and input builder live on the scoring server;
editing this copy changes nothing except your own understanding.
"""

import jax, jax.numpy as jnp
import numpy as np

B, D, E = 10000, 128, 320000
H, O = 256, 1
IN = 2 * D


def setup_inputs(seed: int = 0) -> dict:
    key = jax.random.key(seed)
    ks = jax.random.split(key, 10)
    goals = jax.random.normal(ks[0], (B, D), dtype=jnp.float32)
    hyps = jax.random.normal(ks[1], (E, D), dtype=jnp.float32)
    segment_ids = jnp.sort(jax.random.randint(ks[2], (E,), 0, B, dtype=jnp.int64))
    s1 = 1.0 / np.sqrt(IN)
    W1 = jax.random.uniform(ks[3], (H, IN), minval=-s1, maxval=s1, dtype=jnp.float32)
    b1 = jax.random.uniform(ks[4], (H,), minval=-s1, maxval=s1, dtype=jnp.float32)
    s2 = 1.0 / np.sqrt(H)
    W2 = jax.random.uniform(ks[5], (H, H), minval=-s2, maxval=s2, dtype=jnp.float32)
    b2 = jax.random.uniform(ks[6], (H,), minval=-s2, maxval=s2, dtype=jnp.float32)
    W3 = jax.random.uniform(ks[7], (O, H), minval=-s2, maxval=s2, dtype=jnp.float32)
    b3 = jax.random.uniform(ks[8], (O,), minval=-s2, maxval=s2, dtype=jnp.float32)
    return {"goals": goals, "hyps": hyps, "segment_ids": segment_ids,
            "W1": W1, "b1": b1, "W2": W2, "b2": b2, "W3": W3, "b3": b3}


def reference(goals, hyps, segment_ids, W1, b1, W2, b2, W3, b3):
    # Per-obligation sum of hypothesis encodings (segment reduce, was a python loop)
    encoded_sum_hyp = jax.ops.segment_sum(hyps, segment_ids, num_segments=goals.shape[0])
    x = jnp.concatenate([goals, encoded_sum_hyp], axis=1)
    # network_pass: lin1 -> LeakyReLU -> lin2 -> LeakyReLU -> linfinal
    x = jax.nn.leaky_relu(x @ W1.T + b1, negative_slope=0.01)
    x = jax.nn.leaky_relu(x @ W2.T + b2, negative_slope=0.01)
    x = x @ W3.T + b3
    return jax.nn.sigmoid(x)

if __name__ == "__main__":
    import jax
    _d = setup_inputs()
    print(jax.jit(kernel)(*tuple(_d.values())))

</pallas_src>

<mosaic_0001>
#map = affine_map<(d0, d1) -> (0, 0)>
#map1 = affine_map<(d0, d1) -> (0)>
#map2 = affine_map<(d0, d1) -> (0, 0, 0)>
module attributes {stable_mosaic.version = 14 : i64} {
  func.func @k(%arg0: i32, %arg1: i32, %arg2: memref<320000x128xf32, #tpu.memory_space<hbm>>, %arg3: memref<320000xi32, #tpu.memory_space<hbm>>, %arg4: memref<2x10240x128xf32, #tpu.memory_space<hbm>>, %arg5: memref<8x40x128xf32, #tpu.memory_space<vmem>>, %arg6: memref<8x1x40xi32, #tpu.memory_space<vmem>>, %arg7: memref<10240x128xf32, #tpu.memory_space<vmem_shared>>, %arg8: memref<!tpu.dma_semaphore, #tpu.memory_space<semaphore_mem>>, %arg9: memref<!tpu.dma_semaphore, #tpu.memory_space<semaphore_mem>>, %arg10: memref<!tpu.dma_semaphore, #tpu.memory_space<semaphore_mem>>, %arg11: memref<!tpu.dma_semaphore, #tpu.memory_space<semaphore_mem>>, %arg12: memref<!tpu.dma_semaphore, #tpu.memory_space<semaphore_mem>>, %arg13: memref<!tpu.dma_semaphore, #tpu.memory_space<semaphore_mem>>, %arg14: memref<!tpu.dma_semaphore, #tpu.memory_space<semaphore_mem>>, %arg15: memref<!tpu.dma_semaphore, #tpu.memory_space<semaphore_mem>>, %arg16: memref<!tpu.dma_semaphore, #tpu.memory_space<semaphore_mem>>, %arg17: memref<!tpu.dma_semaphore, #tpu.memory_space<semaphore_mem>>, %arg18: memref<!tpu.dma_semaphore, #tpu.memory_space<semaphore_mem>>, %arg19: memref<!tpu.dma_semaphore, #tpu.memory_space<semaphore_mem>>, %arg20: memref<!tpu.dma_semaphore, #tpu.memory_space<semaphore_mem>>, %arg21: memref<!tpu.dma_semaphore, #tpu.memory_space<semaphore_mem>>, %arg22: memref<!tpu.dma_semaphore, #tpu.memory_space<semaphore_mem>>, %arg23: memref<!tpu.dma_semaphore, #tpu.memory_space<semaphore_mem>>) attributes {dimension_semantics = [#tpu.dimension_semantics<core_parallel>, #tpu.dimension_semantics<subcore_parallel>], iteration_bounds = array<i64: 2, 16>, scalar_prefetch = 0 : i64, scratch_operands = 19 : i64, tpu.core_type = #tpu.core_type<sc_vector_subcore>, window_params = [{transform_indices = #map}, {transform_indices = #map1}, {transform_indices = #map2}]} {
    %mul3A = arith.constant 16 : i32
    %mul3A_0 = arith.muli %arg0, %mul3A : i32
    %add3A = arith.addi %mul3A_0, %arg1 : i32
    %mul3A_1 = arith.constant 10000 : i32
    %mul3A_2 = arith.muli %add3A, %mul3A_1 : i32
    %add3A_3 = arith.constant 0 : i32
    %add3A_4 = arith.addi %mul3A_2, %add3A_3 : i32
    %dma_start3A = arith.constant 0 : i32
    %dma_start3A_5 = arith.constant 0 : i32
    %dma_start3A_6 = arith.constant 0 : i32
    %dma_start3A_7 = tpu.memref_slice %arg5[%dma_start3A, %dma_start3A_5, %dma_start3A_6] : memref<8x40x128xf32, #tpu.memory_space<vmem>> -> memref<1x40x128xf32, #tpu.memory_space<vmem>>
    %dma_start3A_8 = tpu.memref_squeeze %dma_start3A_7 : memref<1x40x128xf32, #tpu.memory_space<vmem>> -> memref<40x128xf32, #tpu.memory_space<vmem>>
    %dma_start3A_9 = arith.constant 0 : i32
    %dma_start3A_10 = tpu.memref_slice %arg2[%add3A_4, %dma_start3A_9] : memref<320000x128xf32, #tpu.memory_space<hbm>> -> memref<40x128xf32, #tpu.memory_space<hbm>>
    %dma_start3A_11 = arith.constant 0 : i32
    %dma_start3A_12 = arith.constant 0 : i32
    %dma_start3A_13 = tpu.memref_slice %arg5[%dma_start3A, %dma_start3A_11, %dma_start3A_12] : memref<8x40x128xf32, #tpu.memory_space<vmem>> -> memref<1x40x128xf32, #tpu.memory_space<vmem>>
    %dma_start3A_14 = tpu.memref_squeeze %dma_start3A_13 : memref<1x40x128xf32, #tpu.memory_space<vmem>> -> memref<40x128xf32, #tpu.memory_space<vmem>>
    %dma_start3A_15 = arith.constant 0 : i32
    %dma_start3A_16 = tpu.memref_slice %arg2[%add3A_4, %dma_start3A_15] : memref<320000x128xf32, #tpu.memory_space<hbm>> -> memref<40x128xf32, #tpu.memory_space<hbm>>
    tpu.enqueue_dma source(%dma_start3A_16 : memref<40x128xf32, #tpu.memory_space<hbm>>) target(%dma_start3A_14 : memref<40x128xf32, #tpu.memory_space<vmem>>) target_semaphore(%arg8 : memref<!tpu.dma_semaphore, #tpu.memory_space<semaphore_mem>>)
    %add3A_17 = arith.constant 0 : i32
    %add3A_18 = arith.addi %mul3A_2, %add3A_17 : i32
    %dma_start3A_19 = arith.constant 0 : i32
    %dma_start3A_20 = arith.constant 0 : i32
    %dma_start3A_21 = arith.constant 0 : i32
    %dma_start3A_22 = tpu.memref_slice %arg6[%dma_start3A_19, %dma_start3A_20, %dma_start3A_21] : memref<8x1x40xi32, #tpu.memory_space<vmem>> -> memref<1x1x40xi32, #tpu.memory_space<vmem>>
    %dma_start3A_23 = tpu.memref_squeeze %dma_start3A_22 : memref<1x1x40xi32, #tpu.memory_space<vmem>> -> memref<40xi32, #tpu.memory_space<vmem>>
    %dma_start3A_24 = tpu.memref_slice %arg3[%add3A_18] : memref<320000xi32, #tpu.memory_space<hbm>> -> memref<40xi32, #tpu.memory_space<hbm>>
    %dma_start3A_25 = arith.constant 0 : i32
    %dma_start3A_26 = tpu.memref_slice %arg6[%dma_start3A_19, %dma_start3A_20, %dma_start3A_25] : memref<8x1x40xi32, #tpu.memory_space<vmem>> -> memref<1x1x40xi32, #tpu.memory_space<vmem>>
    %dma_start3A_27 = tpu.memref_squeeze %dma_start3A_26 : memref<1x1x40xi32, #tpu.memory_space<vmem>> -> memref<40xi32, #tpu.memory_space<vmem>>
    %dma_start3A_28 = tpu.memref_slice %arg3[%add3A_18] : memref<320000xi32, #tpu.memory_space<hbm>> -> memref<40xi32, #tpu.memory_space<hbm>>
    tpu.enqueue_dma source(%dma_start3A_28 : memref<40xi32, #tpu.memory_space<hbm>>) target(%dma_start3A_27 : memref<40xi32, #tpu.memory_space<vmem>>) target_semaphore(%arg8 : memref<!tpu.dma_semaphore, #tpu.memory_space<semaphore_mem>>)
    %add3A_29 = arith.constant 40 : i32
    %add3A_30 = arith.addi %mul3A_2, %add3A_29 : i32
    %dma_start3A_31 = arith.constant 1 : i32
    %dma_start3A_32 = arith.constant 0 : i32
    %dma_start3A_33 = arith.constant 0 : i32
    %dma_start3A_34 = tpu.memref_slice %arg5[%dma_start3A_31, %dma_start3A_32, %dma_start3A_33] : memref<8x40x128xf32, #tpu.memory_space<vmem>> -> memref<1x40x128xf32, #tpu.memory_space<vmem>>
    %dma_start3A_35 = tpu.memref_squeeze %dma_start3A_34 : memref<1x40x128xf32, #tpu.memory_space<vmem>> -> memref<40x128xf32, #tpu.memory_space<vmem>>
    %dma_start3A_36 = arith.constant 0 : i32
    %dma_start3A_37 = tpu.memref_slice %arg2[%add3A_30, %dma_start3A_36] : memref<320000x128xf32, #tpu.memory_space<hbm>> -> memref<40x128xf32, #tpu.memory_space<hbm>>
    %dma_start3A_38 = arith.constant 0 : i32
    %dma_start3A_39 = arith.constant 0 : i32
    %dma_start3A_40 = tpu.memref_slice %arg5[%dma_start3A_31, %dma_start3A_38, %dma_start3A_39] : memref<8x40x128xf32, #tpu.memory_space<vmem>> -> memref<1x40x128xf32, #tpu.memory_space<vmem>>
    %dma_start3A_41 = tpu.memref_squeeze %dma_start3A_40 : memref<1x40x128xf32, #tpu.memory_space<vmem>> -> memref<40x128xf32, #tpu.memory_space<vmem>>
    %dma_start3A_42 = arith.constant 0 : i32
    %dma_start3A_43 = tpu.memref_slice %arg2[%add3A_30, %dma_start3A_42] : memref<320000x128xf32, #tpu.memory_space<hbm>> -> memref<40x128xf32, #tpu.memory_space<hbm>>
    tpu.enqueue_dma source(%dma_start3A_43 : memref<40x128xf32, #tpu.memory_space<hbm>>) target(%dma_start3A_41 : memref<40x128xf32, #tpu.memory_space<vmem>>) target_semaphore(%arg9 : memref<!tpu.dma_semaphore, #tpu.memory_space<semaphore_mem>>)
    %add3A_44 = arith.constant 40 : i32
    %add3A_45 = arith.addi %mul3A_2, %add3A_44 : i32
    %dma_start3A_46 = arith.constant 1 : i32
    %dma_start3A_47 = arith.constant 0 : i32
    %dma_start3A_48 = arith.constant 0 : i32
    %dma_start3A_49 = tpu.memref_slice %arg6[%dma_start3A_46, %dma_start3A_47, %dma_start3A_48] : memref<8x1x40xi32, #tpu.memory_space<vmem>> -> memref<1x1x40xi32, #tpu.memory_space<vmem>>
    %dma_start3A_50 = tpu.memref_squeeze %dma_start3A_49 : memref<1x1x40xi32, #tpu.memory_space<vmem>> -> memref<40xi32, #tpu.memory_space<vmem>>
    %dma_start3A_51 = tpu.memref_slice %arg3[%add3A_45] : memref<320000xi32, #tpu.memory_space<hbm>> -> memref<40xi32, #tpu.memory_space<hbm>>
    %dma_start3A_52 = arith.constant 0 : i32
    %dma_start3A_53 = tpu.memref_slice %arg6[%dma_start3A_46, %dma_start3A_47, %dma_start3A_52] : memref<8x1x40xi32, #tpu.memory_space<vmem>> -> memref<1x1x40xi32, #tpu.memory_space<vmem>>
    %dma_start3A_54 = tpu.memref_squeeze %dma_start3A_53 : memref<1x1x40xi32, #tpu.memory_space<vmem>> -> memref<40xi32, #tpu.memory_space<vmem>>
    %dma_start3A_55 = tpu.memref_slice %arg3[%add3A_45] : memref<320000xi32, #tpu.memory_space<hbm>> -> memref<40xi32, #tpu.memory_space<hbm>>
    tpu.enqueue_dma source(%dma_start3A_55 : memref<40xi32, #tpu.memory_space<hbm>>) target(%dma_start3A_54 : memref<40xi32, #tpu.memory_space<vmem>>) target_semaphore(%arg9 : memref<!tpu.dma_semaphore, #tpu.memory_space<semaphore_mem>>)
    %add3A_56 = arith.constant 80 : i32
    %add3A_57 = arith.addi %mul3A_2, %add3A_56 : i32
    %dma_start3A_58 = arith.constant 2 : i32
    %dma_start3A_59 = arith.constant 0 : i32
    %dma_start3A_60 = arith.constant 0 : i32
    %dma_start3A_61 = tpu.memref_slice %arg5[%dma_start3A_58, %dma_start3A_59, %dma_start3A_60] : memref<8x40x128xf32, #tpu.memory_space<vmem>> -> memref<1x40x128xf32, #tpu.memory_space<vmem>>
    %dma_start3A_62 = tpu.memref_squeeze %dma_start3A_61 : memref<1x40x128xf32, #tpu.memory_space<vmem>> -> memref<40x128xf32, #tpu.memory_space<vmem>>
    %dma_start3A_63 = arith.constant 0 : i32
    %dma_start3A_64 = tpu.memref_slice %arg2[%add3A_57, %dma_start3A_63] : memref<320000x128xf32, #tpu.memory_space<hbm>> -> memref<40x128xf32, #tpu.memory_space<hbm>>
    %dma_start3A_65 = arith.constant 0 : i32
    %dma_start3A_66 = arith.constant 0 : i32
    %dma_start3A_67 = tpu.memref_slice %arg5[%dma_start3A_58, %dma_start3A_65, %dma_start3A_66] : memref<8x40x128xf32, #tpu.memory_space<vmem>> -> memref<1x40x128xf32, #tpu.memory_space<vmem>>
    %dma_start3A_68 = tpu.memref_squeeze %dma_start3A_67 : memref<1x40x128xf32, #tpu.memory_space<vmem>> -> memref<40x128xf32, #tpu.memory_space<vmem>>
    %dma_start3A_69 = arith.constant 0 : i32
    %dma_start3A_70 = tpu.memref_slice %arg2[%add3A_57, %dma_start3A_69] : memref<320000x128xf32, #tpu.memory_space<hbm>> -> memref<40x128xf32, #tpu.memory_space<hbm>>
    tpu.enqueue_dma source(%dma_start3A_70 : memref<40x128xf32, #tpu.memory_space<hbm>>) target(%dma_start3A_68 : memref<40x128xf32, #tpu.memory_space<vmem>>) target_semaphore(%arg10 : memref<!tpu.dma_semaphore, #tpu.memory_space<semaphore_mem>>)
    %add3A_71 = arith.constant 80 : i32
    %add3A_72 = arith.addi %mul3A_2, %add3A_71 : i32
    %dma_start3A_73 = arith.constant 2 : i32
    %dma_start3A_74 = arith.constant 0 : i32
    %dma_start3A_75 = arith.constant 0 : i32
    %dma_start3A_76 = tpu.memref_slice %arg6[%dma_start3A_73, %dma_start3A_74, %dma_start3A_75] : memref<8x1x40xi32, #tpu.memory_space<vmem>> -> memref<1x1x40xi32, #tpu.memory_space<vmem>>
    %dma_start3A_77 = tpu.memref_squeeze %dma_start3A_76 : memref<1x1x40xi32, #tpu.memory_space<vmem>> -> memref<40xi32, #tpu.memory_space<vmem>>
    %dma_start3A_78 = tpu.memref_slice %arg3[%add3A_72] : memref<320000xi32, #tpu.memory_space<hbm>> -> memref<40xi32, #tpu.memory_space<hbm>>
    %dma_start3A_79 = arith.constant 0 : i32
    %dma_start3A_80 = tpu.memref_slice %arg6[%dma_start3A_73, %dma_start3A_74, %dma_start3A_79] : memref<8x1x40xi32, #tpu.memory_space<vmem>> -> memref<1x1x40xi32, #tpu.memory_space<vmem>>
    %dma_start3A_81 = tpu.memref_squeeze %dma_start3A_80 : memref<1x1x40xi32, #tpu.memory_space<vmem>> -> memref<40xi32, #tpu.memory_space<vmem>>
    %dma_start3A_82 = tpu.memref_slice %arg3[%add3A_72] : memref<320000xi32, #tpu.memory_space<hbm>> -> memref<40xi32, #tpu.memory_space<hbm>>
    tpu.enqueue_dma source(%dma_start3A_82 : memref<40xi32, #tpu.memory_space<hbm>>) target(%dma_start3A_81 : memref<40xi32, #tpu.memory_space<vmem>>) target_semaphore(%arg10 : memref<!tpu.dma_semaphore, #tpu.memory_space<semaphore_mem>>)
    %add3A_83 = arith.constant 120 : i32
    %add3A_84 = arith.addi %mul3A_2, %add3A_83 : i32
    %dma_start3A_85 = arith.constant 3 : i32
    %dma_start3A_86 = arith.constant 0 : i32
    %dma_start3A_87 = arith.constant 0 : i32
    %dma_start3A_88 = tpu.memref_slice %arg5[%dma_start3A_85, %dma_start3A_86, %dma_start3A_87] : memref<8x40x128xf32, #tpu.memory_space<vmem>> -> memref<1x40x128xf32, #tpu.memory_space<vmem>>
    %dma_start3A_89 = tpu.memref_squeeze %dma_start3A_88 : memref<1x40x128xf32, #tpu.memory_space<vmem>> -> memref<40x128xf32, #tpu.memory_space<vmem>>
    %dma_start3A_90 = arith.constant 0 : i32
    %dma_start3A_91 = tpu.memref_slice %arg2[%add3A_84, %dma_start3A_90] : memref<320000x128xf32, #tpu.memory_space<hbm>> -> memref<40x128xf32, #tpu.memory_space<hbm>>
    %dma_start3A_92 = arith.constant 0 : i32
    %dma_start3A_93 = arith.constant 0 : i32
    %dma_start3A_94 = tpu.memref_slice %arg5[%dma_start3A_85, %dma_start3A_92, %dma_start3A_93] : memref<8x40x128xf32, #tpu.memory_space<vmem>> -> memref<1x40x128xf32, #tpu.memory_space<vmem>>
    %dma_start3A_95 = tpu.memref_squeeze %dma_start3A_94 : memref<1x40x128xf32, #tpu.memory_space<vmem>> -> memref<40x128xf32, #tpu.memory_space<vmem>>
    %dma_start3A_96 = arith.constant 0 : i32
    %dma_start3A_97 = tpu.memref_slice %arg2[%add3A_84, %dma_start3A_96] : memref<320000x128xf32, #tpu.memory_space<hbm>> -> memref<40x128xf32, #tpu.memory_space<hbm>>
    tpu.enqueue_dma source(%dma_start3A_97 : memref<40x128xf32, #tpu.memory_space<hbm>>) target(%dma_start3A_95 : memref<40x128xf32, #tpu.memory_space<vmem>>) target_semaphore(%arg11 : memref<!tpu.dma_semaphore, #tpu.memory_space<semaphore_mem>>)
    %add3A_98 = arith.constant 120 : i32
    %add3A_99 = arith.addi %mul3A_2, %add3A_98 : i32
    %dma_start3A_100 = arith.constant 3 : i32
    %dma_start3A_101 = arith.constant 0 : i32
    %dma_start3A_102 = arith.constant 0 : i32
    %dma_start3A_103 = tpu.memref_slice %arg6[%dma_start3A_100, %dma_start3A_101, %dma_start3A_102] : memref<8x1x40xi32, #tpu.memory_space<vmem>> -> memref<1x1x40xi32, #tpu.memory_space<vmem>>
    %dma_start3A_104 = tpu.memref_squeeze %dma_start3A_103 : memref<1x1x40xi32, #tpu.memory_space<vmem>> -> memref<40xi32, #tpu.memory_space<vmem>>
    %dma_start3A_105 = tpu.memref_slice %arg3[%add3A_99] : memref<320000xi32, #tpu.memory_space<hbm>> -> memref<40xi32, #tpu.memory_space<hbm>>
    %dma_start3A_106 = arith.constant 0 : i32
    %dma_start3A_107 = tpu.memref_slice %arg6[%dma_start3A_100, %dma_start3A_101, %dma_start3A_106] : memref<8x1x40xi32, #tpu.memory_space<vmem>> -> memref<1x1x40xi32, #tpu.memory_space<vmem>>
    %dma_start3A_108 = tpu.memref_squeeze %dma_start3A_107 : memref<1x1x40xi32, #tpu.memory_space<vmem>> -> memref<40xi32, #tpu.memory_space<vmem>>
    %dma_start3A_109 = tpu.memref_slice %arg3[%add3A_99] : memref<320000xi32, #tpu.memory_space<hbm>> -> memref<40xi32, #tpu.memory_space<hbm>>
    tpu.enqueue_dma source(%dma_start3A_109 : memref<40xi32, #tpu.memory_space<hbm>>) target(%dma_start3A_108 : memref<40xi32, #tpu.memory_space<vmem>>) target_semaphore(%arg11 : memref<!tpu.dma_semaphore, #tpu.memory_space<semaphore_mem>>)
    %add3A_110 = arith.constant 160 : i32
    %add3A_111 = arith.addi %mul3A_2, %add3A_110 : i32
    %dma_start3A_112 = arith.constant 4 : i32
    %dma_start3A_113 = arith.constant 0 : i32
    %dma_start3A_114 = arith.constant 0 : i32
    %dma_start3A_115 = tpu.memref_slice %arg5[%dma_start3A_112, %dma_start3A_113, %dma_start3A_114] : memref<8x40x128xf32, #tpu.memory_space<vmem>> -> memref<1x40x128xf32, #tpu.memory_space<vmem>>
    %dma_start3A_116 = tpu.memref_squeeze %dma_start3A_115 : memref<1x40x128xf32, #tpu.memory_space<vmem>> -> memref<40x128xf32, #tpu.memory_space<vmem>>
    %dma_start3A_117 = arith.constant 0 : i32
    %dma_start3A_118 = tpu.memref_slice %arg2[%add3A_111, %dma_start3A_117] : memref<320000x128xf32, #tpu.memory_space<hbm>> -> memref<40x128xf32, #tpu.memory_space<hbm>>
    %dma_start3A_119 = arith.constant 0 : i32
    %dma_start3A_120 = arith.constant 0 : i32
    %dma_start3A_121 = tpu.memref_slice %arg5[%dma_start3A_112, %dma_start3A_119, %dma_start3A_120] : memref<8x40x128xf32, #tpu.memory_space<vmem>> -> memref<1x40x128xf32, #tpu.memory_space<vmem>>
    %dma_start3A_122 = tpu.memref_squeeze %dma_start3A_121 : memref<1x40x128xf32, #tpu.memory_space<vmem>> -> memref<40x128xf32, #tpu.memory_space<vmem>>
    %dma_start3A_123 = arith.constant 0 : i32
    %dma_start3A_124 = tpu.memref_slice %arg2[%add3A_111, %dma_start3A_123] : memref<320000x128xf32, #tpu.memory_space<hbm>> -> memref<40x128xf32, #tpu.memory_space<hbm>>
    tpu.enqueue_dma source(%dma_start3A_124 : memref<40x128xf32, #tpu.memory_space<hbm>>) target(%dma_start3A_122 : memref<40x128xf32, #tpu.memory_space<vmem>>) target_semaphore(%arg12 : memref<!tpu.dma_semaphore, #tpu.memory_space<semaphore_mem>>)
    %add3A_125 = arith.constant 160 : i32
    %add3A_126 = arith.addi %mul3A_2, %add3A_125 : i32
    %dma_start3A_127 = arith.constant 4 : i32
    %dma_start3A_128 = arith.constant 0 : i32
    %dma_start3A_129 = arith.constant 0 : i32
    %dma_start3A_130 = tpu.memref_slice %arg6[%dma_start3A_127, %dma_start3A_128, %dma_start3A_129] : memref<8x1x40xi32, #tpu.memory_space<vmem>> -> memref<1x1x40xi32, #tpu.memory_space<vmem>>
    %dma_start3A_131 = tpu.memref_squeeze %dma_start3A_130 : memref<1x1x40xi32, #tpu.memory_space<vmem>> -> memref<40xi32, #tpu.memory_space<vmem>>
    %dma_start3A_132 = tpu.memref_slice %arg3[%add3A_126] : memref<320000xi32, #tpu.memory_space<hbm>> -> memref<40xi32, #tpu.memory_space<hbm>>
    %dma_start3A_133 = arith.constant 0 : i32
    %dma_start3A_134 = tpu.memref_slice %arg6[%dma_start3A_127, %dma_start3A_128, %dma_start3A_133] : memref<8x1x40xi32, #tpu.memory_space<vmem>> -> memref<1x1x40xi32, #tpu.memory_space<vmem>>
    %dma_start3A_135 = tpu.memref_squeeze %dma_start3A_134 : memref<1x1x40xi32, #tpu.memory_space<vmem>> -> memref<40xi32, #tpu.memory_space<vmem>>
    %dma_start3A_136 = tpu.memref_slice %arg3[%add3A_126] : memref<320000xi32, #tpu.memory_space<hbm>> -> memref<40xi32, #tpu.memory_space<hbm>>
    tpu.enqueue_dma source(%dma_start3A_136 : memref<40xi32, #tpu.memory_space<hbm>>) target(%dma_start3A_135 : memref<40xi32, #tpu.memory_space<vmem>>) target_semaphore(%arg12 : memref<!tpu.dma_semaphore, #tpu.memory_space<semaphore_mem>>)
    %add3A_137 = arith.constant 200 : i32
    %add3A_138 = arith.addi %mul3A_2, %add3A_137 : i32
    %dma_start3A_139 = arith.constant 5 : i32
    %dma_start3A_140 = arith.constant 0 : i32
    %dma_start3A_141 = arith.constant 0 : i32
    %dma_start3A_142 = tpu.memref_slice %arg5[%dma_start3A_139, %dma_start3A_140, %dma_start3A_141] : memref<8x40x128xf32, #tpu.memory_space<vmem>> -> memref<1x40x128xf32, #tpu.memory_space<vmem>>
    %dma_start3A_143 = tpu.memref_squeeze %dma_start3A_142 : memref<1x40x128xf32, #tpu.memory_space<vmem>> -> memref<40x128xf32, #tpu.memory_space<vmem>>
    %dma_start3A_144 = arith.constant 0 : i32
    %dma_start3A_145 = tpu.memref_slice %arg2[%add3A_138, %dma_start3A_144] : memref<320000x128xf32, #tpu.memory_space<hbm>> -> memref<40x128xf32, #tpu.memory_space<hbm>>
    %dma_start3A_146 = arith.constant 0 : i32
    %dma_start3A_147 = arith.constant 0 : i32
    %dma_start3A_148 = tpu.memref_slice %arg5[%dma_start3A_139, %dma_start3A_146, %dma_start3A_147] : memref<8x40x128xf32, #tpu.memory_space<vmem>> -> memref<1x40x128xf32, #tpu.memory_space<vmem>>
    %dma_start3A_149 = tpu.memref_squeeze %dma_start3A_148 : memref<1x40x128xf32, #tpu.memory_space<vmem>> -> memref<40x128xf32, #tpu.memory_space<vmem>>
    %dma_start3A_150 = arith.constant 0 : i32
    %dma_start3A_151 = tpu.memref_slice %arg2[%add3A_138, %dma_start3A_150] : memref<320000x128xf32, #tpu.memory_space<hbm>> -> memref<40x128xf32, #tpu.memory_space<hbm>>
    tpu.enqueue_dma source(%dma_start3A_151 : memref<40x128xf32, #tpu.memory_space<hbm>>) target(%dma_start3A_149 : memref<40x128xf32, #tpu.memory_space<vmem>>) target_semaphore(%arg13 : memref<!tpu.dma_semaphore, #tpu.memory_space<semaphore_mem>>)
    %add3A_152 = arith.constant 200 : i32
    %add3A_153 = arith.addi %mul3A_2, %add3A_152 : i32
    %dma_start3A_154 = arith.constant 5 : i32
    %dma_start3A_155 = arith.constant 0 : i32
    %dma_start3A_156 = arith.constant 0 : i32
    %dma_start3A_157 = tpu.memref_slice %arg6[%dma_start3A_154, %dma_start3A_155, %dma_start3A_156] : memref<8x1x40xi32, #tpu.memory_space<vmem>> -> memref<1x1x40xi32, #tpu.memory_space<vmem>>
    %dma_start3A_158 = tpu.memref_squeeze %dma_start3A_157 : memref<1x1x40xi32, #tpu.memory_space<vmem>> -> memref<40xi32, #tpu.memory_space<vmem>>
    %dma_start3A_159 = tpu.memref_slice %arg3[%add3A_153] : memref<320000xi32, #tpu.memory_space<hbm>> -> memref<40xi32, #tpu.memory_space<hbm>>
    %dma_start3A_160 = arith.constant 0 : i32
    %dma_start3A_161 = tpu.memref_slice %arg6[%dma_start3A_154, %dma_start3A_155, %dma_start3A_160] : memref<8x1x40xi32, #tpu.memory_space<vmem>> -> memref<1x1x40xi32, #tpu.memory_space<vmem>>
    %dma_start3A_162 = tpu.memref_squeeze %dma_start3A_161 : memref<1x1x40xi32, #tpu.memory_space<vmem>> -> memref<40xi32, #tpu.memory_space<vmem>>
    %dma_start3A_163 = tpu.memref_slice %arg3[%add3A_153] : memref<320000xi32, #tpu.memory_space<hbm>> -> memref<40xi32, #tpu.memory_space<hbm>>
    tpu.enqueue_dma source(%dma_start3A_163 : memref<40xi32, #tpu.memory_space<hbm>>) target(%dma_start3A_162 : memref<40xi32, #tpu.memory_space<vmem>>) target_semaphore(%arg13 : memref<!tpu.dma_semaphore, #tpu.memory_space<semaphore_mem>>)
    %add3A_164 = arith.constant 240 : i32
    %add3A_165 = arith.addi %mul3A_2, %add3A_164 : i32
    %dma_start3A_166 = arith.constant 6 : i32
    %dma_start3A_167 = arith.constant 0 : i32
    %dma_start3A_168 = arith.constant 0 : i32
    %dma_start3A_169 = tpu.memref_slice %arg5[%dma_start3A_166, %dma_start3A_167, %dma_start3A_168] : memref<8x40x128xf32, #tpu.memory_space<vmem>> -> memref<1x40x128xf32, #tpu.memory_space<vmem>>
    %dma_start3A_170 = tpu.memref_squeeze %dma_start3A_169 : memref<1x40x128xf32, #tpu.memory_space<vmem>> -> memref<40x128xf32, #tpu.memory_space<vmem>>
    %dma_start3A_171 = arith.constant 0 : i32
    %dma_start3A_172 = tpu.memref_slice %arg2[%add3A_165, %dma_start3A_171] : memref<320000x128xf32, #tpu.memory_space<hbm>> -> memref<40x128xf32, #tpu.memory_space<hbm>>
    %dma_start3A_173 = arith.constant 0 : i32
    %dma_start3A_174 = arith.constant 0 : i32
    %dma_start3A_175 = tpu.memref_slice %arg5[%dma_start3A_166, %dma_start3A_173, %dma_start3A_174] : memref<8x40x128xf32, #tpu.memory_space<vmem>> -> memref<1x40x128xf32, #tpu.memory_space<vmem>>
    %dma_start3A_176 = tpu.memref_squeeze %dma_start3A_175 : memref<1x40x128xf32, #tpu.memory_space<vmem>> -> memref<40x128xf32, #tpu.memory_space<vmem>>
    %dma_start3A_177 = arith.constant 0 : i32
    %dma_start3A_178 = tpu.memref_slice %arg2[%add3A_165, %dma_start3A_177] : memref<320000x128xf32, #tpu.memory_space<hbm>> -> memref<40x128xf32, #tpu.memory_space<hbm>>
    tpu.enqueue_dma source(%dma_start3A_178 : memref<40x128xf32, #tpu.memory_space<hbm>>) target(%dma_start3A_176 : memref<40x128xf32, #tpu.memory_space<vmem>>) target_semaphore(%arg14 : memref<!tpu.dma_semaphore, #tpu.memory_space<semaphore_mem>>)
    %add3A_179 = arith.constant 240 : i32
    %add3A_180 = arith.addi %mul3A_2, %add3A_179 : i32
    %dma_start3A_181 = arith.constant 6 : i32
    %dma_start3A_182 = arith.constant 0 : i32
    %dma_start3A_183 = arith.constant 0 : i32
    %dma_start3A_184 = tpu.memref_slice %arg6[%dma_start3A_181, %dma_start3A_182, %dma_start3A_183] : memref<8x1x40xi32, #tpu.memory_space<vmem>> -> memref<1x1x40xi32, #tpu.memory_space<vmem>>
    %dma_start3A_185 = tpu.memref_squeeze %dma_start3A_184 : memref<1x1x40xi32, #tpu.memory_space<vmem>> -> memref<40xi32, #tpu.memory_space<vmem>>
    %dma_start3A_186 = tpu.memref_slice %arg3[%add3A_180] : memref<320000xi32, #tpu.memory_space<hbm>> -> memref<40xi32, #tpu.memory_space<hbm>>
    %dma_start3A_187 = arith.constant 0 : i32
    %dma_start3A_188 = tpu.memref_slice %arg6[%dma_start3A_181, %dma_start3A_182, %dma_start3A_187] : memref<8x1x40xi32, #tpu.memory_space<vmem>> -> memref<1x1x40xi32, #tpu.memory_space<vmem>>
    %dma_start3A_189 = tpu.memref_squeeze %dma_start3A_188 : memref<1x1x40xi32, #tpu.memory_space<vmem>> -> memref<40xi32, #tpu.memory_space<vmem>>
    %dma_start3A_190 = tpu.memref_slice %arg3[%add3A_180] : memref<320000xi32, #tpu.memory_space<hbm>> -> memref<40xi32, #tpu.memory_space<hbm>>
    tpu.enqueue_dma source(%dma_start3A_190 : memref<40xi32, #tpu.memory_space<hbm>>) target(%dma_start3A_189 : memref<40xi32, #tpu.memory_space<vmem>>) target_semaphore(%arg14 : memref<!tpu.dma_semaphore, #tpu.memory_space<semaphore_mem>>)
    %broadcast_in_dim3A = arith.constant 0.000000e+00 : f32
    %broadcast_in_dim3A_191 = vector.broadcast %broadcast_in_dim3A : f32 to vector<16xf32>
    %scan3A = arith.constant 0 : i32
    %scan3A_192 = arith.constant 0 : i32
    %scan3A_193 = arith.constant 40 : i32
    %scan3A_194 = arith.addi %scan3A_192, %scan3A_193 : i32
    %scan3A_195 = arith.constant 1 : i32
    %scan3A_196 = scf.for %scan3A_806 = %scan3A_192 to %scan3A_194 step %scan3A_195 iter_args(%scan3A_807 = %scan3A) -> (i32)  : i32 {
      %swap3A = arith.constant 7 : i32
      %swap3A_808 = arith.index_cast %swap3A : i32 to index
      %swap3A_809 = arith.index_cast %scan3A_806 : i32 to index
      %swap3A_810 = arith.constant 0 : index
      %swap3A_811 = tpu.vector_load %arg5[%swap3A_808, %swap3A_809, %swap3A_810] {strides = array<i32>} : memref<8x40x128xf32, #tpu.memory_space<vmem>>, vector<1x1x16xf32>,
      %swap3A_812 = vector.shape_cast %swap3A_811 : vector<1x1x16xf32> to vector<16xf32>
      %swap3A_813 = vector.shape_cast %broadcast_in_dim3A_191 : vector<16xf32> to vector<1x1x16xf32>
      tpu.vector_store %arg5[%swap3A_808, %swap3A_809, %swap3A_810], %swap3A_813 {strides = array<i32>} : memref<8x40x128xf32, #tpu.memory_space<vmem>>, vector<1x1x16xf32>,
      %swap3A_814 = arith.constant 7 : i32
      %swap3A_815 = arith.index_cast %swap3A_814 : i32 to index
      %swap3A_816 = arith.index_cast %scan3A_806 : i32 to index
      %swap3A_817 = arith.constant 16 : index
      %swap3A_818 = tpu.vector_load %arg5[%swap3A_815, %swap3A_816, %swap3A_817] {strides = array<i32>} : memref<8x40x128xf32, #tpu.memory_space<vmem>>, vector<1x1x16xf32>,
      %swap3A_819 = vector.shape_cast %swap3A_818 : vector<1x1x16xf32> to vector<16xf32>
      %swap3A_820 = vector.shape_cast %broadcast_in_dim3A_191 : vector<16xf32> to vector<1x1x16xf32>
      tpu.vector_store %arg5[%swap3A_815, %swap3A_816, %swap3A_817], %swap3A_820 {strides = array<i32>} : memref<8x40x128xf32, #tpu.memory_space<vmem>>, vector<1x1x16xf32>,
      %swap3A_821 = arith.constant 7 : i32
      %swap3A_822 = arith.index_cast %swap3A_821 : i32 to index
      %swap3A_823 = arith.index_cast %scan3A_806 : i32 to index
      %swap3A_824 = arith.constant 32 : index
      %swap3A_825 = tpu.vector_load %arg5[%swap3A_822, %swap3A_823, %swap3A_824] {strides = array<i32>} : memref<8x40x128xf32, #tpu.memory_space<vmem>>, vector<1x1x16xf32>,
      %swap3A_826 = vector.shape_cast %swap3A_825 : vector<1x1x16xf32> to vector<16xf32>
      %swap3A_827 = vector.shape_cast %broadcast_in_dim3A_191 : vector<16xf32> to vector<1x1x16xf32>
      tpu.vector_store %arg5[%swap3A_822, %swap3A_823, %swap3A_824], %swap3A_827 {strides = array<i32>} : memref<8x40x128xf32, #tpu.memory_space<vmem>>, vector<1x1x16xf32>,
      %swap3A_828 = arith.constant 7 : i32
      %swap3A_829 = arith.index_cast %swap3A_828 : i32 to index
      %swap3A_830 = arith.index_cast %scan3A_806 : i32 to index
      %swap3A_831 = arith.constant 48 : index
      %swap3A_832 = tpu.vector_load %arg5[%swap3A_829, %swap3A_830, %swap3A_831] {strides = array<i32>} : memref<8x40x128xf32, #tpu.memory_space<vmem>>, vector<1x1x16xf32>,
      %swap3A_833 = vector.shape_cast %swap3A_832 : vector<1x1x16xf32> to vector<16xf32>
      %swap3A_834 = vector.shape_cast %broadcast_in_dim3A_191 : vector<16xf32> to vector<1x1x16xf32>
      tpu.vector_store %arg5[%swap3A_829, %swap3A_830, %swap3A_831], %swap3A_834 {strides = array<i32>} : memref<8x40x128xf32, #tpu.memory_space<vmem>>, vector<1x1x16xf32>,
      %swap3A_835 = arith.constant 7 : i32
      %swap3A_836 = arith.index_cast %swap3A_835 : i32 to index
      %swap3A_837 = arith.index_cast %scan3A_806 : i32 to index
      %swap3A_838 = arith.constant 64 : index
      %swap3A_839 = tpu.vector_load %arg5[%swap3A_836, %swap3A_837, %swap3A_838] {strides = array<i32>} : memref<8x40x128xf32, #tpu.memory_space<vmem>>, vector<1x1x16xf32>,
      %swap3A_840 = vector.shape_cast %swap3A_839 : vector<1x1x16xf32> to vector<16xf32>
      %swap3A_841 = vector.shape_cast %broadcast_in_dim3A_191 : vector<16xf32> to vector<1x1x16xf32>
      tpu.vector_store %arg5[%swap3A_836, %swap3A_837, %swap3A_838], %swap3A_841 {strides = array<i32>} : memref<8x40x128xf32, #tpu.memory_space<vmem>>, vector<1x1x16xf32>,
      %swap3A_842 = arith.constant 7 : i32
      %swap3A_843 = arith.index_cast %swap3A_842 : i32 to index
      %swap3A_844 = arith.index_cast %scan3A_806 : i32 to index
      %swap3A_845 = arith.constant 80 : index
      %swap3A_846 = tpu.vector_load %arg5[%swap3A_843, %swap3A_844, %swap3A_845] {strides = array<i32>} : memref<8x40x128xf32, #tpu.memory_space<vmem>>, vector<1x1x16xf32>,
      %swap3A_847 = vector.shape_cast %swap3A_846 : vector<1x1x16xf32> to vector<16xf32>
      %swap3A_848 = vector.shape_cast %broadcast_in_dim3A_191 : vector<16xf32> to vector<1x1x16xf32>
      tpu.vector_store %arg5[%swap3A_843, %swap3A_844, %swap3A_845], %swap3A_848 {strides = array<i32>} : memref<8x40x128xf32, #tpu.memory_space<vmem>>, vector<1x1x16xf32>,
      %swap3A_849 = arith.constant 7 : i32
      %swap3A_850 = arith.index_cast %swap3A_849 : i32 to index
      %swap3A_851 = arith.index_cast %scan3A_806 : i32 to index
      %swap3A_852 = arith.constant 96 : index
      %swap3A_853 = tpu.vector_load %arg5[%swap3A_850, %swap3A_851, %swap3A_852] {strides = array<i32>} : memref<8x40x128xf32, #tpu.memory_space<vmem>>, vector<1x1x16xf32>,
      %swap3A_854 = vector.shape_cast %swap3A_853 : vector<1x1x16xf32> to vector<16xf32>
      %swap3A_855 = vector.shape_cast %broadcast_in_dim3A_191 : vector<16xf32> to vector<1x1x16xf32>
      tpu.vector_store %arg5[%swap3A_850, %swap3A_851, %swap3A_852], %swap3A_855 {strides = array<i32>} : memref<8x40x128xf32, #tpu.memory_space<vmem>>, vector<1x1x16xf32>,
      %swap3A_856 = arith.constant 7 : i32
      %swap3A_857 = arith.index_cast %swap3A_856 : i32 to index
      %swap3A_858 = arith.index_cast %scan3A_806 : i32 to index
      %swap3A_859 = arith.constant 112 : index
      %swap3A_860 = tpu.vector_load %arg5[%swap3A_857, %swap3A_858, %swap3A_859] {strides = array<i32>} : memref<8x40x128xf32, #tpu.memory_space<vmem>>, vector<1x1x16xf32>,
      %swap3A_861 = vector.shape_cast %swap3A_860 : vector<1x1x16xf32> to vector<16xf32>
      %swap3A_862 = vector.shape_cast %broadcast_in_dim3A_191 : vector<16xf32> to vector<1x1x16xf32>
      tpu.vector_store %arg5[%swap3A_857, %swap3A_858, %swap3A_859], %swap3A_862 {strides = array<i32>} : memref<8x40x128xf32, #tpu.memory_space<vmem>>, vector<1x1x16xf32>,
      %scan3A_863 = arith.constant 0 : i32
      scf.yield %scan3A_863 : i32
    }
    %scan3A_197 = arith.constant 40 : i32
    %mul3A_198 = arith.constant 640 : i32
    %mul3A_199 = arith.muli %arg1, %mul3A_198 : i32
    %add3A_200 = arith.constant 0 : i32
    %add3A_201 = arith.addi %mul3A_199, %add3A_200 : i32
    %dma_start3A_202 = arith.constant 7 : i32
    %dma_start3A_203 = arith.constant 0 : i32
    %dma_start3A_204 = arith.constant 0 : i32
    %dma_start3A_205 = tpu.memref_slice %arg5[%dma_start3A_202, %dma_start3A_203, %dma_start3A_204] : memref<8x40x128xf32, #tpu.memory_space<vmem>> -> memref<1x40x128xf32, #tpu.memory_space<vmem>>
    %dma_start3A_206 = tpu.memref_squeeze %dma_start3A_205 : memref<1x40x128xf32, #tpu.memory_space<vmem>> -> memref<40x128xf32, #tpu.memory_space<vmem>>
    %dma_start3A_207 = arith.constant 0 : i32
    %dma_start3A_208 = tpu.memref_slice %arg7[%add3A_201, %dma_start3A_207] : memref<10240x128xf32, #tpu.memory_space<vmem_shared>> -> memref<40x128xf32, #tpu.memory_space<vmem_shared>>
    %dma_start3A_209 = arith.constant 0 : i32
    %dma_start3A_210 = tpu.memref_slice %arg7[%add3A_201, %dma_start3A_209] : memref<10240x128xf32, #tpu.memory_space<vmem_shared>> -> memref<40x128xf32, #tpu.memory_space<vmem_shared>>
    %dma_start3A_211 = arith.constant 0 : i32
    %dma_start3A_212 = arith.constant 0 : i32
    %dma_start3A_213 = tpu.memref_slice %arg5[%dma_start3A_202, %dma_start3A_211, %dma_start3A_212] : memref<8x40x128xf32, #tpu.memory_space<vmem>> -> memref<1x40x128xf32, #tpu.memory_space<vmem>>
    %dma_start3A_214 = tpu.memref_squeeze %dma_start3A_213 : memref<1x40x128xf32, #tpu.memory_space<vmem>> -> memref<40x128xf32, #tpu.memory_space<vmem>>
    tpu.enqueue_dma source(%dma_start3A_214 : memref<40x128xf32, #tpu.memory_space<vmem>>) target(%dma_start3A_210 : memref<40x128xf32, #tpu.memory_space<vmem_shared>>) target_semaphore(%arg23 : memref<!tpu.dma_semaphore, #tpu.memory_space<semaphore_mem>>)
    %add3A_215 = arith.constant 40 : i32
    %add3A_216 = arith.addi %mul3A_199, %add3A_215 : i32
    %dma_start3A_217 = arith.constant 7 : i32
    %dma_start3A_218 = arith.constant 0 : i32
    %dma_start3A_219 = arith.constant 0 : i32
    %dma_start3A_220 = tpu.memref_slice %arg5[%dma_start3A_217, %dma_start3A_218, %dma_start3A_219] : memref<8x40x128xf32, #tpu.memory_space<vmem>> -> memref<1x40x128xf32, #tpu.memory_space<vmem>>
    %dma_start3A_221 = tpu.memref_squeeze %dma_start3A_220 : memref<1x40x128xf32, #tpu.memory_space<vmem>> -> memref<40x128xf32, #tpu.memory_space<vmem>>
    %dma_start3A_222 = arith.constant 0 : i32
    %dma_start3A_223 = tpu.memref_slice %arg7[%add3A_216, %dma_start3A_222] : memref<10240x128xf32, #tpu.memory_space<vmem_shared>> -> memref<40x128xf32, #tpu.memory_space<vmem_shared>>
    %dma_start3A_224 = arith.constant 0 : i32
    %dma_start3A_225 = tpu.memref_slice %arg7[%add3A_216, %dma_start3A_224] : memref<10240x128xf32, #tpu.memory_space<vmem_shared>> -> memref<40x128xf32, #tpu.memory_space<vmem_shared>>
    %dma_start3A_226 = arith.constant 0 : i32
    %dma_start3A_227 = arith.constant 0 : i32
    %dma_start3A_228 = tpu.memref_slice %arg5[%dma_start3A_217, %dma_start3A_226, %dma_start3A_227] : memref<8x40x128xf32, #tpu.memory_space<vmem>> -> memref<1x40x128xf32, #tpu.memory_space<vmem>>
    %dma_start3A_229 = tpu.memref_squeeze %dma_start3A_228 : memref<1x40x128xf32, #tpu.memory_space<vmem>> -> memref<40x128xf32, #tpu.memory_space<vmem>>
    tpu.enqueue_dma source(%dma_start3A_229 : memref<40x128xf32, #tpu.memory_space<vmem>>) target(%dma_start3A_225 : memref<40x128xf32, #tpu.memory_space<vmem_shared>>) target_semaphore(%arg23 : memref<!tpu.dma_semaphore, #tpu.memory_space<semaphore_mem>>)
    %add3A_230 = arith.constant 80 : i32
    %add3A_231 = arith.addi %mul3A_199, %add3A_230 : i32
    %dma_start3A_232 = arith.constant 7 : i32
    %dma_start3A_233 = arith.constant 0 : i32
    %dma_start3A_234 = arith.constant 0 : i32
    %dma_start3A_235 = tpu.memref_slice %arg5[%dma_start3A_232, %dma_start3A_233, %dma_start3A_234] : memref<8x40x128xf32, #tpu.memory_space<vmem>> -> memref<1x40x128xf32, #tpu.memory_space<vmem>>
    %dma_start3A_236 = tpu.memref_squeeze %dma_start3A_235 : memref<1x40x128xf32, #tpu.memory_space<vmem>> -> memref<40x128xf32, #tpu.memory_space<vmem>>
    %dma_start3A_237 = arith.constant 0 : i32
    %dma_start3A_238 = tpu.memref_slice %arg7[%add3A_231, %dma_start3A_237] : memref<10240x128xf32, #tpu.memory_space<vmem_shared>> -> memref<40x128xf32, #tpu.memory_space<vmem_shared>>
    %dma_start3A_239 = arith.constant 0 : i32
    %dma_start3A_240 = tpu.memref_slice %arg7[%add3A_231, %dma_start3A_239] : memref<10240x128xf32, #tpu.memory_space<vmem_shared>> -> memref<40x128xf32, #tpu.memory_space<vmem_shared>>
    %dma_start3A_241 = arith.constant 0 : i32
    %dma_start3A_242 = arith.constant 0 : i32
    %dma_start3A_243 = tpu.memref_slice %arg5[%dma_start3A_232, %dma_start3A_241, %dma_start3A_242] : memref<8x40x128xf32, #tpu.memory_space<vmem>> -> memref<1x40x128xf32, #tpu.memory_space<vmem>>
    %dma_start3A_244 = tpu.memref_squeeze %dma_start3A_243 : memref<1x40x128xf32, #tpu.memory_space<vmem>> -> memref<40x128xf32, #tpu.memory_space<vmem>>
    tpu.enqueue_dma source(%dma_start3A_244 : memref<40x128xf32, #tpu.memory_space<vmem>>) target(%dma_start3A_240 : memref<40x128xf32, #tpu.memory_space<vmem_shared>>) target_semaphore(%arg23 : memref<!tpu.dma_semaphore, #tpu.memory_space<semaphore_mem>>)
    %add3A_245 = arith.constant 120 : i32
    %add3A_246 = arith.addi %mul3A_199, %add3A_245 : i32
    %dma_start3A_247 = arith.constant 7 : i32
    %dma_start3A_248 = arith.constant 0 : i32
    %dma_start3A_249 = arith.constant 0 : i32
    %dma_start3A_250 = tpu.memref_slice %arg5[%dma_start3A_247, %dma_start3A_248, %dma_start3A_249] : memref<8x40x128xf32, #tpu.memory_space<vmem>> -> memref<1x40x128xf32, #tpu.memory_space<vmem>>
    %dma_start3A_251 = tpu.memref_squeeze %dma_start3A_250 : memref<1x40x128xf32, #tpu.memory_space<vmem>> -> memref<40x128xf32, #tpu.memory_space<vmem>>
    %dma_start3A_252 = arith.constant 0 : i32
    %dma_start3A_253 = tpu.memref_slice %arg7[%add3A_246, %dma_start3A_252] : memref<10240x128xf32, #tpu.memory_space<vmem_shared>> -> memref<40x128xf32, #tpu.memory_space<vmem_shared>>
    %dma_start3A_254 = arith.constant 0 : i32
    %dma_start3A_255 = tpu.memref_slice %arg7[%add3A_246, %dma_start3A_254] : memref<10240x128xf32, #tpu.memory_space<vmem_shared>> -> memref<40x128xf32, #tpu.memory_space<vmem_shared>>
    %dma_start3A_256 = arith.constant 0 : i32
    %dma_start3A_257 = arith.constant 0 : i32
    %dma_start3A_258 = tpu.memref_slice %arg5[%dma_start3A_247, %dma_start3A_256, %dma_start3A_257] : memref<8x40x128xf32, #tpu.memory_space<vmem>> -> memref<1x40x128xf32, #tpu.memory_space<vmem>>
    %dma_start3A_259 = tpu.memref_squeeze %dma_start3A_258 : memref<1x40x128xf32, #tpu.memory_space<vmem>> -> memref<40x128xf32, #tpu.memory_space<vmem>>
    tpu.enqueue_dma source(%dma_start3A_259 : memref<40x128xf32, #tpu.memory_space<vmem>>) target(%dma_start3A_255 : memref<40x128xf32, #tpu.memory_space<vmem_shared>>) target_semaphore(%arg23 : memref<!tpu.dma_semaphore, #tpu.memory_space<semaphore_mem>>)
    %add3A_260 = arith.constant 160 : i32
    %add3A_261 = arith.addi %mul3A_199, %add3A_260 : i32
    %dma_start3A_262 = arith.constant 7 : i32
    %dma_start3A_263 = arith.constant 0 : i32
    %dma_start3A_264 = arith.constant 0 : i32
    %dma_start3A_265 = tpu.memref_slice %arg5[%dma_start3A_262, %dma_start3A_263, %dma_start3A_264] : memref<8x40x128xf32, #tpu.memory_space<vmem>> -> memref<1x40x128xf32, #tpu.memory_space<vmem>>
    %dma_start3A_266 = tpu.memref_squeeze %dma_start3A_265 : memref<1x40x128xf32, #tpu.memory_space<vmem>> -> memref<40x128xf32, #tpu.memory_space<vmem>>
    %dma_start3A_267 = arith.constant 0 : i32
    %dma_start3A_268 = tpu.memref_slice %arg7[%add3A_261, %dma_start3A_267] : memref<10240x128xf32, #tpu.memory_space<vmem_shared>> -> memref<40x128xf32, #tpu.memory_space<vmem_shared>>
    %dma_start3A_269 = arith.constant 0 : i32
    %dma_start3A_270 = tpu.memref_slice %arg7[%add3A_261, %dma_start3A_269] : memref<10240x128xf32, #tpu.memory_space<vmem_shared>> -> memref<40x128xf32, #tpu.memory_space<vmem_shared>>
    %dma_start3A_271 = arith.constant 0 : i32
    %dma_start3A_272 = arith.constant 0 : i32
    %dma_start3A_273 = tpu.memref_slice %arg5[%dma_start3A_262, %dma_start3A_271, %dma_start3A_272] : memref<8x40x128xf32, #tpu.memory_space<vmem>> -> memref<1x40x128xf32, #tpu.memory_space<vmem>>
    %dma_start3A_274 = tpu.memref_squeeze %dma_start3A_273 : memref<1x40x128xf32, #tpu.memory_space<vmem>> -> memref<40x128xf32, #tpu.memory_space<vmem>>
    tpu.enqueue_dma source(%dma_start3A_274 : memref<40x128xf32, #tpu.memory_space<vmem>>) target(%dma_start3A_270 : memref<40x128xf32, #tpu.memory_space<vmem_shared>>) target_semaphore(%arg23 : memref<!tpu.dma_semaphore, #tpu.memory_space<semaphore_mem>>)
    %add3A_275 = arith.constant 200 : i32
    %add3A_276 = arith.addi %mul3A_199, %add3A_275 : i32
    %dma_start3A_277 = arith.constant 7 : i32
    %dma_start3A_278 = arith.constant 0 : i32
    %dma_start3A_279 = arith.constant 0 : i32
    %dma_start3A_280 = tpu.memref_slice %arg5[%dma_start3A_277, %dma_start3A_278, %dma_start3A_279] : memref<8x40x128xf32, #tpu.memory_space<vmem>> -> memref<1x40x128xf32, #tpu.memory_space<vmem>>
    %dma_start3A_281 = tpu.memref_squeeze %dma_start3A_280 : memref<1x40x128xf32, #tpu.memory_space<vmem>> -> memref<40x128xf32, #tpu.memory_space<vmem>>
    %dma_start3A_282 = arith.constant 0 : i32
    %dma_start3A_283 = tpu.memref_slice %arg7[%add3A_276, %dma_start3A_282] : memref<10240x128xf32, #tpu.memory_space<vmem_shared>> -> memref<40x128xf32, #tpu.memory_space<vmem_shared>>
    %dma_start3A_284 = arith.constant 0 : i32
    %dma_start3A_285 = tpu.memref_slice %arg7[%add3A_276, %dma_start3A_284] : memref<10240x128xf32, #tpu.memory_space<vmem_shared>> -> memref<40x128xf32, #tpu.memory_space<vmem_shared>>
    %dma_start3A_286 = arith.constant 0 : i32
    %dma_start3A_287 = arith.constant 0 : i32
    %dma_start3A_288 = tpu.memref_slice %arg5[%dma_start3A_277, %dma_start3A_286, %dma_start3A_287] : memref<8x40x128xf32, #tpu.memory_space<vmem>> -> memref<1x40x128xf32, #tpu.memory_space<vmem>>
    %dma_start3A_289 = tpu.memref_squeeze %dma_start3A_288 : memref<1x40x128xf32, #tpu.memory_space<vmem>> -> memref<40x128xf32, #tpu.memory_space<vmem>>
    tpu.enqueue_dma source(%dma_start3A_289 : memref<40x128xf32, #tpu.memory_space<vmem>>) target(%dma_start3A_285 : memref<40x128xf32, #tpu.memory_space<vmem_shared>>) target_semaphore(%arg23 : memref<!tpu.dma_semaphore, #tpu.memory_space<semaphore_mem>>)
    %add3A_290 = arith.constant 240 : i32
    %add3A_291 = arith.addi %mul3A_199, %add3A_290 : i32
    %dma_start3A_292 = arith.constant 7 : i32
    %dma_start3A_293 = arith.constant 0 : i32
    %dma_start3A_294 = arith.constant 0 : i32
    %dma_start3A_295 = tpu.memref_slice %arg5[%dma_start3A_292, %dma_start3A_293, %dma_start3A_294] : memref<8x40x128xf32, #tpu.memory_space<vmem>> -> memref<1x40x128xf32, #tpu.memory_space<vmem>>
    %dma_start3A_296 = tpu.memref_squeeze %dma_start3A_295 : memref<1x40x128xf32, #tpu.memory_space<vmem>> -> memref<40x128xf32, #tpu.memory_space<vmem>>
    %dma_start3A_297 = arith.constant 0 : i32
    %dma_start3A_298 = tpu.memref_slice %arg7[%add3A_291, %dma_start3A_297] : memref<10240x128xf32, #tpu.memory_space<vmem_shared>> -> memref<40x128xf32, #tpu.memory_space<vmem_shared>>
    %dma_start3A_299 = arith.constant 0 : i32
    %dma_start3A_300 = tpu.memref_slice %arg7[%add3A_291, %dma_start3A_299] : memref<10240x128xf32, #tpu.memory_space<vmem_shared>> -> memref<40x128xf32, #tpu.memory_space<vmem_shared>>
    %dma_start3A_301 = arith.constant 0 : i32
    %dma_start3A_302 = arith.constant 0 : i32
    %dma_start3A_303 = tpu.memref_slice %arg5[%dma_start3A_292, %dma_start3A_301, %dma_start3A_302] : memref<8x40x128xf32, #tpu.memory_space<vmem>> -> memref<1x40x128xf32, #tpu.memory_space<vmem>>
    %dma_start3A_304 = tpu.memref_squeeze %dma_start3A_303 : memref<1x40x128xf32, #tpu.memory_space<vmem>> -> memref<40x128xf32, #tpu.memory_space<vmem>>
    tpu.enqueue_dma source(%dma_start3A_304 : memref<40x128xf32, #tpu.memory_space<vmem>>) target(%dma_start3A_300 : memref<40x128xf32, #tpu.memory_space<vmem_shared>>) target_semaphore(%arg23 : memref<!tpu.dma_semaphore, #tpu.memory_space<semaphore_mem>>)
    %add3A_305 = arith.constant 280 : i32
    %add3A_306 = arith.addi %mul3A_199, %add3A_305 : i32
    %dma_start3A_307 = arith.constant 7 : i32
    %dma_start3A_308 = arith.constant 0 : i32
    %dma_start3A_309 = arith.constant 0 : i32
    %dma_start3A_310 = tpu.memref_slice %arg5[%dma_start3A_307, %dma_start3A_308, %dma_start3A_309] : memref<8x40x128xf32, #tpu.memory_space<vmem>> -> memref<1x40x128xf32, #tpu.memory_space<vmem>>
    %dma_start3A_311 = tpu.memref_squeeze %dma_start3A_310 : memref<1x40x128xf32, #tpu.memory_space<vmem>> -> memref<40x128xf32, #tpu.memory_space<vmem>>
    %dma_start3A_312 = arith.constant 0 : i32
    %dma_start3A_313 = tpu.memref_slice %arg7[%add3A_306, %dma_start3A_312] : memref<10240x128xf32, #tpu.memory_space<vmem_shared>> -> memref<40x128xf32, #tpu.memory_space<vmem_shared>>
    %dma_start3A_314 = arith.constant 0 : i32
    %dma_start3A_315 = tpu.memref_slice %arg7[%add3A_306, %dma_start3A_314] : memref<10240x128xf32, #tpu.memory_space<vmem_shared>> -> memref<40x128xf32, #tpu.memory_space<vmem_shared>>
    %dma_start3A_316 = arith.constant 0 : i32
    %dma_start3A_317 = arith.constant 0 : i32
    %dma_start3A_318 = tpu.memref_slice %arg5[%dma_start3A_307, %dma_start3A_316, %dma_start3A_317] : memref<8x40x128xf32, #tpu.memory_space<vmem>> -> memref<1x40x128xf32, #tpu.memory_space<vmem>>
    %dma_start3A_319 = tpu.memref_squeeze %dma_start3A_318 : memref<1x40x128xf32, #tpu.memory_space<vmem>> -> memref<40x128xf32, #tpu.memory_space<vmem>>
    tpu.enqueue_dma source(%dma_start3A_319 : memref<40x128xf32, #tpu.memory_space<vmem>>) target(%dma_start3A_315 : memref<40x128xf32, #tpu.memory_space<vmem_shared>>) target_semaphore(%arg23 : memref<!tpu.dma_semaphore, #tpu.memory_space<semaphore_mem>>)
    %add3A_320 = arith.constant 320 : i32
    %add3A_321 = arith.addi %mul3A_199, %add3A_320 : i32
    %dma_start3A_322 = arith.constant 7 : i32
    %dma_start3A_323 = arith.constant 0 : i32
    %dma_start3A_324 = arith.constant 0 : i32
    %dma_start3A_325 = tpu.memref_slice %arg5[%dma_start3A_322, %dma_start3A_323, %dma_start3A_324] : memref<8x40x128xf32, #tpu.memory_space<vmem>> -> memref<1x40x128xf32, #tpu.memory_space<vmem>>
    %dma_start3A_326 = tpu.memref_squeeze %dma_start3A_325 : memref<1x40x128xf32, #tpu.memory_space<vmem>> -> memref<40x128xf32, #tpu.memory_space<vmem>>
    %dma_start3A_327 = arith.constant 0 : i32
    %dma_start3A_328 = tpu.memref_slice %arg7[%add3A_321, %dma_start3A_327] : memref<10240x128xf32, #tpu.memory_space<vmem_shared>> -> memref<40x128xf32, #tpu.memory_space<vmem_shared>>
    %dma_start3A_329 = arith.constant 0 : i32
    %dma_start3A_330 = tpu.memref_slice %arg7[%add3A_321, %dma_start3A_329] : memref<10240x128xf32, #tpu.memory_space<vmem_shared>> -> memref<40x128xf32, #tpu.memory_space<vmem_shared>>
    %dma_start3A_331 = arith.constant 0 : i32
    %dma_start3A_332 = arith.constant 0 : i32
    %dma_start3A_333 = tpu.memref_slice %arg5[%dma_start3A_322, %dma_start3A_331, %dma_start3A_332] : memref<8x40x128xf32, #tpu.memory_space<vmem>> -> memref<1x40x128xf32, #tpu.memory_space<vmem>>
    %dma_start3A_334 = tpu.memref_squeeze %dma_start3A_333 : memref<1x40x128xf32, #tpu.memory_space<vmem>> -> memref<40x128xf32, #tpu.memory_space<vmem>>
    tpu.enqueue_dma source(%dma_start3A_334 : memref<40x128xf32, #tpu.memory_space<vmem>>) target(%dma_start3A_330 : memref<40x128xf32, #tpu.memory_space<vmem_shared>>) target_semaphore(%arg23 : memref<!tpu.dma_semaphore, #tpu.memory_space<semaphore_mem>>)
    %add3A_335 = arith.constant 360 : i32
    %add3A_336 = arith.addi %mul3A_199, %add3A_335 : i32
    %dma_start3A_337 = arith.constant 7 : i32
    %dma_start3A_338 = arith.constant 0 : i32
    %dma_start3A_339 = arith.constant 0 : i32
    %dma_start3A_340 = tpu.memref_slice %arg5[%dma_start3A_337, %dma_start3A_338, %dma_start3A_339] : memref<8x40x128xf32, #tpu.memory_space<vmem>> -> memref<1x40x128xf32, #tpu.memory_space<vmem>>
    %dma_start3A_341 = tpu.memref_squeeze %dma_start3A_340 : memref<1x40x128xf32, #tpu.memory_space<vmem>> -> memref<40x128xf32, #tpu.memory_space<vmem>>
    %dma_start3A_342 = arith.constant 0 : i32
    %dma_start3A_343 = tpu.memref_slice %arg7[%add3A_336, %dma_start3A_342] : memref<10240x128xf32, #tpu.memory_space<vmem_shared>> -> memref<40x128xf32, #tpu.memory_space<vmem_shared>>
    %dma_start3A_344 = arith.constant 0 : i32
    %dma_start3A_345 = tpu.memref_slice %arg7[%add3A_336, %dma_start3A_344] : memref<10240x128xf32, #tpu.memory_space<vmem_shared>> -> memref<40x128xf32, #tpu.memory_space<vmem_shared>>
    %dma_start3A_346 = arith.constant 0 : i32
    %dma_start3A_347 = arith.constant 0 : i32
    %dma_start3A_348 = tpu.memref_slice %arg5[%dma_start3A_337, %dma_start3A_346, %dma_start3A_347] : memref<8x40x128xf32, #tpu.memory_space<vmem>> -> memref<1x40x128xf32, #tpu.memory_space<vmem>>
    %dma_start3A_349 = tpu.memref_squeeze %dma_start3A_348 : memref<1x40x128xf32, #tpu.memory_space<vmem>> -> memref<40x128xf32, #tpu.memory_space<vmem>>
    tpu.enqueue_dma source(%dma_start3A_349 : memref<40x128xf32, #tpu.memory_space<vmem>>) target(%dma_start3A_345 : memref<40x128xf32, #tpu.memory_space<vmem_shared>>) target_semaphore(%arg23 : memref<!tpu.dma_semaphore, #tpu.memory_space<semaphore_mem>>)
    %add3A_350 = arith.constant 400 : i32
    %add3A_351 = arith.addi %mul3A_199, %add3A_350 : i32
    %dma_start3A_352 = arith.constant 7 : i32
    %dma_start3A_353 = arith.constant 0 : i32
    %dma_start3A_354 = arith.constant 0 : i32
    %dma_start3A_355 = tpu.memref_slice %arg5[%dma_start3A_352, %dma_start3A_353, %dma_start3A_354] : memref<8x40x128xf32, #tpu.memory_space<vmem>> -> memref<1x40x128xf32, #tpu.memory_space<vmem>>
    %dma_start3A_356 = tpu.memref_squeeze %dma_start3A_355 : memref<1x40x128xf32, #tpu.memory_space<vmem>> -> memref<40x128xf32, #tpu.memory_space<vmem>>
    %dma_start3A_357 = arith.constant 0 : i32
    %dma_start3A_358 = tpu.memref_slice %arg7[%add3A_351, %dma_start3A_357] : memref<10240x128xf32, #tpu.memory_space<vmem_shared>> -> memref<40x128xf32, #tpu.memory_space<vmem_shared>>
    %dma_start3A_359 = arith.constant 0 : i32
    %dma_start3A_360 = tpu.memref_slice %arg7[%add3A_351, %dma_start3A_359] : memref<10240x128xf32, #tpu.memory_space<vmem_shared>> -> memref<40x128xf32, #tpu.memory_space<vmem_shared>>
    %dma_start3A_361 = arith.constant 0 : i32
    %dma_start3A_362 = arith.constant 0 : i32
    %dma_start3A_363 = tpu.memref_slice %arg5[%dma_start3A_352, %dma_start3A_361, %dma_start3A_362] : memref<8x40x128xf32, #tpu.memory_space<vmem>> -> memref<1x40x128xf32, #tpu.memory_space<vmem>>
    %dma_start3A_364 = tpu.memref_squeeze %dma_start3A_363 : memref<1x40x128xf32, #tpu.memory_space<vmem>> -> memref<40x128xf32, #tpu.memory_space<vmem>>
    tpu.enqueue_dma source(%dma_start3A_364 : memref<40x128xf32, #tpu.memory_space<vmem>>) target(%dma_start3A_360 : memref<40x128xf32, #tpu.memory_space<vmem_shared>>) target_semaphore(%arg23 : memref<!tpu.dma_semaphore, #tpu.memory_space<semaphore_mem>>)
    %add3A_365 = arith.constant 440 : i32
    %add3A_366 = arith.addi %mul3A_199, %add3A_365 : i32
    %dma_start3A_367 = arith.constant 7 : i32
    %dma_start3A_368 = arith.constant 0 : i32
    %dma_start3A_369 = arith.constant 0 : i32
    %dma_start3A_370 = tpu.memref_slice %arg5[%dma_start3A_367, %dma_start3A_368, %dma_start3A_369] : memref<8x40x128xf32, #tpu.memory_space<vmem>> -> memref<1x40x128xf32, #tpu.memory_space<vmem>>
    %dma_start3A_371 = tpu.memref_squeeze %dma_start3A_370 : memref<1x40x128xf32, #tpu.memory_space<vmem>> -> memref<40x128xf32, #tpu.memory_space<vmem>>
    %dma_start3A_372 = arith.constant 0 : i32
    %dma_start3A_373 = tpu.memref_slice %arg7[%add3A_366, %dma_start3A_372] : memref<10240x128xf32, #tpu.memory_space<vmem_shared>> -> memref<40x128xf32, #tpu.memory_space<vmem_shared>>
    %dma_start3A_374 = arith.constant 0 : i32
    %dma_start3A_375 = tpu.memref_slice %arg7[%add3A_366, %dma_start3A_374] : memref<10240x128xf32, #tpu.memory_space<vmem_shared>> -> memref<40x128xf32, #tpu.memory_space<vmem_shared>>
    %dma_start3A_376 = arith.constant 0 : i32
    %dma_start3A_377 = arith.constant 0 : i32
    %dma_start3A_378 = tpu.memref_slice %arg5[%dma_start3A_367, %dma_start3A_376, %dma_start3A_377] : memref<8x40x128xf32, #tpu.memory_space<vmem>> -> memref<1x40x128xf32, #tpu.memory_space<vmem>>
    %dma_start3A_379 = tpu.memref_squeeze %dma_start3A_378 : memref<1x40x128xf32, #tpu.memory_space<vmem>> -> memref<40x128xf32, #tpu.memory_space<vmem>>
    tpu.enqueue_dma source(%dma_start3A_379 : memref<40x128xf32, #tpu.memory_space<vmem>>) target(%dma_start3A_375 : memref<40x128xf32, #tpu.memory_space<vmem_shared>>) target_semaphore(%arg23 : memref<!tpu.dma_semaphore, #tpu.memory_space<semaphore_mem>>)
    %add3A_380 = arith.constant 480 : i32
    %add3A_381 = arith.addi %mul3A_199, %add3A_380 : i32
    %dma_start3A_382 = arith.constant 7 : i32
    %dma_start3A_383 = arith.constant 0 : i32
    %dma_start3A_384 = arith.constant 0 : i32
    %dma_start3A_385 = tpu.memref_slice %arg5[%dma_start3A_382, %dma_start3A_383, %dma_start3A_384] : memref<8x40x128xf32, #tpu.memory_space<vmem>> -> memref<1x40x128xf32, #tpu.memory_space<vmem>>
    %dma_start3A_386 = tpu.memref_squeeze %dma_start3A_385 : memref<1x40x128xf32, #tpu.memory_space<vmem>> -> memref<40x128xf32, #tpu.memory_space<vmem>>
    %dma_start3A_387 = arith.constant 0 : i32
    %dma_start3A_388 = tpu.memref_slice %arg7[%add3A_381, %dma_start3A_387] : memref<10240x128xf32, #tpu.memory_space<vmem_shared>> -> memref<40x128xf32, #tpu.memory_space<vmem_shared>>
    %dma_start3A_389 = arith.constant 0 : i32
    %dma_start3A_390 = tpu.memref_slice %arg7[%add3A_381, %dma_start3A_389] : memref<10240x128xf32, #tpu.memory_space<vmem_shared>> -> memref<40x128xf32, #tpu.memory_space<vmem_shared>>
    %dma_start3A_391 = arith.constant 0 : i32
    %dma_start3A_392 = arith.constant 0 : i32
    %dma_start3A_393 = tpu.memref_slice %arg5[%dma_start3A_382, %dma_start3A_391, %dma_start3A_392] : memref<8x40x128xf32, #tpu.memory_space<vmem>> -> memref<1x40x128xf32, #tpu.memory_space<vmem>>
    %dma_start3A_394 = tpu.memref_squeeze %dma_start3A_393 : memref<1x40x128xf32, #tpu.memory_space<vmem>> -> memref<40x128xf32, #tpu.memory_space<vmem>>
    tpu.enqueue_dma source(%dma_start3A_394 : memref<40x128xf32, #tpu.memory_space<vmem>>) target(%dma_start3A_390 : memref<40x128xf32, #tpu.memory_space<vmem_shared>>) target_semaphore(%arg23 : memref<!tpu.dma_semaphore, #tpu.memory_space<semaphore_mem>>)
    %add3A_395 = arith.constant 520 : i32
    %add3A_396 = arith.addi %mul3A_199, %add3A_395 : i32
    %dma_start3A_397 = arith.constant 7 : i32
    %dma_start3A_398 = arith.constant 0 : i32
    %dma_start3A_399 = arith.constant 0 : i32
    %dma_start3A_400 = tpu.memref_slice %arg5[%dma_start3A_397, %dma_start3A_398, %dma_start3A_399] : memref<8x40x128xf32, #tpu.memory_space<vmem>> -> memref<1x40x128xf32, #tpu.memory_space<vmem>>
    %dma_start3A_401 = tpu.memref_squeeze %dma_start3A_400 : memref<1x40x128xf32, #tpu.memory_space<vmem>> -> memref<40x128xf32, #tpu.memory_space<vmem>>
    %dma_start3A_402 = arith.constant 0 : i32
    %dma_start3A_403 = tpu.memref_slice %arg7[%add3A_396, %dma_start3A_402] : memref<10240x128xf32, #tpu.memory_space<vmem_shared>> -> memref<40x128xf32, #tpu.memory_space<vmem_shared>>
    %dma_start3A_404 = arith.constant 0 : i32
    %dma_start3A_405 = tpu.memref_slice %arg7[%add3A_396, %dma_start3A_404] : memref<10240x128xf32, #tpu.memory_space<vmem_shared>> -> memref<40x128xf32, #tpu.memory_space<vmem_shared>>
    %dma_start3A_406 = arith.constant 0 : i32
    %dma_start3A_407 = arith.constant 0 : i32
    %dma_start3A_408 = tpu.memref_slice %arg5[%dma_start3A_397, %dma_start3A_406, %dma_start3A_407] : memref<8x40x128xf32, #tpu.memory_space<vmem>> -> memref<1x40x128xf32, #tpu.memory_space<vmem>>
    %dma_start3A_409 = tpu.memref_squeeze %dma_start3A_408 : memref<1x40x128xf32, #tpu.memory_space<vmem>> -> memref<40x128xf32, #tpu.memory_space<vmem>>
    tpu.enqueue_dma source(%dma_start3A_409 : memref<40x128xf32, #tpu.memory_space<vmem>>) target(%dma_start3A_405 : memref<40x128xf32, #tpu.memory_space<vmem_shared>>) target_semaphore(%arg23 : memref<!tpu.dma_semaphore, #tpu.memory_space<semaphore_mem>>)
    %add3A_410 = arith.constant 560 : i32
    %add3A_411 = arith.addi %mul3A_199, %add3A_410 : i32
    %dma_start3A_412 = arith.constant 7 : i32
    %dma_start3A_413 = arith.constant 0 : i32
    %dma_start3A_414 = arith.constant 0 : i32
    %dma_start3A_415 = tpu.memref_slice %arg5[%dma_start3A_412, %dma_start3A_413, %dma_start3A_414] : memref<8x40x128xf32, #tpu.memory_space<vmem>> -> memref<1x40x128xf32, #tpu.memory_space<vmem>>
    %dma_start3A_416 = tpu.memref_squeeze %dma_start3A_415 : memref<1x40x128xf32, #tpu.memory_space<vmem>> -> memref<40x128xf32, #tpu.memory_space<vmem>>
    %dma_start3A_417 = arith.constant 0 : i32
    %dma_start3A_418 = tpu.memref_slice %arg7[%add3A_411, %dma_start3A_417] : memref<10240x128xf32, #tpu.memory_space<vmem_shared>> -> memref<40x128xf32, #tpu.memory_space<vmem_shared>>
    %dma_start3A_419 = arith.constant 0 : i32
    %dma_start3A_420 = tpu.memref_slice %arg7[%add3A_411, %dma_start3A_419] : memref<10240x128xf32, #tpu.memory_space<vmem_shared>> -> memref<40x128xf32, #tpu.memory_space<vmem_shared>>
    %dma_start3A_421 = arith.constant 0 : i32
    %dma_start3A_422 = arith.constant 0 : i32
    %dma_start3A_423 = tpu.memref_slice %arg5[%dma_start3A_412, %dma_start3A_421, %dma_start3A_422] : memref<8x40x128xf32, #tpu.memory_space<vmem>> -> memref<1x40x128xf32, #tpu.memory_space<vmem>>
    %dma_start3A_424 = tpu.memref_squeeze %dma_start3A_423 : memref<1x40x128xf32, #tpu.memory_space<vmem>> -> memref<40x128xf32, #tpu.memory_space<vmem>>
    tpu.enqueue_dma source(%dma_start3A_424 : memref<40x128xf32, #tpu.memory_space<vmem>>) target(%dma_start3A_420 : memref<40x128xf32, #tpu.memory_space<vmem_shared>>) target_semaphore(%arg23 : memref<!tpu.dma_semaphore, #tpu.memory_space<semaphore_mem>>)
    %add3A_425 = arith.constant 600 : i32
    %add3A_426 = arith.addi %mul3A_199, %add3A_425 : i32
    %dma_start3A_427 = arith.constant 7 : i32
    %dma_start3A_428 = arith.constant 0 : i32
    %dma_start3A_429 = arith.constant 0 : i32
    %dma_start3A_430 = tpu.memref_slice %arg5[%dma_start3A_427, %dma_start3A_428, %dma_start3A_429] : memref<8x40x128xf32, #tpu.memory_space<vmem>> -> memref<1x40x128xf32, #tpu.memory_space<vmem>>
    %dma_start3A_431 = tpu.memref_squeeze %dma_start3A_430 : memref<1x40x128xf32, #tpu.memory_space<vmem>> -> memref<40x128xf32, #tpu.memory_space<vmem>>
    %dma_start3A_432 = arith.constant 0 : i32
    %dma_start3A_433 = tpu.memref_slice %arg7[%add3A_426, %dma_start3A_432] : memref<10240x128xf32, #tpu.memory_space<vmem_shared>> -> memref<40x128xf32, #tpu.memory_space<vmem_shared>>
    %dma_start3A_434 = arith.constant 0 : i32
    %dma_start3A_435 = tpu.memref_slice %arg7[%add3A_426, %dma_start3A_434] : memref<10240x128xf32, #tpu.memory_space<vmem_shared>> -> memref<40x128xf32, #tpu.memory_space<vmem_shared>>
    %dma_start3A_436 = arith.constant 0 : i32
    %dma_start3A_437 = arith.constant 0 : i32
    %dma_start3A_438 = tpu.memref_slice %arg5[%dma_start3A_427, %dma_start3A_436, %dma_start3A_437] : memref<8x40x128xf32, #tpu.memory_space<vmem>> -> memref<1x40x128xf32, #tpu.memory_space<vmem>>
    %dma_start3A_439 = tpu.memref_squeeze %dma_start3A_438 : memref<1x40x128xf32, #tpu.memory_space<vmem>> -> memref<40x128xf32, #tpu.memory_space<vmem>>
    tpu.enqueue_dma source(%dma_start3A_439 : memref<40x128xf32, #tpu.memory_space<vmem>>) target(%dma_start3A_435 : memref<40x128xf32, #tpu.memory_space<vmem_shared>>) target_semaphore(%arg23 : memref<!tpu.dma_semaphore, #tpu.memory_space<semaphore_mem>>)
    %add3A_440 = arith.constant 0 : i32
    %add3A_441 = arith.addi %mul3A_199, %add3A_440 : i32
    %dma_wait3A = arith.constant 7 : i32
    %dma_wait3A_442 = arith.constant 0 : i32
    %dma_wait3A_443 = arith.constant 0 : i32
    %dma_wait3A_444 = tpu.memref_slice %arg5[%dma_wait3A, %dma_wait3A_442, %dma_wait3A_443] : memref<8x40x128xf32, #tpu.memory_space<vmem>> -> memref<1x40x128xf32, #tpu.memory_space<vmem>>
    %dma_wait3A_445 = tpu.memref_squeeze %dma_wait3A_444 : memref<1x40x128xf32, #tpu.memory_space<vmem>> -> memref<40x128xf32, #tpu.memory_space<vmem>>
    %dma_wait3A_446 = arith.constant 0 : i32
    %dma_wait3A_447 = tpu.memref_slice %arg7[%add3A_441, %dma_wait3A_446] : memref<10240x128xf32, #tpu.memory_space<vmem_shared>> -> memref<40x128xf32, #tpu.memory_space<vmem_shared>>
    %dma_wait3A_448 = arith.constant 0 : i32
    %dma_wait3A_449 = tpu.memref_slice %arg7[%add3A_441, %dma_wait3A_448] : memref<10240x128xf32, #tpu.memory_space<vmem_shared>> -> memref<40x128xf32, #tpu.memory_space<vmem_shared>>
    %dma_wait3A_450 = arith.constant 0 : i32
    %dma_wait3A_451 = arith.constant 0 : i32
    %dma_wait3A_452 = tpu.memref_slice %arg5[%dma_wait3A, %dma_wait3A_450, %dma_wait3A_451] : memref<8x40x128xf32, #tpu.memory_space<vmem>> -> memref<1x40x128xf32, #tpu.memory_space<vmem>>
    %dma_wait3A_453 = tpu.memref_squeeze %dma_wait3A_452 : memref<1x40x128xf32, #tpu.memory_space<vmem>> -> memref<40x128xf32, #tpu.memory_space<vmem>>
    tpu.wait_dma2 semaphore(%arg23 : memref<!tpu.dma_semaphore, #tpu.memory_space<semaphore_mem>>) src(%dma_wait3A_453 : memref<40x128xf32, #tpu.memory_space<vmem>>) dst(%dma_wait3A_449 : memref<40x128xf32, #tpu.memory_space<vmem_shared>>)
    %add3A_454 = arith.constant 40 : i32
    %add3A_455 = arith.addi %mul3A_199, %add3A_454 : i32
    %dma_wait3A_456 = arith.constant 7 : i32
    %dma_wait3A_457 = arith.constant 0 : i32
    %dma_wait3A_458 = arith.constant 0 : i32
    %dma_wait3A_459 = tpu.memref_slice %arg5[%dma_wait3A_456, %dma_wait3A_457, %dma_wait3A_458] : memref<8x40x128xf32, #tpu.memory_space<vmem>> -> memref<1x40x128xf32, #tpu.memory_space<vmem>>
    %dma_wait3A_460 = tpu.memref_squeeze %dma_wait3A_459 : memref<1x40x128xf32, #tpu.memory_space<vmem>> -> memref<40x128xf32, #tpu.memory_space<vmem>>
    %dma_wait3A_461 = arith.constant 0 : i32
    %dma_wait3A_462 = tpu.memref_slice %arg7[%add3A_455, %dma_wait3A_461] : memref<10240x128xf32, #tpu.memory_space<vmem_shared>> -> memref<40x128xf32, #tpu.memory_space<vmem_shared>>
    %dma_wait3A_463 = arith.constant 0 : i32
    %dma_wait3A_464 = tpu.memref_slice %arg7[%add3A_455, %dma_wait3A_463] : memref<10240x128xf32, #tpu.memory_space<vmem_shared>> -> memref<40x128xf32, #tpu.memory_space<vmem_shared>>
    %dma_wait3A_465 = arith.constant 0 : i32
    %dma_wait3A_466 = arith.constant 0 : i32
    %dma_wait3A_467 = tpu.memref_slice %arg5[%dma_wait3A_456, %dma_wait3A_465, %dma_wait3A_466] : memref<8x40x128xf32, #tpu.memory_space<vmem>> -> memref<1x40x128xf32, #tpu.memory_space<vmem>>
    %dma_wait3A_468 = tpu.memref_squeeze %dma_wait3A_467 : memref<1x40x128xf32, #tpu.memory_space<vmem>> -> memref<40x128xf32, #tpu.memory_space<vmem>>
    tpu.wait_dma2 semaphore(%arg23 : memref<!tpu.dma_semaphore, #tpu.memory_space<semaphore_mem>>) src(%dma_wait3A_468 : memref<40x128xf32, #tpu.memory_space<vmem>>) dst(%dma_wait3A_464 : memref<40x128xf32, #tpu.memory_space<vmem_shared>>)
    %add3A_469 = arith.constant 80 : i32
    %add3A_470 = arith.addi %mul3A_199, %add3A_469 : i32
    %dma_wait3A_471 = arith.constant 7 : i32
    %dma_wait3A_472 = arith.constant 0 : i32
    %dma_wait3A_473 = arith.constant 0 : i32
    %dma_wait3A_474 = tpu.memref_slice %arg5[%dma_wait3A_471, %dma_wait3A_472, %dma_wait3A_473] : memref<8x40x128xf32, #tpu.memory_space<vmem>> -> memref<1x40x128xf32, #tpu.memory_space<vmem>>
    %dma_wait3A_475 = tpu.memref_squeeze %dma_wait3A_474 : memref<1x40x128xf32, #tpu.memory_space<vmem>> -> memref<40x128xf32, #tpu.memory_space<vmem>>
    %dma_wait3A_476 = arith.constant 0 : i32
    %dma_wait3A_477 = tpu.memref_slice %arg7[%add3A_470, %dma_wait3A_476] : memref<10240x128xf32, #tpu.memory_space<vmem_shared>> -> memref<40x128xf32, #tpu.memory_space<vmem_shared>>
    %dma_wait3A_478 = arith.constant 0 : i32
    %dma_wait3A_479 = tpu.memref_slice %arg7[%add3A_470, %dma_wait3A_478] : memref<10240x128xf32, #tpu.memory_space<vmem_shared>> -> memref<40x128xf32, #tpu.memory_space<vmem_shared>>
    %dma_wait3A_480 = arith.constant 0 : i32
    %dma_wait3A_481 = arith.constant 0 : i32
    %dma_wait3A_482 = tpu.memref_slice %arg5[%dma_wait3A_471, %dma_wait3A_480, %dma_wait3A_481] : memref<8x40x128xf32, #tpu.memory_space<vmem>> -> memref<1x40x128xf32, #tpu.memory_space<vmem>>
    %dma_wait3A_483 = tpu.memref_squeeze %dma_wait3A_482 : memref<1x40x128xf32, #tpu.memory_space<vmem>> -> memref<40x128xf32, #tpu.memory_space<vmem>>
    tpu.wait_dma2 semaphore(%arg23 : memref<!tpu.dma_semaphore, #tpu.memory_space<semaphore_mem>>) src(%dma_wait3A_483 : memref<40x128xf32, #tpu.memory_space<vmem>>) dst(%dma_wait3A_479 : memref<40x128xf32, #tpu.memory_space<vmem_shared>>)
    %add3A_484 = arith.constant 120 : i32
    %add3A_485 = arith.addi %mul3A_199, %add3A_484 : i32
    %dma_wait3A_486 = arith.constant 7 : i32
    %dma_wait3A_487 = arith.constant 0 : i32
    %dma_wait3A_488 = arith.constant 0 : i32
    %dma_wait3A_489 = tpu.memref_slice %arg5[%dma_wait3A_486, %dma_wait3A_487, %dma_wait3A_488] : memref<8x40x128xf32, #tpu.memory_space<vmem>> -> memref<1x40x128xf32, #tpu.memory_space<vmem>>
    %dma_wait3A_490 = tpu.memref_squeeze %dma_wait3A_489 : memref<1x40x128xf32, #tpu.memory_space<vmem>> -> memref<40x128xf32, #tpu.memory_space<vmem>>
    %dma_wait3A_491 = arith.constant 0 : i32
    %dma_wait3A_492 = tpu.memref_slice %arg7[%add3A_485, %dma_wait3A_491] : memref<10240x128xf32, #tpu.memory_space<vmem_shared>> -> memref<40x128xf32, #tpu.memory_space<vmem_shared>>
    %dma_wait3A_493 = arith.constant 0 : i32
    %dma_wait3A_494 = tpu.memref_slice %arg7[%add3A_485, %dma_wait3A_493] : memref<10240x128xf32, #tpu.memory_space<vmem_shared>> -> memref<40x128xf32, #tpu.memory_space<vmem_shared>>
    %dma_wait3A_495 = arith.constant 0 : i32
    %dma_wait3A_496 = arith.constant 0 : i32
    %dma_wait3A_497 = tpu.memref_slice %arg5[%dma_wait3A_486, %dma_wait3A_495, %dma_wait3A_496] : memref<8x40x128xf32, #tpu.memory_space<vmem>> -> memref<1x40x128xf32, #tpu.memory_space<vmem>>
    %dma_wait3A_498 = tpu.memref_squeeze %dma_wait3A_497 : memref<1x40x128xf32, #tpu.memory_space<vmem>> -> memref<40x128xf32, #tpu.memory_space<vmem>>
    tpu.wait_dma2 semaphore(%arg23 : memref<!tpu.dma_semaphore, #tpu.memory_space<semaphore_mem>>) src(%dma_wait3A_498 : memref<40x128xf32, #tpu.memory_space<vmem>>) dst(%dma_wait3A_494 : memref<40x128xf32, #tpu.memory_space<vmem_shared>>)
    %add3A_499 = arith.constant 160 : i32
    %add3A_500 = arith.addi %mul3A_199, %add3A_499 : i32
    %dma_wait3A_501 = arith.constant 7 : i32
    %dma_wait3A_502 = arith.constant 0 : i32
    %dma_wait3A_503 = arith.constant 0 : i32
    %dma_wait3A_504 = tpu.memref_slice %arg5[%dma_wait3A_501, %dma_wait3A_502, %dma_wait3A_503] : memref<8x40x128xf32, #tpu.memory_space<vmem>> -> memref<1x40x128xf32, #tpu.memory_space<vmem>>
    %dma_wait3A_505 = tpu.memref_squeeze %dma_wait3A_504 : memref<1x40x128xf32, #tpu.memory_space<vmem>> -> memref<40x128xf32, #tpu.memory_space<vmem>>
    %dma_wait3A_506 = arith.constant 0 : i32
    %dma_wait3A_507 = tpu.memref_slice %arg7[%add3A_500, %dma_wait3A_506] : memref<10240x128xf32, #tpu.memory_space<vmem_shared>> -> memref<40x128xf32, #tpu.memory_space<vmem_shared>>
    %dma_wait3A_508 = arith.constant 0 : i32
    %dma_wait3A_509 = tpu.memref_slice %arg7[%add3A_500, %dma_wait3A_508] : memref<10240x128xf32, #tpu.memory_space<vmem_shared>> -> memref<40x128xf32, #tpu.memory_space<vmem_shared>>
    %dma_wait3A_510 = arith.constant 0 : i32
    %dma_wait3A_511 = arith.constant 0 : i32
    %dma_wait3A_512 = tpu.memref_slice %arg5[%dma_wait3A_501, %dma_wait3A_510, %dma_wait3A_511] : memref<8x40x128xf32, #tpu.memory_space<vmem>> -> memref<1x40x128xf32, #tpu.memory_space<vmem>>
    %dma_wait3A_513 = tpu.memref_squeeze %dma_wait3A_512 : memref<1x40x128xf32, #tpu.memory_space<vmem>> -> memref<40x128xf32, #tpu.memory_space<vmem>>
    tpu.wait_dma2 semaphore(%arg23 : memref<!tpu.dma_semaphore, #tpu.memory_space<semaphore_mem>>) src(%dma_wait3A_513 : memref<40x128xf32, #tpu.memory_space<vmem>>) dst(%dma_wait3A_509 : memref<40x128xf32, #tpu.memory_space<vmem_shared>>)
    %add3A_514 = arith.constant 200 : i32
    %add3A_515 = arith.addi %mul3A_199, %add3A_514 : i32
    %dma_wait3A_516 = arith.constant 7 : i32
    %dma_wait3A_517 = arith.constant 0 : i32
    %dma_wait3A_518 = arith.constant 0 : i32
    %dma_wait3A_519 = tpu.memref_slice %arg5[%dma_wait3A_516, %dma_wait3A_517, %dma_wait3A_518] : memref<8x40x128xf32, #tpu.memory_space<vmem>> -> memref<1x40x128xf32, #tpu.memory_space<vmem>>
    %dma_wait3A_520 = tpu.memref_squeeze %dma_wait3A_519 : memref<1x40x128xf32, #tpu.memory_space<vmem>> -> memref<40x128xf32, #tpu.memory_space<vmem>>
    %dma_wait3A_521 = arith.constant 0 : i32
    %dma_wait3A_522 = tpu.memref_slice %arg7[%add3A_515, %dma_wait3A_521] : memref<10240x128xf32, #tpu.memory_space<vmem_shared>> -> memref<40x128xf32, #tpu.memory_space<vmem_shared>>
    %dma_wait3A_523 = arith.constant 0 : i32
    %dma_wait3A_524 = tpu.memref_slice %arg7[%add3A_515, %dma_wait3A_523] : memref<10240x128xf32, #tpu.memory_space<vmem_shared>> -> memref<40x128xf32, #tpu.memory_space<vmem_shared>>
    %dma_wait3A_525 = arith.constant 0 : i32
    %dma_wait3A_526 = arith.constant 0 : i32
    %dma_wait3A_527 = tpu.memref_slice %arg5[%dma_wait3A_516, %dma_wait3A_525, %dma_wait3A_526] : memref<8x40x128xf32, #tpu.memory_space<vmem>> -> memref<1x40x128xf32, #tpu.memory_space<vmem>>
    %dma_wait3A_528 = tpu.memref_squeeze %dma_wait3A_527 : memref<1x40x128xf32, #tpu.memory_space<vmem>> -> memref<40x128xf32, #tpu.memory_space<vmem>>
    tpu.wait_dma2 semaphore(%arg23 : memref<!tpu.dma_semaphore, #tpu.memory_space<semaphore_mem>>) src(%dma_wait3A_528 : memref<40x128xf32, #tpu.memory_space<vmem>>) dst(%dma_wait3A_524 : memref<40x128xf32, #tpu.memory_space<vmem_shared>>)
    %add3A_529 = arith.constant 240 : i32
    %add3A_530 = arith.addi %mul3A_199, %add3A_529 : i32
    %dma_wait3A_531 = arith.constant 7 : i32
    %dma_wait3A_532 = arith.constant 0 : i32
    %dma_wait3A_533 = arith.constant 0 : i32
    %dma_wait3A_534 = tpu.memref_slice %arg5[%dma_wait3A_531, %dma_wait3A_532, %dma_wait3A_533] : memref<8x40x128xf32, #tpu.memory_space<vmem>> -> memref<1x40x128xf32, #tpu.memory_space<vmem>>
    %dma_wait3A_535 = tpu.memref_squeeze %dma_wait3A_534 : memref<1x40x128xf32, #tpu.memory_space<vmem>> -> memref<40x128xf32, #tpu.memory_space<vmem>>
    %dma_wait3A_536 = arith.constant 0 : i32
    %dma_wait3A_537 = tpu.memref_slice %arg7[%add3A_530, %dma_wait3A_536] : memref<10240x128xf32, #tpu.memory_space<vmem_shared>> -> memref<40x128xf32, #tpu.memory_space<vmem_shared>>
    %dma_wait3A_538 = arith.constant 0 : i32
    %dma_wait3A_539 = tpu.memref_slice %arg7[%add3A_530, %dma_wait3A_538] : memref<10240x128xf32, #tpu.memory_space<vmem_shared>> -> memref<40x128xf32, #tpu.memory_space<vmem_shared>>
    %dma_wait3A_540 = arith.constant 0 : i32
    %dma_wait3A_541 = arith.constant 0 : i32
    %dma_wait3A_542 = tpu.memref_slice %arg5[%dma_wait3A_531, %dma_wait3A_540, %dma_wait3A_541] : memref<8x40x128xf32, #tpu.memory_space<vmem>> -> memref<1x40x128xf32, #tpu.memory_space<vmem>>
    %dma_wait3A_543 = tpu.memref_squeeze %dma_wait3A_542 : memref<1x40x128xf32, #tpu.memory_space<vmem>> -> memref<40x128xf32, #tpu.memory_space<vmem>>
    tpu.wait_dma2 semaphore(%arg23 : memref<!tpu.dma_semaphore, #tpu.memory_space<semaphore_mem>>) src(%dma_wait3A_543 : memref<40x128xf32, #tpu.memory_space<vmem>>) dst(%dma_wait3A_539 : memref<40x128xf32, #tpu.memory_space<vmem_shared>>)
    %add3A_544 = arith.constant 280 : i32
    %add3A_545 = arith.addi %mul3A_199, %add3A_544 : i32
    %dma_wait3A_546 = arith.constant 7 : i32
    %dma_wait3A_547 = arith.constant 0 : i32
    %dma_wait3A_548 = arith.constant 0 : i32
    %dma_wait3A_549 = tpu.memref_slice %arg5[%dma_wait3A_546, %dma_wait3A_547, %dma_wait3A_548] : memref<8x40x128xf32, #tpu.memory_space<vmem>> -> memref<1x40x128xf32, #tpu.memory_space<vmem>>
    %dma_wait3A_550 = tpu.memref_squeeze %dma_wait3A_549 : memref<1x40x128xf32, #tpu.memory_space<vmem>> -> memref<40x128xf32, #tpu.memory_space<vmem>>
    %dma_wait3A_551 = arith.constant 0 : i32
    %dma_wait3A_552 = tpu.memref_slice %arg7[%add3A_545, %dma_wait3A_551] : memref<10240x128xf32, #tpu.memory_space<vmem_shared>> -> memref<40x128xf32, #tpu.memory_space<vmem_shared>>
    %dma_wait3A_553 = arith.constant 0 : i32
    %dma_wait3A_554 = tpu.memref_slice %arg7[%add3A_545, %dma_wait3A_553] : memref<10240x128xf32, #tpu.memory_space<vmem_shared>> -> memref<40x128xf32, #tpu.memory_space<vmem_shared>>
    %dma_wait3A_555 = arith.constant 0 : i32
    %dma_wait3A_556 = arith.constant 0 : i32
    %dma_wait3A_557 = tpu.memref_slice %arg5[%dma_wait3A_546, %dma_wait3A_555, %dma_wait3A_556] : memref<8x40x128xf32, #tpu.memory_space<vmem>> -> memref<1x40x128xf32, #tpu.memory_space<vmem>>
    %dma_wait3A_558 = tpu.memref_squeeze %dma_wait3A_557 : memref<1x40x128xf32, #tpu.memory_space<vmem>> -> memref<40x128xf32, #tpu.memory_space<vmem>>
    tpu.wait_dma2 semaphore(%arg23 : memref<!tpu.dma_semaphore, #tpu.memory_space<semaphore_mem>>) src(%dma_wait3A_558 : memref<40x128xf32, #tpu.memory_space<vmem>>) dst(%dma_wait3A_554 : memref<40x128xf32, #tpu.memory_space<vmem_shared>>)
    %add3A_559 = arith.constant 320 : i32
    %add3A_560 = arith.addi %mul3A_199, %add3A_559 : i32
    %dma_wait3A_561 = arith.constant 7 : i32
    %dma_wait3A_562 = arith.constant 0 : i32
    %dma_wait3A_563 = arith.constant 0 : i32
    %dma_wait3A_564 = tpu.memref_slice %arg5[%dma_wait3A_561, %dma_wait3A_562, %dma_wait3A_563] : memref<8x40x128xf32, #tpu.memory_space<vmem>> -> memref<1x40x128xf32, #tpu.memory_space<vmem>>
    %dma_wait3A_565 = tpu.memref_squeeze %dma_wait3A_564 : memref<1x40x128xf32, #tpu.memory_space<vmem>> -> memref<40x128xf32, #tpu.memory_space<vmem>>
    %dma_wait3A_566 = arith.constant 0 : i32
    %dma_wait3A_567 = tpu.memref_slice %arg7[%add3A_560, %dma_wait3A_566] : memref<10240x128xf32, #tpu.memory_space<vmem_shared>> -> memref<40x128xf32, #tpu.memory_space<vmem_shared>>
    %dma_wait3A_568 = arith.constant 0 : i32
    %dma_wait3A_569 = tpu.memref_slice %arg7[%add3A_560, %dma_wait3A_568] : memref<10240x128xf32, #tpu.memory_space<vmem_shared>> -> memref<40x128xf32, #tpu.memory_space<vmem_shared>>
    %dma_wait3A_570 = arith.constant 0 : i32
    %dma_wait3A_571 = arith.constant 0 : i32
    %dma_wait3A_572 = tpu.memref_slice %arg5[%dma_wait3A_561, %dma_wait3A_570, %dma_wait3A_571] : memref<8x40x128xf32, #tpu.memory_space<vmem>> -> memref<1x40x128xf32, #tpu.memory_space<vmem>>
    %dma_wait3A_573 = tpu.memref_squeeze %dma_wait3A_572 : memref<1x40x128xf32, #tpu.memory_space<vmem>> -> memref<40x128xf32, #tpu.memory_space<vmem>>
    tpu.wait_dma2 semaphore(%arg23 : memref<!tpu.dma_semaphore, #tpu.memory_space<semaphore_mem>>) src(%dma_wait3A_573 : memref<40x128xf32, #tpu.memory_space<vmem>>) dst(%dma_wait3A_569 : memref<40x128xf32, #tpu.memory_space<vmem_shared>>)
    %add3A_574 = arith.constant 360 : i32
    %add3A_575 = arith.addi %mul3A_199, %add3A_574 : i32
    %dma_wait3A_576 = arith.constant 7 : i32
    %dma_wait3A_577 = arith.constant 0 : i32
    %dma_wait3A_578 = arith.constant 0 : i32
    %dma_wait3A_579 = tpu.memref_slice %arg5[%dma_wait3A_576, %dma_wait3A_577, %dma_wait3A_578] : memref<8x40x128xf32, #tpu.memory_space<vmem>> -> memref<1x40x128xf32, #tpu.memory_space<vmem>>
    %dma_wait3A_580 = tpu.memref_squeeze %dma_wait3A_579 : memref<1x40x128xf32, #tpu.memory_space<vmem>> -> memref<40x128xf32, #tpu.memory_space<vmem>>
    %dma_wait3A_581 = arith.constant 0 : i32
    %dma_wait3A_582 = tpu.memref_slice %arg7[%add3A_575, %dma_wait3A_581] : memref<10240x128xf32, #tpu.memory_space<vmem_shared>> -> memref<40x128xf32, #tpu.memory_space<vmem_shared>>
    %dma_wait3A_583 = arith.constant 0 : i32
    %dma_wait3A_584 = tpu.memref_slice %arg7[%add3A_575, %dma_wait3A_583] : memref<10240x128xf32, #tpu.memory_space<vmem_shared>> -> memref<40x128xf32, #tpu.memory_space<vmem_shared>>
    %dma_wait3A_585 = arith.constant 0 : i32
    %dma_wait3A_586 = arith.constant 0 : i32
    %dma_wait3A_587 = tpu.memref_slice %arg5[%dma_wait3A_576, %dma_wait3A_585, %dma_wait3A_586] : memref<8x40x128xf32, #tpu.memory_space<vmem>> -> memref<1x40x128xf32, #tpu.memory_space<vmem>>
    %dma_wait3A_588 = tpu.memref_squeeze %dma_wait3A_587 : memref<1x40x128xf32, #tpu.memory_space<vmem>> -> memref<40x128xf32, #tpu.memory_space<vmem>>
    tpu.wait_dma2 semaphore(%arg23 : memref<!tpu.dma_semaphore, #tpu.memory_space<semaphore_mem>>) src(%dma_wait3A_588 : memref<40x128xf32, #tpu.memory_space<vmem>>) dst(%dma_wait3A_584 : memref<40x128xf32, #tpu.memory_space<vmem_shared>>)
    %add3A_589 = arith.constant 400 : i32
    %add3A_590 = arith.addi %mul3A_199, %add3A_589 : i32
    %dma_wait3A_591 = arith.constant 7 : i32
    %dma_wait3A_592 = arith.constant 0 : i32
    %dma_wait3A_593 = arith.constant 0 : i32
    %dma_wait3A_594 = tpu.memref_slice %arg5[%dma_wait3A_591, %dma_wait3A_592, %dma_wait3A_593] : memref<8x40x128xf32, #tpu.memory_space<vmem>> -> memref<1x40x128xf32, #tpu.memory_space<vmem>>
    %dma_wait3A_595 = tpu.memref_squeeze %dma_wait3A_594 : memref<1x40x128xf32, #tpu.memory_space<vmem>> -> memref<40x128xf32, #tpu.memory_space<vmem>>
    %dma_wait3A_596 = arith.constant 0 : i32
    %dma_wait3A_597 = tpu.memref_slice %arg7[%add3A_590, %dma_wait3A_596] : memref<10240x128xf32, #tpu.memory_space<vmem_shared>> -> memref<40x128xf32, #tpu.memory_space<vmem_shared>>
    %dma_wait3A_598 = arith.constant 0 : i32
    %dma_wait3A_599 = tpu.memref_slice %arg7[%add3A_590, %dma_wait3A_598] : memref<10240x128xf32, #tpu.memory_space<vmem_shared>> -> memref<40x128xf32, #tpu.memory_space<vmem_shared>>
    %dma_wait3A_600 = arith.constant 0 : i32
    %dma_wait3A_601 = arith.constant 0 : i32
    %dma_wait3A_602 = tpu.memref_slice %arg5[%dma_wait3A_591, %dma_wait3A_600, %dma_wait3A_601] : memref<8x40x128xf32, #tpu.memory_space<vmem>> -> memref<1x40x128xf32, #tpu.memory_space<vmem>>
    %dma_wait3A_603 = tpu.memref_squeeze %dma_wait3A_602 : memref<1x40x128xf32, #tpu.memory_space<vmem>> -> memref<40x128xf32, #tpu.memory_space<vmem>>
    tpu.wait_dma2 semaphore(%arg23 : memref<!tpu.dma_semaphore, #tpu.memory_space<semaphore_mem>>) src(%dma_wait3A_603 : memref<40x128xf32, #tpu.memory_space<vmem>>) dst(%dma_wait3A_599 : memref<40x128xf32, #tpu.memory_space<vmem_shared>>)
    %add3A_604 = arith.constant 440 : i32
    %add3A_605 = arith.addi %mul3A_199, %add3A_604 : i32
    %dma_wait3A_606 = arith.constant 7 : i32
    %dma_wait3A_607 = arith.constant 0 : i32
    %dma_wait3A_608 = arith.constant 0 : i32
    %dma_wait3A_609 = tpu.memref_slice %arg5[%dma_wait3A_606, %dma_wait3A_607, %dma_wait3A_608] : memref<8x40x128xf32, #tpu.memory_space<vmem>> -> memref<1x40x128xf32, #tpu.memory_space<vmem>>
    %dma_wait3A_610 = tpu.memref_squeeze %dma_wait3A_609 : memref<1x40x128xf32, #tpu.memory_space<vmem>> -> memref<40x128xf32, #tpu.memory_space<vmem>>
    %dma_wait3A_611 = arith.constant 0 : i32
    %dma_wait3A_612 = tpu.memref_slice %arg7[%add3A_605, %dma_wait3A_611] : memref<10240x128xf32, #tpu.memory_space<vmem_shared>> -> memref<40x128xf32, #tpu.memory_space<vmem_shared>>
    %dma_wait3A_613 = arith.constant 0 : i32
    %dma_wait3A_614 = tpu.memref_slice %arg7[%add3A_605, %dma_wait3A_613] : memref<10240x128xf32, #tpu.memory_space<vmem_shared>> -> memref<40x128xf32, #tpu.memory_space<vmem_shared>>
    %dma_wait3A_615 = arith.constant 0 : i32
    %dma_wait3A_616 = arith.constant 0 : i32
    %dma_wait3A_617 = tpu.memref_slice %arg5[%dma_wait3A_606, %dma_wait3A_615, %dma_wait3A_616] : memref<8x40x128xf32, #tpu.memory_space<vmem>> -> memref<1x40x128xf32, #tpu.memory_space<vmem>>
    %dma_wait3A_618 = tpu.memref_squeeze %dma_wait3A_617 : memref<1x40x128xf32, #tpu.memory_space<vmem>> -> memref<40x128xf32, #tpu.memory_space<vmem>>
    tpu.wait_dma2 semaphore(%arg23 : memref<!tpu.dma_semaphore, #tpu.memory_space<semaphore_mem>>) src(%dma_wait3A_618 : memref<40x128xf32, #tpu.memory_space<vmem>>) dst(%dma_wait3A_614 : memref<40x128xf32, #tpu.memory_space<vmem_shared>>)
    %add3A_619 = arith.constant 480 : i32
    %add3A_620 = arith.addi %mul3A_199, %add3A_619 : i32
    %dma_wait3A_621 = arith.constant 7 : i32
    %dma_wait3A_622 = arith.constant 0 : i32
    %dma_wait3A_623 = arith.constant 0 : i32
    %dma_wait3A_624 = tpu.memref_slice %arg5[%dma_wait3A_621, %dma_wait3A_622, %dma_wait3A_623] : memref<8x40x128xf32, #tpu.memory_space<vmem>> -> memref<1x40x128xf32, #tpu.memory_space<vmem>>
    %dma_wait3A_625 = tpu.memref_squeeze %dma_wait3A_624 : memref<1x40x128xf32, #tpu.memory_space<vmem>> -> memref<40x128xf32, #tpu.memory_space<vmem>>
    %dma_wait3A_626 = arith.constant 0 : i32
    %dma_wait3A_627 = tpu.memref_slice %arg7[%add3A_620, %dma_wait3A_626] : memref<10240x128xf32, #tpu.memory_space<vmem_shared>> -> memref<40x128xf32, #tpu.memory_space<vmem_shared>>
    %dma_wait3A_628 = arith.constant 0 : i32
    %dma_wait3A_629 = tpu.memref_slice %arg7[%add3A_620, %dma_wait3A_628] : memref<10240x128xf32, #tpu.memory_space<vmem_shared>> -> memref<40x128xf32, #tpu.memory_space<vmem_shared>>
    %dma_wait3A_630 = arith.constant 0 : i32
    %dma_wait3A_631 = arith.constant 0 : i32
    %dma_wait3A_632 = tpu.memref_slice %arg5[%dma_wait3A_621, %dma_wait3A_630, %dma_wait3A_631] : memref<8x40x128xf32, #tpu.memory_space<vmem>> -> memref<1x40x128xf32, #tpu.memory_space<vmem>>
    %dma_wait3A_633 = tpu.memref_squeeze %dma_wait3A_632 : memref<1x40x128xf32, #tpu.memory_space<vmem>> -> memref<40x128xf32, #tpu.memory_space<vmem>>
    tpu.wait_dma2 semaphore(%arg23 : memref<!tpu.dma_semaphore, #tpu.memory_space<semaphore_mem>>) src(%dma_wait3A_633 : memref<40x128xf32, #tpu.memory_space<vmem>>) dst(%dma_wait3A_629 : memref<40x128xf32, #tpu.memory_space<vmem_shared>>)
    %add3A_634 = arith.constant 520 : i32
    %add3A_635 = arith.addi %mul3A_199, %add3A_634 : i32
    %dma_wait3A_636 = arith.constant 7 : i32
    %dma_wait3A_637 = arith.constant 0 : i32
    %dma_wait3A_638 = arith.constant 0 : i32
    %dma_wait3A_639 = tpu.memref_slice %arg5[%dma_wait3A_636, %dma_wait3A_637, %dma_wait3A_638] : memref<8x40x128xf32, #tpu.memory_space<vmem>> -> memref<1x40x128xf32, #tpu.memory_space<vmem>>
    %dma_wait3A_640 = tpu.memref_squeeze %dma_wait3A_639 : memref<1x40x128xf32, #tpu.memory_space<vmem>> -> memref<40x128xf32, #tpu.memory_space<vmem>>
    %dma_wait3A_641 = arith.constant 0 : i32
    %dma_wait3A_642 = tpu.memref_slice %arg7[%add3A_635, %dma_wait3A_641] : memref<10240x128xf32, #tpu.memory_space<vmem_shared>> -> memref<40x128xf32, #tpu.memory_space<vmem_shared>>
    %dma_wait3A_643 = arith.constant 0 : i32
    %dma_wait3A_644 = tpu.memref_slice %arg7[%add3A_635, %dma_wait3A_643] : memref<10240x128xf32, #tpu.memory_space<vmem_shared>> -> memref<40x128xf32, #tpu.memory_space<vmem_shared>>
    %dma_wait3A_645 = arith.constant 0 : i32
    %dma_wait3A_646 = arith.constant 0 : i32
    %dma_wait3A_647 = tpu.memref_slice %arg5[%dma_wait3A_636, %dma_wait3A_645, %dma_wait3A_646] : memref<8x40x128xf32, #tpu.memory_space<vmem>> -> memref<1x40x128xf32, #tpu.memory_space<vmem>>
    %dma_wait3A_648 = tpu.memref_squeeze %dma_wait3A_647 : memref<1x40x128xf32, #tpu.memory_space<vmem>> -> memref<40x128xf32, #tpu.memory_space<vmem>>
    tpu.wait_dma2 semaphore(%arg23 : memref<!tpu.dma_semaphore, #tpu.memory_space<semaphore_mem>>) src(%dma_wait3A_648 : memref<40x128xf32, #tpu.memory_space<vmem>>) dst(%dma_wait3A_644 : memref<40x128xf32, #tpu.memory_space<vmem_shared>>)
    %add3A_649 = arith.constant 560 : i32
    %add3A_650 = arith.addi %mul3A_199, %add3A_649 : i32
    %dma_wait3A_651 = arith.constant 7 : i32
    %dma_wait3A_652 = arith.constant 0 : i32
    %dma_wait3A_653 = arith.constant 0 : i32
    %dma_wait3A_654 = tpu.memref_slice %arg5[%dma_wait3A_651, %dma_wait3A_652, %dma_wait3A_653] : memref<8x40x128xf32, #tpu.memory_space<vmem>> -> memref<1x40x128xf32, #tpu.memory_space<vmem>>
    %dma_wait3A_655 = tpu.memref_squeeze %dma_wait3A_654 : memref<1x40x128xf32, #tpu.memory_space<vmem>> -> memref<40x128xf32, #tpu.memory_space<vmem>>
    %dma_wait3A_656 = arith.constant 0 : i32
    %dma_wait3A_657 = tpu.memref_slice %arg7[%add3A_650, %dma_wait3A_656] : memref<10240x128xf32, #tpu.memory_space<vmem_shared>> -> memref<40x128xf32, #tpu.memory_space<vmem_shared>>
    %dma_wait3A_658 = arith.constant 0 : i32
    %dma_wait3A_659 = tpu.memref_slice %arg7[%add3A_650, %dma_wait3A_658] : memref<10240x128xf32, #tpu.memory_space<vmem_shared>> -> memref<40x128xf32, #tpu.memory_space<vmem_shared>>
    %dma_wait3A_660 = arith.constant 0 : i32
    %dma_wait3A_661 = arith.constant 0 : i32
    %dma_wait3A_662 = tpu.memref_slice %arg5[%dma_wait3A_651, %dma_wait3A_660, %dma_wait3A_661] : memref<8x40x128xf32, #tpu.memory_space<vmem>> -> memref<1x40x128xf32, #tpu.memory_space<vmem>>
    %dma_wait3A_663 = tpu.memref_squeeze %dma_wait3A_662 : memref<1x40x128xf32, #tpu.memory_space<vmem>> -> memref<40x128xf32, #tpu.memory_space<vmem>>
    tpu.wait_dma2 semaphore(%arg23 : memref<!tpu.dma_semaphore, #tpu.memory_space<semaphore_mem>>) src(%dma_wait3A_663 : memref<40x128xf32, #tpu.memory_space<vmem>>) dst(%dma_wait3A_659 : memref<40x128xf32, #tpu.memory_space<vmem_shared>>)
    %add3A_664 = arith.constant 600 : i32
    %add3A_665 = arith.addi %mul3A_199, %add3A_664 : i32
    %dma_wait3A_666 = arith.constant 7 : i32
    %dma_wait3A_667 = arith.constant 0 : i32
    %dma_wait3A_668 = arith.constant 0 : i32
    %dma_wait3A_669 = tpu.memref_slice %arg5[%dma_wait3A_666, %dma_wait3A_667, %dma_wait3A_668] : memref<8x40x128xf32, #tpu.memory_space<vmem>> -> memref<1x40x128xf32, #tpu.memory_space<vmem>>
    %dma_wait3A_670 = tpu.memref_squeeze %dma_wait3A_669 : memref<1x40x128xf32, #tpu.memory_space<vmem>> -> memref<40x128xf32, #tpu.memory_space<vmem>>
    %dma_wait3A_671 = arith.constant 0 : i32
    %dma_wait3A_672 = tpu.memref_slice %arg7[%add3A_665, %dma_wait3A_671] : memref<10240x128xf32, #tpu.memory_space<vmem_shared>> -> memref<40x128xf32, #tpu.memory_space<vmem_shared>>
    %dma_wait3A_673 = arith.constant 0 : i32
    %dma_wait3A_674 = tpu.memref_slice %arg7[%add3A_665, %dma_wait3A_673] : memref<10240x128xf32, #tpu.memory_space<vmem_shared>> -> memref<40x128xf32, #tpu.memory_space<vmem_shared>>
    %dma_wait3A_675 = arith.constant 0 : i32
    %dma_wait3A_676 = arith.constant 0 : i32
    %dma_wait3A_677 = tpu.memref_slice %arg5[%dma_wait3A_666, %dma_wait3A_675, %dma_wait3A_676] : memref<8x40x128xf32, #tpu.memory_space<vmem>> -> memref<1x40x128xf32, #tpu.memory_space<vmem>>
    %dma_wait3A_678 = tpu.memref_squeeze %dma_wait3A_677 : memref<1x40x128xf32, #tpu.memory_space<vmem>> -> memref<40x128xf32, #tpu.memory_space<vmem>>
    tpu.wait_dma2 semaphore(%arg23 : memref<!tpu.dma_semaphore, #tpu.memory_space<semaphore_mem>>) src(%dma_wait3A_678 : memref<40x128xf32, #tpu.memory_space<vmem>>) dst(%dma_wait3A_674 : memref<40x128xf32, #tpu.memory_space<vmem_shared>>)
    %barrier3A = arith.constant 0 : index
    tpu.barrier barrier_id(%barrier3A)
    %scan3A_679 = arith.constant 0 : i32
    %scan3A_680 = arith.constant 0 : i32
    %scan3A_681 = arith.constant 31 : i32
    %scan3A_682 = arith.addi %scan3A_680, %scan3A_681 : i32
    %scan3A_683 = arith.constant 1 : i32
    %scan3A_684 = scf.for %scan3A_806 = %scan3A_680 to %scan3A_682 step %scan3A_683 iter_args(%scan3A_807 = %scan3A_679) -> (i32)  : i32 {
      %mul3A_808 = arith.constant 8 : i32
      %mul3A_809 = arith.muli %scan3A_806, %mul3A_808 : i32
      %add3A_810 = arith.constant 0 : i32
      %add3A_811 = arith.addi %mul3A_809, %add3A_810 : i32
      %mul3A_812 = arith.constant 40 : i32
      %mul3A_813 = arith.muli %add3A_811, %mul3A_812 : i32
      %add3A_814 = arith.addi %mul3A_2, %mul3A_813 : i32
      %dma_wait3A_815 = arith.constant 0 : i32
      %dma_wait3A_816 = arith.constant 0 : i32
      %dma_wait3A_817 = arith.constant 0 : i32
      %dma_wait3A_818 = tpu.memref_slice %arg5[%dma_wait3A_815, %dma_wait3A_816, %dma_wait3A_817] : memref<8x40x128xf32, #tpu.memory_space<vmem>> -> memref<1x40x128xf32, #tpu.memory_space<vmem>>
      %dma_wait3A_819 = tpu.memref_squeeze %dma_wait3A_818 : memref<1x40x128xf32, #tpu.memory_space<vmem>> -> memref<40x128xf32, #tpu.memory_space<vmem>>
      %dma_wait3A_820 = arith.constant 0 : i32
      %dma_wait3A_821 = tpu.memref_slice %arg2[%add3A_814, %dma_wait3A_820] : memref<320000x128xf32, #tpu.memory_space<hbm>> -> memref<40x128xf32, #tpu.memory_space<hbm>>
      %dma_wait3A_822 = arith.constant 0 : i32
      %dma_wait3A_823 = arith.constant 0 : i32
      %dma_wait3A_824 = tpu.memref_slice %arg5[%dma_wait3A_815, %dma_wait3A_822, %dma_wait3A_823] : memref<8x40x128xf32, #tpu.memory_space<vmem>> -> memref<1x40x128xf32, #tpu.memory_space<vmem>>
      %dma_wait3A_825 = tpu.memref_squeeze %dma_wait3A_824 : memref<1x40x128xf32, #tpu.memory_space<vmem>> -> memref<40x128xf32, #tpu.memory_space<vmem>>
      %dma_wait3A_826 = arith.constant 0 : i32
      %dma_wait3A_827 = tpu.memref_slice %arg2[%add3A_814, %dma_wait3A_826] : memref<320000x128xf32, #tpu.memory_space<hbm>> -> memref<40x128xf32, #tpu.memory_space<hbm>>
      tpu.wait_dma2 semaphore(%arg8 : memref<!tpu.dma_semaphore, #tpu.memory_space<semaphore_mem>>) src(%dma_wait3A_827 : memref<40x128xf32, #tpu.memory_space<hbm>>) dst(%dma_wait3A_825 : memref<40x128xf32, #tpu.memory_space<vmem>>)
      %mul3A_828 = arith.constant 40 : i32
      %mul3A_829 = arith.muli %add3A_811, %mul3A_828 : i32
      %add3A_830 = arith.addi %mul3A_2, %mul3A_829 : i32
      %dma_wait3A_831 = arith.constant 0 : i32
      %dma_wait3A_832 = arith.constant 0 : i32
      %dma_wait3A_833 = arith.constant 0 : i32
      %dma_wait3A_834 = tpu.memref_slice %arg6[%dma_wait3A_831, %dma_wait3A_832, %dma_wait3A_833] : memref<8x1x40xi32, #tpu.memory_space<vmem>> -> memref<1x1x40xi32, #tpu.memory_space<vmem>>
      %dma_wait3A_835 = tpu.memref_squeeze %dma_wait3A_834 : memref<1x1x40xi32, #tpu.memory_space<vmem>> -> memref<40xi32, #tpu.memory_space<vmem>>
      %dma_wait3A_836 = tpu.memref_slice %arg3[%add3A_830] : memref<320000xi32, #tpu.memory_space<hbm>> -> memref<40xi32, #tpu.memory_space<hbm>>
      %dma_wait3A_837 = arith.constant 0 : i32
      %dma_wait3A_838 = tpu.memref_slice %arg6[%dma_wait3A_831, %dma_wait3A_832, %dma_wait3A_837] : memref<8x1x40xi32, #tpu.memory_space<vmem>> -> memref<1x1x40xi32, #tpu.memory_space<vmem>>
      %dma_wait3A_839 = tpu.memref_squeeze %dma_wait3A_838 : memref<1x1x40xi32, #tpu.memory_space<vmem>> -> memref<40xi32, #tpu.memory_space<vmem>>
      %dma_wait3A_840 = tpu.memref_slice %arg3[%add3A_830] : memref<320000xi32, #tpu.memory_space<hbm>> -> memref<40xi32, #tpu.memory_space<hbm>>
      tpu.wait_dma2 semaphore(%arg8 : memref<!tpu.dma_semaphore, #tpu.memory_space<semaphore_mem>>) src(%dma_wait3A_840 : memref<40xi32, #tpu.memory_space<hbm>>) dst(%dma_wait3A_839 : memref<40xi32, #tpu.memory_space<vmem>>)
      %dma_start3A_841 = arith.constant 0 : i32
      %dma_start3A_842 = arith.constant 0 : i32
      %dma_start3A_843 = arith.constant 0 : i32
      %dma_start3A_844 = arith.constant 0 : i32
      %dma_start3A_845 = arith.constant 0 : i32
      %dma_start3A_846 = tpu.memref_slice %arg5[%dma_start3A_841, %dma_start3A_844, %dma_start3A_845] : memref<8x40x128xf32, #tpu.memory_space<vmem>> -> memref<1x40x128xf32, #tpu.memory_space<vmem>>
      %dma_start3A_847 = tpu.memref_squeeze %dma_start3A_846 : memref<1x40x128xf32, #tpu.memory_space<vmem>> -> memref<40x128xf32, #tpu.memory_space<vmem>>
      %dma_start3A_848 = arith.constant 0 : i32
      %dma_start3A_849 = tpu.memref_slice %arg6[%dma_start3A_842, %dma_start3A_843, %dma_start3A_848] : memref<8x1x40xi32, #tpu.memory_space<vmem>> -> memref<1x1x40xi32, #tpu.memory_space<vmem>>
      %dma_start3A_850 = tpu.memref_squeeze %dma_start3A_849 : memref<1x1x40xi32, #tpu.memory_space<vmem>> -> memref<40xi32, #tpu.memory_space<vmem>>
      %dma_start3A_851 = arith.constant 0 : i32
      %dma_start3A_852 = arith.constant 0 : i32
      %dma_start3A_853 = tpu.memref_slice %arg7[%dma_start3A_851, %dma_start3A_852] : memref<10240x128xf32, #tpu.memory_space<vmem_shared>> -> memref<10240x128xf32, #tpu.memory_space<vmem_shared>>
      tpu.enqueue_indirect_dma source(%dma_start3A_847 : memref<40x128xf32, #tpu.memory_space<vmem>>) target(%dma_start3A_853 : memref<10240x128xf32, #tpu.memory_space<vmem_shared>>) offsets(%dma_start3A_850 : memref<40xi32, #tpu.memory_space<vmem>>) semaphore(%arg16 : memref<!tpu.dma_semaphore, #tpu.memory_space<semaphore_mem>>) {add = true}
      %ge3A = arith.constant 1 : i32
      %ge3A_854 = arith.cmpi sge, %add3A_811, %ge3A : i32
      %convert_element_type3A = arith.extui %ge3A_854 : i1 to i32
      %cond3A = arith.constant 0 : i32
      %cond3A_855 = arith.cmpi ne, %convert_element_type3A, %cond3A : i32
      scf.if %cond3A_855 {
        %dma_wait3A_1284 = arith.constant 7 : i32
        %dma_wait3A_1285 = arith.constant 7 : i32
        %dma_wait3A_1286 = arith.constant 0 : i32
        %dma_wait3A_1287 = arith.constant 0 : i32
        %dma_wait3A_1288 = arith.constant 0 : i32
        %dma_wait3A_1289 = tpu.memref_slice %arg5[%dma_wait3A_1284, %dma_wait3A_1287, %dma_wait3A_1288] : memref<8x40x128xf32, #tpu.memory_space<vmem>> -> memref<1x40x128xf32, #tpu.memory_space<vmem>>
        %dma_wait3A_1290 = tpu.memref_squeeze %dma_wait3A_1289 : memref<1x40x128xf32, #tpu.memory_space<vmem>> -> memref<40x128xf32, #tpu.memory_space<vmem>>
        %dma_wait3A_1291 = arith.constant 0 : i32
        %dma_wait3A_1292 = tpu.memref_slice %arg6[%dma_wait3A_1285, %dma_wait3A_1286, %dma_wait3A_1291] : memref<8x1x40xi32, #tpu.memory_space<vmem>> -> memref<1x1x40xi32, #tpu.memory_space<vmem>>
        %dma_wait3A_1293 = tpu.memref_squeeze %dma_wait3A_1292 : memref<1x1x40xi32, #tpu.memory_space<vmem>> -> memref<40xi32, #tpu.memory_space<vmem>>
        %dma_wait3A_1294 = arith.constant 0 : i32
        %dma_wait3A_1295 = arith.constant 0 : i32
        %dma_wait3A_1296 = tpu.memref_slice %arg7[%dma_wait3A_1294, %dma_wait3A_1295] : memref<10240x128xf32, #tpu.memory_space<vmem_shared>> -> memref<10240x128xf32, #tpu.memory_space<vmem_shared>>
        tpu.wait_indirect_dma semaphore(%arg23 : memref<!tpu.dma_semaphore, #tpu.memory_space<semaphore_mem>>) src(%dma_wait3A_1290 : memref<40x128xf32, #tpu.memory_space<vmem>>) dst(%dma_wait3A_1296 : memref<10240x128xf32, #tpu.memory_space<vmem_shared>>)
      } else {
      }
      %add3A_856 = arith.constant 8 : i32
      %add3A_857 = arith.addi %add3A_811, %add3A_856 : i32
      %sub3A = arith.constant 1 : i32
      %sub3A_858 = arith.subi %add3A_857, %sub3A : i32
      %lt3A = arith.constant 250 : i32
      %lt3A_859 = arith.cmpi slt, %sub3A_858, %lt3A : i32
      %convert_element_type3A_860 = arith.extui %lt3A_859 : i1 to i32
      %cond3A_861 = arith.constant 0 : i32
      %cond3A_862 = arith.cmpi ne, %convert_element_type3A_860, %cond3A_861 : i32
      scf.if %cond3A_862 {
        %add3A_1284 = arith.constant 8 : i32
        %add3A_1285 = arith.addi %add3A_811, %add3A_1284 : i32
        %sub3A_1286 = arith.constant 1 : i32
        %sub3A_1287 = arith.subi %add3A_1285, %sub3A_1286 : i32
        %mul3A_1288 = arith.constant 40 : i32
        %mul3A_1289 = arith.muli %sub3A_1287, %mul3A_1288 : i32
        %add3A_1290 = arith.addi %mul3A_2, %mul3A_1289 : i32
        %dma_start3A_1291 = arith.constant 7 : i32
        %dma_start3A_1292 = arith.constant 0 : i32
        %dma_start3A_1293 = arith.constant 0 : i32
        %dma_start3A_1294 = tpu.memref_slice %arg5[%dma_start3A_1291, %dma_start3A_1292, %dma_start3A_1293] : memref<8x40x128xf32, #tpu.memory_space<vmem>> -> memref<1x40x128xf32, #tpu.memory_space<vmem>>
        %dma_start3A_1295 = tpu.memref_squeeze %dma_start3A_1294 : memref<1x40x128xf32, #tpu.memory_space<vmem>> -> memref<40x128xf32, #tpu.memory_space<vmem>>
        %dma_start3A_1296 = arith.constant 0 : i32
        %dma_start3A_1297 = tpu.memref_slice %arg2[%add3A_1290, %dma_start3A_1296] : memref<320000x128xf32, #tpu.memory_space<hbm>> -> memref<40x128xf32, #tpu.memory_space<hbm>>
        %dma_start3A_1298 = arith.constant 0 : i32
        %dma_start3A_1299 = arith.constant 0 : i32
        %dma_start3A_1300 = tpu.memref_slice %arg5[%dma_start3A_1291, %dma_start3A_1298, %dma_start3A_1299] : memref<8x40x128xf32, #tpu.memory_space<vmem>> -> memref<1x40x128xf32, #tpu.memory_space<vmem>>
        %dma_start3A_1301 = tpu.memref_squeeze %dma_start3A_1300 : memref<1x40x128xf32, #tpu.memory_space<vmem>> -> memref<40x128xf32, #tpu.memory_space<vmem>>
        %dma_start3A_1302 = arith.constant 0 : i32
        %dma_start3A_1303 = tpu.memref_slice %arg2[%add3A_1290, %dma_start3A_1302] : memref<320000x128xf32, #tpu.memory_space<hbm>> -> memref<40x128xf32, #tpu.memory_space<hbm>>
        tpu.enqueue_dma source(%dma_start3A_1303 : memref<40x128xf32, #tpu.memory_space<hbm>>) target(%dma_start3A_1301 : memref<40x128xf32, #tpu.memory_space<vmem>>) target_semaphore(%arg15 : memref<!tpu.dma_semaphore, #tpu.memory_space<semaphore_mem>>)
        %mul3A_1304 = arith.constant 40 : i32
        %mul3A_1305 = arith.muli %sub3A_1287, %mul3A_1304 : i32
        %add3A_1306 = arith.addi %mul3A_2, %mul3A_1305 : i32
        %dma_start3A_1307 = arith.constant 7 : i32
        %dma_start3A_1308 = arith.constant 0 : i32
        %dma_start3A_1309 = arith.constant 0 : i32
        %dma_start3A_1310 = tpu.memref_slice %arg6[%dma_start3A_1307, %dma_start3A_1308, %dma_start3A_1309] : memref<8x1x40xi32, #tpu.memory_space<vmem>> -> memref<1x1x40xi32, #tpu.memory_space<vmem>>
        %dma_start3A_1311 = tpu.memref_squeeze %dma_start3A_1310 : memref<1x1x40xi32, #tpu.memory_space<vmem>> -> memref<40xi32, #tpu.memory_space<vmem>>
        %dma_start3A_1312 = tpu.memref_slice %arg3[%add3A_1306] : memref<320000xi32, #tpu.memory_space<hbm>> -> memref<40xi32, #tpu.memory_space<hbm>>
        %dma_start3A_1313 = arith.constant 0 : i32
        %dma_start3A_1314 = tpu.memref_slice %arg6[%dma_start3A_1307, %dma_start3A_1308, %dma_start3A_1313] : memref<8x1x40xi32, #tpu.memory_space<vmem>> -> memref<1x1x40xi32, #tpu.memory_space<vmem>>
        %dma_start3A_1315 = tpu.memref_squeeze %dma_start3A_1314 : memref<1x1x40xi32, #tpu.memory_space<vmem>> -> memref<40xi32, #tpu.memory_space<vmem>>
        %dma_start3A_1316 = tpu.memref_slice %arg3[%add3A_1306] : memref<320000xi32, #tpu.memory_space<hbm>> -> memref<40xi32, #tpu.memory_space<hbm>>
        tpu.enqueue_dma source(%dma_start3A_1316 : memref<40xi32, #tpu.memory_space<hbm>>) target(%dma_start3A_1315 : memref<40xi32, #tpu.memory_space<vmem>>) target_semaphore(%arg15 : memref<!tpu.dma_semaphore, #tpu.memory_space<semaphore_mem>>)
      } else {
      }
      %mul3A_863 = arith.constant 8 : i32
      %mul3A_864 = arith.muli %scan3A_806, %mul3A_863 : i32
      %add3A_865 = arith.constant 1 : i32
      %add3A_866 = arith.addi %mul3A_864, %add3A_865 : i32
      %mul3A_867 = arith.constant 40 : i32
      %mul3A_868 = arith.muli %add3A_866, %mul3A_867 : i32
      %add3A_869 = arith.addi %mul3A_2, %mul3A_868 : i32
      %dma_wait3A_870 = arith.constant 1 : i32
      %dma_wait3A_871 = arith.constant 0 : i32
      %dma_wait3A_872 = arith.constant 0 : i32
      %dma_wait3A_873 = tpu.memref_slice %arg5[%dma_wait3A_870, %dma_wait3A_871, %dma_wait3A_872] : memref<8x40x128xf32, #tpu.memory_space<vmem>> -> memref<1x40x128xf32, #tpu.memory_space<vmem>>
      %dma_wait3A_874 = tpu.memref_squeeze %dma_wait3A_873 : memref<1x40x128xf32, #tpu.memory_space<vmem>> -> memref<40x128xf32, #tpu.memory_space<vmem>>
      %dma_wait3A_875 = arith.constant 0 : i32
      %dma_wait3A_876 = tpu.memref_slice %arg2[%add3A_869, %dma_wait3A_875] : memref<320000x128xf32, #tpu.memory_space<hbm>> -> memref<40x128xf32, #tpu.memory_space<hbm>>
      %dma_wait3A_877 = arith.constant 0 : i32
      %dma_wait3A_878 = arith.constant 0 : i32
      %dma_wait3A_879 = tpu.memref_slice %arg5[%dma_wait3A_870, %dma_wait3A_877, %dma_wait3A_878] : memref<8x40x128xf32, #tpu.memory_space<vmem>> -> memref<1x40x128xf32, #tpu.memory_space<vmem>>
      %dma_wait3A_880 = tpu.memref_squeeze %dma_wait3A_879 : memref<1x40x128xf32, #tpu.memory_space<vmem>> -> memref<40x128xf32, #tpu.memory_space<vmem>>
      %dma_wait3A_881 = arith.constant 0 : i32
      %dma_wait3A_882 = tpu.memref_slice %arg2[%add3A_869, %dma_wait3A_881] : memref<320000x128xf32, #tpu.memory_space<hbm>> -> memref<40x128xf32, #tpu.memory_space<hbm>>
      tpu.wait_dma2 semaphore(%arg9 : memref<!tpu.dma_semaphore, #tpu.memory_space<semaphore_mem>>) src(%dma_wait3A_882 : memref<40x128xf32, #tpu.memory_space<hbm>>) dst(%dma_wait3A_880 : memref<40x128xf32, #tpu.memory_space<vmem>>)
      %mul3A_883 = arith.constant 40 : i32
      %mul3A_884 = arith.muli %add3A_866, %mul3A_883 : i32
      %add3A_885 = arith.addi %mul3A_2, %mul3A_884 : i32
      %dma_wait3A_886 = arith.constant 1 : i32
      %dma_wait3A_887 = arith.constant 0 : i32
      %dma_wait3A_888 = arith.constant 0 : i32
      %dma_wait3A_889 = tpu.memref_slice %arg6[%dma_wait3A_886, %dma_wait3A_887, %dma_wait3A_888] : memref<8x1x40xi32, #tpu.memory_space<vmem>> -> memref<1x1x40xi32, #tpu.memory_space<vmem>>
      %dma_wait3A_890 = tpu.memref_squeeze %dma_wait3A_889 : memref<1x1x40xi32, #tpu.memory_space<vmem>> -> memref<40xi32, #tpu.memory_space<vmem>>
      %dma_wait3A_891 = tpu.memref_slice %arg3[%add3A_885] : memref<320000xi32, #tpu.memory_space<hbm>> -> memref<40xi32, #tpu.memory_space<hbm>>
      %dma_wait3A_892 = arith.constant 0 : i32
      %dma_wait3A_893 = tpu.memref_slice %arg6[%dma_wait3A_886, %dma_wait3A_887, %dma_wait3A_892] : memref<8x1x40xi32, #tpu.memory_space<vmem>> -> memref<1x1x40xi32, #tpu.memory_space<vmem>>
      %dma_wait3A_894 = tpu.memref_squeeze %dma_wait3A_893 : memref<1x1x40xi32, #tpu.memory_space<vmem>> -> memref<40xi32, #tpu.memory_space<vmem>>
      %dma_wait3A_895 = tpu.memref_slice %arg3[%add3A_885] : memref<320000xi32, #tpu.memory_space<hbm>> -> memref<40xi32, #tpu.memory_space<hbm>>
      tpu.wait_dma2 semaphore(%arg9 : memref<!tpu.dma_semaphore, #tpu.memory_space<semaphore_mem>>) src(%dma_wait3A_895 : memref<40xi32, #tpu.memory_space<hbm>>) dst(%dma_wait3A_894 : memref<40xi32, #tpu.memory_space<vmem>>)
      %dma_start3A_896 = arith.constant 1 : i32
      %dma_start3A_897 = arith.constant 1 : i32
      %dma_start3A_898 = arith.constant 0 : i32
      %dma_start3A_899 = arith.constant 0 : i32
      %dma_start3A_900 = arith.constant 0 : i32
      %dma_start3A_901 = tpu.memref_slice %arg5[%dma_start3A_896, %dma_start3A_899, %dma_start3A_900] : memref<8x40x128xf32, #tpu.memory_space<vmem>> -> memref<1x40x128xf32, #tpu.memory_space<vmem>>
      %dma_start3A_902 = tpu.memref_squeeze %dma_start3A_901 : memref<1x40x128xf32, #tpu.memory_space<vmem>> -> memref<40x128xf32, #tpu.memory_space<vmem>>
      %dma_start3A_903 = arith.constant 0 : i32
      %dma_start3A_904 = tpu.memref_slice %arg6[%dma_start3A_897, %dma_start3A_898, %dma_start3A_903] : memref<8x1x40xi32, #tpu.memory_space<vmem>> -> memref<1x1x40xi32, #tpu.memory_space<vmem>>
      %dma_start3A_905 = tpu.memref_squeeze %dma_start3A_904 : memref<1x1x40xi32, #tpu.memory_space<vmem>> -> memref<40xi32, #tpu.memory_space<vmem>>
      %dma_start3A_906 = arith.constant 0 : i32
      %dma_start3A_907 = arith.constant 0 : i32
      %dma_start3A_908 = tpu.memref_slice %arg7[%dma_start3A_906, %dma_start3A_907] : memref<10240x128xf32, #tpu.memory_space<vmem_shared>> -> memref<10240x128xf32, #tpu.memory_space<vmem_shared>>
      tpu.enqueue_indirect_dma source(%dma_start3A_902 : memref<40x128xf32, #tpu.memory_space<vmem>>) target(%dma_start3A_908 : memref<10240x128xf32, #tpu.memory_space<vmem_shared>>) offsets(%dma_start3A_905 : memref<40xi32, #tpu.memory_space<vmem>>) semaphore(%arg17 : memref<!tpu.dma_semaphore, #tpu.memory_space<semaphore_mem>>) {add = true}
      %ge3A_909 = arith.constant 1 : i32
      %ge3A_910 = arith.cmpi sge, %add3A_866, %ge3A_909 : i32
      %convert_element_type3A_911 = arith.extui %ge3A_910 : i1 to i32
      %cond3A_912 = arith.constant 0 : i32
      %cond3A_913 = arith.cmpi ne, %convert_element_type3A_911, %cond3A_912 : i32
      scf.if %cond3A_913 {
        %dma_wait3A_1284 = arith.constant 0 : i32
        %dma_wait3A_1285 = arith.constant 0 : i32
        %dma_wait3A_1286 = arith.constant 0 : i32
        %dma_wait3A_1287 = arith.constant 0 : i32
        %dma_wait3A_1288 = arith.constant 0 : i32
        %dma_wait3A_1289 = tpu.memref_slice %arg5[%dma_wait3A_1284, %dma_wait3A_1287, %dma_wait3A_1288] : memref<8x40x128xf32, #tpu.memory_space<vmem>> -> memref<1x40x128xf32, #tpu.memory_space<vmem>>
        %dma_wait3A_1290 = tpu.memref_squeeze %dma_wait3A_1289 : memref<1x40x128xf32, #tpu.memory_space<vmem>> -> memref<40x128xf32, #tpu.memory_space<vmem>>
        %dma_wait3A_1291 = arith.constant 0 : i32
        %dma_wait3A_1292 = tpu.memref_slice %arg6[%dma_wait3A_1285, %dma_wait3A_1286, %dma_wait3A_1291] : memref<8x1x40xi32, #tpu.memory_space<vmem>> -> memref<1x1x40xi32, #tpu.memory_space<vmem>>
        %dma_wait3A_1293 = tpu.memref_squeeze %dma_wait3A_1292 : memref<1x1x40xi32, #tpu.memory_space<vmem>> -> memref<40xi32, #tpu.memory_space<vmem>>
        %dma_wait3A_1294 = arith.constant 0 : i32
        %dma_wait3A_1295 = arith.constant 0 : i32
        %dma_wait3A_1296 = tpu.memref_slice %arg7[%dma_wait3A_1294, %dma_wait3A_1295] : memref<10240x128xf32, #tpu.memory_space<vmem_shared>> -> memref<10240x128xf32, #tpu.memory_space<vmem_shared>>
        tpu.wait_indirect_dma semaphore(%arg16 : memref<!tpu.dma_semaphore, #tpu.memory_space<semaphore_mem>>) src(%dma_wait3A_1290 : memref<40x128xf32, #tpu.memory_space<vmem>>) dst(%dma_wait3A_1296 : memref<10240x128xf32, #tpu.memory_space<vmem_shared>>)
      } else {
      }
      %add3A_914 = arith.constant 8 : i32
      %add3A_915 = arith.addi %add3A_866, %add3A_914 : i32
      %sub3A_916 = arith.constant 1 : i32
      %sub3A_917 = arith.subi %add3A_915, %sub3A_916 : i32
      %lt3A_918 = arith.constant 250 : i32
      %lt3A_919 = arith.cmpi slt, %sub3A_917, %lt3A_918 : i32
      %convert_element_type3A_920 = arith.extui %lt3A_919 : i1 to i32
      %cond3A_921 = arith.constant 0 : i32
      %cond3A_922 = arith.cmpi ne, %convert_element_type3A_920, %cond3A_921 : i32
      scf.if %cond3A_922 {
        %add3A_1284 = arith.constant 8 : i32
        %add3A_1285 = arith.addi %add3A_866, %add3A_1284 : i32
        %sub3A_1286 = arith.constant 1 : i32
        %sub3A_1287 = arith.subi %add3A_1285, %sub3A_1286 : i32
        %mul3A_1288 = arith.constant 40 : i32
        %mul3A_1289 = arith.muli %sub3A_1287, %mul3A_1288 : i32
        %add3A_1290 = arith.addi %mul3A_2, %mul3A_1289 : i32
        %dma_start3A_1291 = arith.constant 0 : i32
        %dma_start3A_1292 = arith.constant 0 : i32
        %dma_start3A_1293 = arith.constant 0 : i32
        %dma_start3A_1294 = tpu.memref_slice %arg5[%dma_start3A_1291, %dma_start3A_1292, %dma_start3A_1293] : memref<8x40x128xf32, #tpu.memory_space<vmem>> -> memref<1x40x128xf32, #tpu.memory_space<vmem>>
        %dma_start3A_1295 = tpu.memref_squeeze %dma_start3A_1294 : memref<1x40x128xf32, #tpu.memory_space<vmem>> -> memref<40x128xf32, #tpu.memory_space<vmem>>
        %dma_start3A_1296 = arith.constant 0 : i32
        %dma_start3A_1297 = tpu.memref_slice %arg2[%add3A_1290, %dma_start3A_1296] : memref<320000x128xf32, #tpu.memory_space<hbm>> -> memref<40x128xf32, #tpu.memory_space<hbm>>
        %dma_start3A_1298 = arith.constant 0 : i32
        %dma_start3A_1299 = arith.constant 0 : i32
        %dma_start3A_1300 = tpu.memref_slice %arg5[%dma_start3A_1291, %dma_start3A_1298, %dma_start3A_1299] : memref<8x40x128xf32, #tpu.memory_space<vmem>> -> memref<1x40x128xf32, #tpu.memory_space<vmem>>
        %dma_start3A_1301 = tpu.memref_squeeze %dma_start3A_1300 : memref<1x40x128xf32, #tpu.memory_space<vmem>> -> memref<40x128xf32, #tpu.memory_space<vmem>>
        %dma_start3A_1302 = arith.constant 0 : i32
        %dma_start3A_1303 = tpu.memref_slice %arg2[%add3A_1290, %dma_start3A_1302] : memref<320000x128xf32, #tpu.memory_space<hbm>> -> memref<40x128xf32, #tpu.memory_space<hbm>>
        tpu.enqueue_dma source(%dma_start3A_1303 : memref<40x128xf32, #tpu.memory_space<hbm>>) target(%dma_start3A_1301 : memref<40x128xf32, #tpu.memory_space<vmem>>) target_semaphore(%arg8 : memref<!tpu.dma_semaphore, #tpu.memory_space<semaphore_mem>>)
        %mul3A_1304 = arith.constant 40 : i32
        %mul3A_1305 = arith.muli %sub3A_1287, %mul3A_1304 : i32
        %add3A_1306 = arith.addi %mul3A_2, %mul3A_1305 : i32
        %dma_start3A_1307 = arith.constant 0 : i32
        %dma_start3A_1308 = arith.constant 0 : i32
        %dma_start3A_1309 = arith.constant 0 : i32
        %dma_start3A_1310 = tpu.memref_slice %arg6[%dma_start3A_1307, %dma_start3A_1308, %dma_start3A_1309] : memref<8x1x40xi32, #tpu.memory_space<vmem>> -> memref<1x1x40xi32, #tpu.memory_space<vmem>>
        %dma_start3A_1311 = tpu.memref_squeeze %dma_start3A_1310 : memref<1x1x40xi32, #tpu.memory_space<vmem>> -> memref<40xi32, #tpu.memory_space<vmem>>
        %dma_start3A_1312 = tpu.memref_slice %arg3[%add3A_1306] : memref<320000xi32, #tpu.memory_space<hbm>> -> memref<40xi32, #tpu.memory_space<hbm>>
        %dma_start3A_1313 = arith.constant 0 : i32
        %dma_start3A_1314 = tpu.memref_slice %arg6[%dma_start3A_1307, %dma_start3A_1308, %dma_start3A_1313] : memref<8x1x40xi32, #tpu.memory_space<vmem>> -> memref<1x1x40xi32, #tpu.memory_space<vmem>>
        %dma_start3A_1315 = tpu.memref_squeeze %dma_start3A_1314 : memref<1x1x40xi32, #tpu.memory_space<vmem>> -> memref<40xi32, #tpu.memory_space<vmem>>
        %dma_start3A_1316 = tpu.memref_slice %arg3[%add3A_1306] : memref<320000xi32, #tpu.memory_space<hbm>> -> memref<40xi32, #tpu.memory_space<hbm>>
        tpu.enqueue_dma source(%dma_start3A_1316 : memref<40xi32, #tpu.memory_space<hbm>>) target(%dma_start3A_1315 : memref<40xi32, #tpu.memory_space<vmem>>) target_semaphore(%arg8 : memref<!tpu.dma_semaphore, #tpu.memory_space<semaphore_mem>>)
      } else {
      }
      %mul3A_923 = arith.constant 8 : i32
      %mul3A_924 = arith.muli %scan3A_806, %mul3A_923 : i32
      %add3A_925 = arith.constant 2 : i32
      %add3A_926 = arith.addi %mul3A_924, %add3A_925 : i32
      %mul3A_927 = arith.constant 40 : i32
      %mul3A_928 = arith.muli %add3A_926, %mul3A_927 : i32
      %add3A_929 = arith.addi %mul3A_2, %mul3A_928 : i32
      %dma_wait3A_930 = arith.constant 2 : i32
      %dma_wait3A_931 = arith.constant 0 : i32
      %dma_wait3A_932 = arith.constant 0 : i32
      %dma_wait3A_933 = tpu.memref_slice %arg5[%dma_wait3A_930, %dma_wait3A_931, %dma_wait3A_932] : memref<8x40x128xf32, #tpu.memory_space<vmem>> -> memref<1x40x128xf32, #tpu.memory_space<vmem>>
      %dma_wait3A_934 = tpu.memref_squeeze %dma_wait3A_933 : memref<1x40x128xf32, #tpu.memory_space<vmem>> -> memref<40x128xf32, #tpu.memory_space<vmem>>
      %dma_wait3A_935 = arith.constant 0 : i32
      %dma_wait3A_936 = tpu.memref_slice %arg2[%add3A_929, %dma_wait3A_935] : memref<320000x128xf32, #tpu.memory_space<hbm>> -> memref<40x128xf32, #tpu.memory_space<hbm>>
      %dma_wait3A_937 = arith.constant 0 : i32
      %dma_wait3A_938 = arith.constant 0 : i32
      %dma_wait3A_939 = tpu.memref_slice %arg5[%dma_wait3A_930, %dma_wait3A_937, %dma_wait3A_938] : memref<8x40x128xf32, #tpu.memory_space<vmem>> -> memref<1x40x128xf32, #tpu.memory_space<vmem>>
      %dma_wait3A_940 = tpu.memref_squeeze %dma_wait3A_939 : memref<1x40x128xf32, #tpu.memory_space<vmem>> -> memref<40x128xf32, #tpu.memory_space<vmem>>
      %dma_wait3A_941 = arith.constant 0 : i32
      %dma_wait3A_942 = tpu.memref_slice %arg2[%add3A_929, %dma_wait3A_941] : memref<320000x128xf32, #tpu.memory_space<hbm>> -> memref<40x128xf32, #tpu.memory_space<hbm>>
      tpu.wait_dma2 semaphore(%arg10 : memref<!tpu.dma_semaphore, #tpu.memory_space<semaphore_mem>>) src(%dma_wait3A_942 : memref<40x128xf32, #tpu.memory_space<hbm>>) dst(%dma_wait3A_940 : memref<40x128xf32, #tpu.memory_space<vmem>>)
      %mul3A_943 = arith.constant 40 : i32
      %mul3A_944 = arith.muli %add3A_926, %mul3A_943 : i32
      %add3A_945 = arith.addi %mul3A_2, %mul3A_944 : i32
      %dma_wait3A_946 = arith.constant 2 : i32
      %dma_wait3A_947 = arith.constant 0 : i32
      %dma_wait3A_948 = arith.constant 0 : i32
      %dma_wait3A_949 = tpu.memref_slice %arg6[%dma_wait3A_946, %dma_wait3A_947, %dma_wait3A_948] : memref<8x1x40xi32, #tpu.memory_space<vmem>> -> memref<1x1x40xi32, #tpu.memory_space<vmem>>
      %dma_wait3A_950 = tpu.memref_squeeze %dma_wait3A_949 : memref<1x1x40xi32, #tpu.memory_space<vmem>> -> memref<40xi32, #tpu.memory_space<vmem>>
      %dma_wait3A_951 = tpu.memref_slice %arg3[%add3A_945] : memref<320000xi32, #tpu.memory_space<hbm>> -> memref<40xi32, #tpu.memory_space<hbm>>
      %dma_wait3A_952 = arith.constant 0 : i32
      %dma_wait3A_953 = tpu.memref_slice %arg6[%dma_wait3A_946, %dma_wait3A_947, %dma_wait3A_952] : memref<8x1x40xi32, #tpu.memory_space<vmem>> -> memref<1x1x40xi32, #tpu.memory_space<vmem>>
      %dma_wait3A_954 = tpu.memref_squeeze %dma_wait3A_953 : memref<1x1x40xi32, #tpu.memory_space<vmem>> -> memref<40xi32, #tpu.memory_space<vmem>>
      %dma_wait3A_955 = tpu.memref_slice %arg3[%add3A_945] : memref<320000xi32, #tpu.memory_space<hbm>> -> memref<40xi32, #tpu.memory_space<hbm>>
      tpu.wait_dma2 semaphore(%arg10 : memref<!tpu.dma_semaphore, #tpu.memory_space<semaphore_mem>>) src(%dma_wait3A_955 : memref<40xi32, #tpu.memory_space<hbm>>) dst(%dma_wait3A_954 : memref<40xi32, #tpu.memory_space<vmem>>)
      %dma_start3A_956 = arith.constant 2 : i32
      %dma_start3A_957 = arith.constant 2 : i32
      %dma_start3A_958 = arith.constant 0 : i32
      %dma_start3A_959 = arith.constant 0 : i32
      %dma_start3A_960 = arith.constant 0 : i32
      %dma_start3A_961 = tpu.memref_slice %arg5[%dma_start3A_956, %dma_start3A_959, %dma_start3A_960] : memref<8x40x128xf32, #tpu.memory_space<vmem>> -> memref<1x40x128xf32, #tpu.memory_space<vmem>>
      %dma_start3A_962 = tpu.memref_squeeze %dma_start3A_961 : memref<1x40x128xf32, #tpu.memory_space<vmem>> -> memref<40x128xf32, #tpu.memory_space<vmem>>
      %dma_start3A_963 = arith.constant 0 : i32
      %dma_start3A_964 = tpu.memref_slice %arg6[%dma_start3A_957, %dma_start3A_958, %dma_start3A_963] : memref<8x1x40xi32, #tpu.memory_space<vmem>> -> memref<1x1x40xi32, #tpu.memory_space<vmem>>
      %dma_start3A_965 = tpu.memref_squeeze %dma_start3A_964 : memref<1x1x40xi32, #tpu.memory_space<vmem>> -> memref<40xi32, #tpu.memory_space<vmem>>
      %dma_start3A_966 = arith.constant 0 : i32
      %dma_start3A_967 = arith.constant 0 : i32
      %dma_start3A_968 = tpu.memref_slice %arg7[%dma_start3A_966, %dma_start3A_967] : memref<10240x128xf32, #tpu.memory_space<vmem_shared>> -> memref<10240x128xf32, #tpu.memory_space<vmem_shared>>
      tpu.enqueue_indirect_dma source(%dma_start3A_962 : memref<40x128xf32, #tpu.memory_space<vmem>>) target(%dma_start3A_968 : memref<10240x128xf32, #tpu.memory_space<vmem_shared>>) offsets(%dma_start3A_965 : memref<40xi32, #tpu.memory_space<vmem>>) semaphore(%arg18 : memref<!tpu.dma_semaphore, #tpu.memory_space<semaphore_mem>>) {add = true}
      %ge3A_969 = arith.constant 1 : i32
      %ge3A_970 = arith.cmpi sge, %add3A_926, %ge3A_969 : i32
      %convert_element_type3A_971 = arith.extui %ge3A_970 : i1 to i32
      %cond3A_972 = arith.constant 0 : i32
      %cond3A_973 = arith.cmpi ne, %convert_element_type3A_971, %cond3A_972 : i32
      scf.if %cond3A_973 {
        %dma_wait3A_1284 = arith.constant 1 : i32
        %dma_wait3A_1285 = arith.constant 1 : i32
        %dma_wait3A_1286 = arith.constant 0 : i32
        %dma_wait3A_1287 = arith.constant 0 : i32
        %dma_wait3A_1288 = arith.constant 0 : i32
        %dma_wait3A_1289 = tpu.memref_slice %arg5[%dma_wait3A_1284, %dma_wait3A_1287, %dma_wait3A_1288] : memref<8x40x128xf32, #tpu.memory_space<vmem>> -> memref<1x40x128xf32, #tpu.memory_space<vmem>>
        %dma_wait3A_1290 = tpu.memref_squeeze %dma_wait3A_1289 : memref<1x40x128xf32, #tpu.memory_space<vmem>> -> memref<40x128xf32, #tpu.memory_space<vmem>>
        %dma_wait3A_1291 = arith.constant 0 : i32
        %dma_wait3A_1292 = tpu.memref_slice %arg6[%dma_wait3A_1285, %dma_wait3A_1286, %dma_wait3A_1291] : memref<8x1x40xi32, #tpu.memory_space<vmem>> -> memref<1x1x40xi32, #tpu.memory_space<vmem>>
        %dma_wait3A_1293 = tpu.memref_squeeze %dma_wait3A_1292 : memref<1x1x40xi32, #tpu.memory_space<vmem>> -> memref<40xi32, #tpu.memory_space<vmem>>
        %dma_wait3A_1294 = arith.constant 0 : i32
        %dma_wait3A_1295 = arith.constant 0 : i32
        %dma_wait3A_1296 = tpu.memref_slice %arg7[%dma_wait3A_1294, %dma_wait3A_1295] : memref<10240x128xf32, #tpu.memory_space<vmem_shared>> -> memref<10240x128xf32, #tpu.memory_space<vmem_shared>>
        tpu.wait_indirect_dma semaphore(%arg17 : memref<!tpu.dma_semaphore, #tpu.memory_space<semaphore_mem>>) src(%dma_wait3A_1290 : memref<40x128xf32, #tpu.memory_space<vmem>>) dst(%dma_wait3A_1296 : memref<10240x128xf32, #tpu.memory_space<vmem_shared>>)
      } else {
      }
      %add3A_974 = arith.constant 8 : i32
      %add3A_975 = arith.addi %add3A_926, %add3A_974 : i32
      %sub3A_976 = arith.constant 1 : i32
      %sub3A_977 = arith.subi %add3A_975, %sub3A_976 : i32
      %lt3A_978 = arith.constant 250 : i32
      %lt3A_979 = arith.cmpi slt, %sub3A_977, %lt3A_978 : i32
      %convert_element_type3A_980 = arith.extui %lt3A_979 : i1 to i32
      %cond3A_981 = arith.constant 0 : i32
      %cond3A_982 = arith.cmpi ne, %convert_element_type3A_980, %cond3A_981 : i32
      scf.if %cond3A_982 {
        %add3A_1284 = arith.constant 8 : i32
        %add3A_1285 = arith.addi %add3A_926, %add3A_1284 : i32
        %sub3A_1286 = arith.constant 1 : i32
        %sub3A_1287 = arith.subi %add3A_1285, %sub3A_1286 : i32
        %mul3A_1288 = arith.constant 40 : i32
        %mul3A_1289 = arith.muli %sub3A_1287, %mul3A_1288 : i32
        %add3A_1290 = arith.addi %mul3A_2, %mul3A_1289 : i32
        %dma_start3A_1291 = arith.constant 1 : i32
        %dma_start3A_1292 = arith.constant 0 : i32
        %dma_start3A_1293 = arith.constant 0 : i32
        %dma_start3A_1294 = tpu.memref_slice %arg5[%dma_start3A_1291, %dma_start3A_1292, %dma_start3A_1293] : memref<8x40x128xf32, #tpu.memory_space<vmem>> -> memref<1x40x128xf32, #tpu.memory_space<vmem>>
        %dma_start3A_1295 = tpu.memref_squeeze %dma_start3A_1294 : memref<1x40x128xf32, #tpu.memory_space<vmem>> -> memref<40x128xf32, #tpu.memory_space<vmem>>
        %dma_start3A_1296 = arith.constant 0 : i32
        %dma_start3A_1297 = tpu.memref_slice %arg2[%add3A_1290, %dma_start3A_1296] : memref<320000x128xf32, #tpu.memory_space<hbm>> -> memref<40x128xf32, #tpu.memory_space<hbm>>
        %dma_start3A_1298 = arith.constant 0 : i32
        %dma_start3A_1299 = arith.constant 0 : i32
        %dma_start3A_1300 = tpu.memref_slice %arg5[%dma_start3A_1291, %dma_start3A_1298, %dma_start3A_1299] : memref<8x40x128xf32, #tpu.memory_space<vmem>> -> memref<1x40x128xf32, #tpu.memory_space<vmem>>
        %dma_start3A_1301 = tpu.memref_squeeze %dma_start3A_1300 : memref<1x40x128xf32, #tpu.memory_space<vmem>> -> memref<40x128xf32, #tpu.memory_space<vmem>>
        %dma_start3A_1302 = arith.constant 0 : i32
        %dma_start3A_1303 = tpu.memref_slice %arg2[%add3A_1290, %dma_start3A_1302] : memref<320000x128xf32, #tpu.memory_space<hbm>> -> memref<40x128xf32, #tpu.memory_space<hbm>>
        tpu.enqueue_dma source(%dma_start3A_1303 : memref<40x128xf32, #tpu.memory_space<hbm>>) target(%dma_start3A_1301 : memref<40x128xf32, #tpu.memory_space<vmem>>) target_semaphore(%arg9 : memref<!tpu.dma_semaphore, #tpu.memory_space<semaphore_mem>>)
        %mul3A_1304 = arith.constant 40 : i32
        %mul3A_1305 = arith.muli %sub3A_1287, %mul3A_1304 : i32
        %add3A_1306 = arith.addi %mul3A_2, %mul3A_1305 : i32
        %dma_start3A_1307 = arith.constant 1 : i32
        %dma_start3A_1308 = arith.constant 0 : i32
        %dma_start3A_1309 = arith.constant 0 : i32
        %dma_start3A_1310 = tpu.memref_slice %arg6[%dma_start3A_1307, %dma_start3A_1308, %dma_start3A_1309] : memref<8x1x40xi32, #tpu.memory_space<vmem>> -> memref<1x1x40xi32, #tpu.memory_space<vmem>>
        %dma_start3A_1311 = tpu.memref_squeeze %dma_start3A_1310 : memref<1x1x40xi32, #tpu.memory_space<vmem>> -> memref<40xi32, #tpu.memory_space<vmem>>
        %dma_start3A_1312 = tpu.memref_slice %arg3[%add3A_1306] : memref<320000xi32, #tpu.memory_space<hbm>> -> memref<40xi32, #tpu.memory_space<hbm>>
        %dma_start3A_1313 = arith.constant 0 : i32
        %dma_start3A_1314 = tpu.memref_slice %arg6[%dma_start3A_1307, %dma_start3A_1308, %dma_start3A_1313] : memref<8x1x40xi32, #tpu.memory_space<vmem>> -> memref<1x1x40xi32, #tpu.memory_space<vmem>>
        %dma_start3A_1315 = tpu.memref_squeeze %dma_start3A_1314 : memref<1x1x40xi32, #tpu.memory_space<vmem>> -> memref<40xi32, #tpu.memory_space<vmem>>
        %dma_start3A_1316 = tpu.memref_slice %arg3[%add3A_1306] : memref<320000xi32, #tpu.memory_space<hbm>> -> memref<40xi32, #tpu.memory_space<hbm>>
        tpu.enqueue_dma source(%dma_start3A_1316 : memref<40xi32, #tpu.memory_space<hbm>>) target(%dma_start3A_1315 : memref<40xi32, #tpu.memory_space<vmem>>) target_semaphore(%arg9 : memref<!tpu.dma_semaphore, #tpu.memory_space<semaphore_mem>>)
      } else {
      }
      %mul3A_983 = arith.constant 8 : i32
      %mul3A_984 = arith.muli %scan3A_806, %mul3A_983 : i32
      %add3A_985 = arith.constant 3 : i32
      %add3A_986 = arith.addi %mul3A_984, %add3A_985 : i32
      %mul3A_987 = arith.constant 40 : i32
      %mul3A_988 = arith.muli %add3A_986, %mul3A_987 : i32
      %add3A_989 = arith.addi %mul3A_2, %mul3A_988 : i32
      %dma_wait3A_990 = arith.constant 3 : i32
      %dma_wait3A_991 = arith.constant 0 : i32
      %dma_wait3A_992 = arith.constant 0 : i32
      %dma_wait3A_993 = tpu.memref_slice %arg5[%dma_wait3A_990, %dma_wait3A_991, %dma_wait3A_992] : memref<8x40x128xf32, #tpu.memory_space<vmem>> -> memref<1x40x128xf32, #tpu.memory_space<vmem>>
      %dma_wait3A_994 = tpu.memref_squeeze %dma_wait3A_993 : memref<1x40x128xf32, #tpu.memory_space<vmem>> -> memref<40x128xf32, #tpu.memory_space<vmem>>
      %dma_wait3A_995 = arith.constant 0 : i32
      %dma_wait3A_996 = tpu.memref_slice %arg2[%add3A_989, %dma_wait3A_995] : memref<320000x128xf32, #tpu.memory_space<hbm>> -> memref<40x128xf32, #tpu.memory_space<hbm>>
      %dma_wait3A_997 = arith.constant 0 : i32
      %dma_wait3A_998 = arith.constant 0 : i32
      %dma_wait3A_999 = tpu.memref_slice %arg5[%dma_wait3A_990, %dma_wait3A_997, %dma_wait3A_998] : memref<8x40x128xf32, #tpu.memory_space<vmem>> -> memref<1x40x128xf32, #tpu.memory_space<vmem>>
      %dma_wait3A_1000 = tpu.memref_squeeze %dma_wait3A_999 : memref<1x40x128xf32, #tpu.memory_space<vmem>> -> memref<40x128xf32, #tpu.memory_space<vmem>>
      %dma_wait3A_1001 = arith.constant 0 : i32
      %dma_wait3A_1002 = tpu.memref_slice %arg2[%add3A_989, %dma_wait3A_1001] : memref<320000x128xf32, #tpu.memory_space<hbm>> -> memref<40x128xf32, #tpu.memory_space<hbm>>
      tpu.wait_dma2 semaphore(%arg11 : memref<!tpu.dma_semaphore, #tpu.memory_space<semaphore_mem>>) src(%dma_wait3A_1002 : memref<40x128xf32, #tpu.memory_space<hbm>>) dst(%dma_wait3A_1000 : memref<40x128xf32, #tpu.memory_space<vmem>>)
      %mul3A_1003 = arith.constant 40 : i32
      %mul3A_1004 = arith.muli %add3A_986, %mul3A_1003 : i32
      %add3A_1005 = arith.addi %mul3A_2, %mul3A_1004 : i32
      %dma_wait3A_1006 = arith.constant 3 : i32
      %dma_wait3A_1007 = arith.constant 0 : i32
      %dma_wait3A_1008 = arith.constant 0 : i32
      %dma_wait3A_1009 = tpu.memref_slice %arg6[%dma_wait3A_1006, %dma_wait3A_1007, %dma_wait3A_1008] : memref<8x1x40xi32, #tpu.memory_space<vmem>> -> memref<1x1x40xi32, #tpu.memory_space<vmem>>
      %dma_wait3A_1010 = tpu.memref_squeeze %dma_wait3A_1009 : memref<1x1x40xi32, #tpu.memory_space<vmem>> -> memref<40xi32, #tpu.memory_space<vmem>>
      %dma_wait3A_1011 = tpu.memref_slice %arg3[%add3A_1005] : memref<320000xi32, #tpu.memory_space<hbm>> -> memref<40xi32, #tpu.memory_space<hbm>>
      %dma_wait3A_1012 = arith.constant 0 : i32
      %dma_wait3A_1013 = tpu.memref_slice %arg6[%dma_wait3A_1006, %dma_wait3A_1007, %dma_wait3A_1012] : memref<8x1x40xi32, #tpu.memory_space<vmem>> -> memref<1x1x40xi32, #tpu.memory_space<vmem>>
      %dma_wait3A_1014 = tpu.memref_squeeze %dma_wait3A_1013 : memref<1x1x40xi32, #tpu.memory_space<vmem>> -> memref<40xi32, #tpu.memory_space<vmem>>
      %dma_wait3A_1015 = tpu.memref_slice %arg3[%add3A_1005] : memref<320000xi32, #tpu.memory_space<hbm>> -> memref<40xi32, #tpu.memory_space<hbm>>
      tpu.wait_dma2 semaphore(%arg11 : memref<!tpu.dma_semaphore, #tpu.memory_space<semaphore_mem>>) src(%dma_wait3A_1015 : memref<40xi32, #tpu.memory_space<hbm>>) dst(%dma_wait3A_1014 : memref<40xi32, #tpu.memory_space<vmem>>)
      %dma_start3A_1016 = arith.constant 3 : i32
      %dma_start3A_1017 = arith.constant 3 : i32
      %dma_start3A_1018 = arith.constant 0 : i32
      %dma_start3A_1019 = arith.constant 0 : i32
      %dma_start3A_1020 = arith.constant 0 : i32
      %dma_start3A_1021 = tpu.memref_slice %arg5[%dma_start3A_1016, %dma_start3A_1019, %dma_start3A_1020] : memref<8x40x128xf32, #tpu.memory_space<vmem>> -> memref<1x40x128xf32, #tpu.memory_space<vmem>>
      %dma_start3A_1022 = tpu.memref_squeeze %dma_start3A_1021 : memref<1x40x128xf32, #tpu.memory_space<vmem>> -> memref<40x128xf32, #tpu.memory_space<vmem>>
      %dma_start3A_1023 = arith.constant 0 : i32
      %dma_start3A_1024 = tpu.memref_slice %arg6[%dma_start3A_1017, %dma_start3A_1018, %dma_start3A_1023] : memref<8x1x40xi32, #tpu.memory_space<vmem>> -> memref<1x1x40xi32, #tpu.memory_space<vmem>>
      %dma_start3A_1025 = tpu.memref_squeeze %dma_start3A_1024 : memref<1x1x40xi32, #tpu.memory_space<vmem>> -> memref<40xi32, #tpu.memory_space<vmem>>
      %dma_start3A_1026 = arith.constant 0 : i32
      %dma_start3A_1027 = arith.constant 0 : i32
      %dma_start3A_1028 = tpu.memref_slice %arg7[%dma_start3A_1026, %dma_start3A_1027] : memref<10240x128xf32, #tpu.memory_space<vmem_shared>> -> memref<10240x128xf32, #tpu.memory_space<vmem_shared>>
      tpu.enqueue_indirect_dma source(%dma_start3A_1022 : memref<40x128xf32, #tpu.memory_space<vmem>>) target(%dma_start3A_1028 : memref<10240x128xf32, #tpu.memory_space<vmem_shared>>) offsets(%dma_start3A_1025 : memref<40xi32, #tpu.memory_space<vmem>>) semaphore(%arg19 : memref<!tpu.dma_semaphore, #tpu.memory_space<semaphore_mem>>) {add = true}
      %ge3A_1029 = arith.constant 1 : i32
      %ge3A_1030 = arith.cmpi sge, %add3A_986, %ge3A_1029 : i32
      %convert_element_type3A_1031 = arith.extui %ge3A_1030 : i1 to i32
      %cond3A_1032 = arith.constant 0 : i32
      %cond3A_1033 = arith.cmpi ne, %convert_element_type3A_1031, %cond3A_1032 : i32
      scf.if %cond3A_1033 {
        %dma_wait3A_1284 = arith.constant 2 : i32
        %dma_wait3A_1285 = arith.constant 2 : i32
        %dma_wait3A_1286 = arith.constant 0 : i32
        %dma_wait3A_1287 = arith.constant 0 : i32
        %dma_wait3A_1288 = arith.constant 0 : i32
        %dma_wait3A_1289 = tpu.memref_slice %arg5[%dma_wait3A_1284, %dma_wait3A_1287, %dma_wait3A_1288] : memref<8x40x128xf32, #tpu.memory_space<vmem>> -> memref<1x40x128xf32, #tpu.memory_space<vmem>>
        %dma_wait3A_1290 = tpu.memref_squeeze %dma_wait3A_1289 : memref<1x40x128xf32, #tpu.memory_space<vmem>> -> memref<40x128xf32, #tpu.memory_space<vmem>>
        %dma_wait3A_1291 = arith.constant 0 : i32
        %dma_wait3A_1292 = tpu.memref_slice %arg6[%dma_wait3A_1285, %dma_wait3A_1286, %dma_wait3A_1291] : memref<8x1x40xi32, #tpu.memory_space<vmem>> -> memref<1x1x40xi32, #tpu.memory_space<vmem>>
        %dma_wait3A_1293 = tpu.memref_squeeze %dma_wait3A_1292 : memref<1x1x40xi32, #tpu.memory_space<vmem>> -> memref<40xi32, #tpu.memory_space<vmem>>
        %dma_wait3A_1294 = arith.constant 0 : i32
        %dma_wait3A_1295 = arith.constant 0 : i32
        %dma_wait3A_1296 = tpu.memref_slice %arg7[%dma_wait3A_1294, %dma_wait3A_1295] : memref<10240x128xf32, #tpu.memory_space<vmem_shared>> -> memref<10240x128xf32, #tpu.memory_space<vmem_shared>>
        tpu.wait_indirect_dma semaphore(%arg18 : memref<!tpu.dma_semaphore, #tpu.memory_space<semaphore_mem>>) src(%dma_wait3A_1290 : memref<40x128xf32, #tpu.memory_space<vmem>>) dst(%dma_wait3A_1296 : memref<10240x128xf32, #tpu.memory_space<vmem_shared>>)
      } else {
      }
      %add3A_1034 = arith.constant 8 : i32
      %add3A_1035 = arith.addi %add3A_986, %add3A_1034 : i32
      %sub3A_1036 = arith.constant 1 : i32
      %sub3A_1037 = arith.subi %add3A_1035, %sub3A_1036 : i32
      %lt3A_1038 = arith.constant 250 : i32
      %lt3A_1039 = arith.cmpi slt, %sub3A_1037, %lt3A_1038 : i32
      %convert_element_type3A_1040 = arith.extui %lt3A_1039 : i1 to i32
      %cond3A_1041 = arith.constant 0 : i32
      %cond3A_1042 = arith.cmpi ne, %convert_element_type3A_1040, %cond3A_1041 : i32
      scf.if %cond3A_1042 {
        %add3A_1284 = arith.constant 8 : i32
        %add3A_1285 = arith.addi %add3A_986, %add3A_1284 : i32
        %sub3A_1286 = arith.constant 1 : i32
        %sub3A_1287 = arith.subi %add3A_1285, %sub3A_1286 : i32
        %mul3A_1288 = arith.constant 40 : i32
        %mul3A_1289 = arith.muli %sub3A_1287, %mul3A_1288 : i32
        %add3A_1290 = arith.addi %mul3A_2, %mul3A_1289 : i32
        %dma_start3A_1291 = arith.constant 2 : i32
        %dma_start3A_1292 = arith.constant 0 : i32
        %dma_start3A_1293 = arith.constant 0 : i32
        %dma_start3A_1294 = tpu.memref_slice %arg5[%dma_start3A_1291, %dma_start3A_1292, %dma_start3A_1293] : memref<8x40x128xf32, #tpu.memory_space<vmem>> -> memref<1x40x128xf32, #tpu.memory_space<vmem>>
        %dma_start3A_1295 = tpu.memref_squeeze %dma_start3A_1294 : memref<1x40x128xf32, #tpu.memory_space<vmem>> -> memref<40x128xf32, #tpu.memory_space<vmem>>
        %dma_start3A_1296 = arith.constant 0 : i32
        %dma_start3A_1297 = tpu.memref_slice %arg2[%add3A_1290, %dma_start3A_1296] : memref<320000x128xf32, #tpu.memory_space<hbm>> -> memref<40x128xf32, #tpu.memory_space<hbm>>
        %dma_start3A_1298 = arith.constant 0 : i32
        %dma_start3A_1299 = arith.constant 0 : i32
        %dma_start3A_1300 = tpu.memref_slice %arg5[%dma_start3A_1291, %dma_start3A_1298, %dma_start3A_1299] : memref<8x40x128xf32, #tpu.memory_space<vmem>> -> memref<1x40x128xf32, #tpu.memory_space<vmem>>
        %dma_start3A_1301 = tpu.memref_squeeze %dma_start3A_1300 : memref<1x40x128xf32, #tpu.memory_space<vmem>> -> memref<40x128xf32, #tpu.memory_space<vmem>>
        %dma_start3A_1302 = arith.constant 0 : i32
        %dma_start3A_1303 = tpu.memref_slice %arg2[%add3A_1290, %dma_start3A_1302] : memref<320000x128xf32, #tpu.memory_space<hbm>> -> memref<40x128xf32, #tpu.memory_space<hbm>>
        tpu.enqueue_dma source(%dma_start3A_1303 : memref<40x128xf32, #tpu.memory_space<hbm>>) target(%dma_start3A_1301 : memref<40x128xf32, #tpu.memory_space<vmem>>) target_semaphore(%arg10 : memref<!tpu.dma_semaphore, #tpu.memory_space<semaphore_mem>>)
        %mul3A_1304 = arith.constant 40 : i32
        %mul3A_1305 = arith.muli %sub3A_1287, %mul3A_1304 : i32
        %add3A_1306 = arith.addi %mul3A_2, %mul3A_1305 : i32
        %dma_start3A_1307 = arith.constant 2 : i32
        %dma_start3A_1308 = arith.constant 0 : i32
        %dma_start3A_1309 = arith.constant 0 : i32
        %dma_start3A_1310 = tpu.memref_slice %arg6[%dma_start3A_1307, %dma_start3A_1308, %dma_start3A_1309] : memref<8x1x40xi32, #tpu.memory_space<vmem>> -> memref<1x1x40xi32, #tpu.memory_space<vmem>>
        %dma_start3A_1311 = tpu.memref_squeeze %dma_start3A_1310 : memref<1x1x40xi32, #tpu.memory_space<vmem>> -> memref<40xi32, #tpu.memory_space<vmem>>
        %dma_start3A_1312 = tpu.memref_slice %arg3[%add3A_1306] : memref<320000xi32, #tpu.memory_space<hbm>> -> memref<40xi32, #tpu.memory_space<hbm>>
        %dma_start3A_1313 = arith.constant 0 : i32
        %dma_start3A_1314 = tpu.memref_slice %arg6[%dma_start3A_1307, %dma_start3A_1308, %dma_start3A_1313] : memref<8x1x40xi32, #tpu.memory_space<vmem>> -> memref<1x1x40xi32, #tpu.memory_space<vmem>>
        %dma_start3A_1315 = tpu.memref_squeeze %dma_start3A_1314 : memref<1x1x40xi32, #tpu.memory_space<vmem>> -> memref<40xi32, #tpu.memory_space<vmem>>
        %dma_start3A_1316 = tpu.memref_slice %arg3[%add3A_1306] : memref<320000xi32, #tpu.memory_space<hbm>> -> memref<40xi32, #tpu.memory_space<hbm>>
        tpu.enqueue_dma source(%dma_start3A_1316 : memref<40xi32, #tpu.memory_space<hbm>>) target(%dma_start3A_1315 : memref<40xi32, #tpu.memory_space<vmem>>) target_semaphore(%arg10 : memref<!tpu.dma_semaphore, #tpu.memory_space<semaphore_mem>>)
      } else {
      }
      %mul3A_1043 = arith.constant 8 : i32
      %mul3A_1044 = arith.muli %scan3A_806, %mul3A_1043 : i32
      %add3A_1045 = arith.constant 4 : i32
      %add3A_1046 = arith.addi %mul3A_1044, %add3A_1045 : i32
      %mul3A_1047 = arith.constant 40 : i32
      %mul3A_1048 = arith.muli %add3A_1046, %mul3A_1047 : i32
      %add3A_1049 = arith.addi %mul3A_2, %mul3A_1048 : i32
      %dma_wait3A_1050 = arith.constant 4 : i32
      %dma_wait3A_1051 = arith.constant 0 : i32
      %dma_wait3A_1052 = arith.constant 0 : i32
      %dma_wait3A_1053 = tpu.memref_slice %arg5[%dma_wait3A_1050, %dma_wait3A_1051, %dma_wait3A_1052] : memref<8x40x128xf32, #tpu.memory_space<vmem>> -> memref<1x40x128xf32, #tpu.memory_space<vmem>>
      %dma_wait3A_1054 = tpu.memref_squeeze %dma_wait3A_1053 : memref<1x40x128xf32, #tpu.memory_space<vmem>> -> memref<40x128xf32, #tpu.memory_space<vmem>>
      %dma_wait3A_1055 = arith.constant 0 : i32
      %dma_wait3A_1056 = tpu.memref_slice %arg2[%add3A_1049, %dma_wait3A_1055] : memref<320000x128xf32, #tpu.memory_space<hbm>> -> memref<40x128xf32, #tpu.memory_space<hbm>>
      %dma_wait3A_1057 = arith.constant 0 : i32
      %dma_wait3A_1058 = arith.constant 0 : i32
      %dma_wait3A_1059 = tpu.memref_slice %arg5[%dma_wait3A_1050, %dma_wait3A_1057, %dma_wait3A_1058] : memref<8x40x128xf32, #tpu.memory_space<vmem>> -> memref<1x40x128xf32, #tpu.memory_space<vmem>>
      %dma_wait3A_1060 = tpu.memref_squeeze %dma_wait3A_1059 : memref<1x40x128xf32, #tpu.memory_space<vmem>> -> memref<40x128xf32, #tpu.memory_space<vmem>>
      %dma_wait3A_1061 = arith.constant 0 : i32
      %dma_wait3A_1062 = tpu.memref_slice %arg2[%add3A_1049, %dma_wait3A_1061] : memref<320000x128xf32, #tpu.memory_space<hbm>> -> memref<40x128xf32, #tpu.memory_space<hbm>>
      tpu.wait_dma2 semaphore(%arg12 : memref<!tpu.dma_semaphore, #tpu.memory_space<semaphore_mem>>) src(%dma_wait3A_1062 : memref<40x128xf32, #tpu.memory_space<hbm>>) dst(%dma_wait3A_1060 : memref<40x128xf32, #tpu.memory_space<vmem>>)
      %mul3A_1063 = arith.constant 40 : i32
      %mul3A_1064 = arith.muli %add3A_1046, %mul3A_1063 : i32
      %add3A_1065 = arith.addi %mul3A_2, %mul3A_1064 : i32
      %dma_wait3A_1066 = arith.constant 4 : i32
      %dma_wait3A_1067 = arith.constant 0 : i32
      %dma_wait3A_1068 = arith.constant 0 : i32
      %dma_wait3A_1069 = tpu.memref_slice %arg6[%dma_wait3A_1066, %dma_wait3A_1067, %dma_wait3A_1068] : memref<8x1x40xi32, #tpu.memory_space<vmem>> -> memref<1x1x40xi32, #tpu.memory_space<vmem>>
      %dma_wait3A_1070 = tpu.memref_squeeze %dma_wait3A_1069 : memref<1x1x40xi32, #tpu.memory_space<vmem>> -> memref<40xi32, #tpu.memory_space<vmem>>
      %dma_wait3A_1071 = tpu.memref_slice %arg3[%add3A_1065] : memref<320000xi32, #tpu.memory_space<hbm>> -> memref<40xi32, #tpu.memory_space<hbm>>
      %dma_wait3A_1072 = arith.constant 0 : i32
      %dma_wait3A_1073 = tpu.memref_slice %arg6[%dma_wait3A_1066, %dma_wait3A_1067, %dma_wait3A_1072] : memref<8x1x40xi32, #tpu.memory_space<vmem>> -> memref<1x1x40xi32, #tpu.memory_space<vmem>>
      %dma_wait3A_1074 = tpu.memref_squeeze %dma_wait3A_1073 : memref<1x1x40xi32, #tpu.memory_space<vmem>> -> memref<40xi32, #tpu.memory_space<vmem>>
      %dma_wait3A_1075 = tpu.memref_slice %arg3[%add3A_1065] : memref<320000xi32, #tpu.memory_space<hbm>> -> memref<40xi32, #tpu.memory_space<hbm>>
      tpu.wait_dma2 semaphore(%arg12 : memref<!tpu.dma_semaphore, #tpu.memory_space<semaphore_mem>>) src(%dma_wait3A_1075 : memref<40xi32, #tpu.memory_space<hbm>>) dst(%dma_wait3A_1074 : memref<40xi32, #tpu.memory_space<vmem>>)
      %dma_start3A_1076 = arith.constant 4 : i32
      %dma_start3A_1077 = arith.constant 4 : i32
      %dma_start3A_1078 = arith.constant 0 : i32
      %dma_start3A_1079 = arith.constant 0 : i32
      %dma_start3A_1080 = arith.constant 0 : i32
      %dma_start3A_1081 = tpu.memref_slice %arg5[%dma_start3A_1076, %dma_start3A_1079, %dma_start3A_1080] : memref<8x40x128xf32, #tpu.memory_space<vmem>> -> memref<1x40x128xf32, #tpu.memory_space<vmem>>
      %dma_start3A_1082 = tpu.memref_squeeze %dma_start3A_1081 : memref<1x40x128xf32, #tpu.memory_space<vmem>> -> memref<40x128xf32, #tpu.memory_space<vmem>>
      %dma_start3A_1083 = arith.constant 0 : i32
      %dma_start3A_1084 = tpu.memref_slice %arg6[%dma_start3A_1077, %dma_start3A_1078, %dma_start3A_1083] : memref<8x1x40xi32, #tpu.memory_space<vmem>> -> memref<1x1x40xi32, #tpu.memory_space<vmem>>
      %dma_start3A_1085 = tpu.memref_squeeze %dma_start3A_1084 : memref<1x1x40xi32, #tpu.memory_space<vmem>> -> memref<40xi32, #tpu.memory_space<vmem>>
      %dma_start3A_1086 = arith.constant 0 : i32
      %dma_start3A_1087 = arith.constant 0 : i32
      %dma_start3A_1088 = tpu.memref_slice %arg7[%dma_start3A_1086, %dma_start3A_1087] : memref<10240x128xf32, #tpu.memory_space<vmem_shared>> -> memref<10240x128xf32, #tpu.memory_space<vmem_shared>>
      tpu.enqueue_indirect_dma source(%dma_start3A_1082 : memref<40x128xf32, #tpu.memory_space<vmem>>) target(%dma_start3A_1088 : memref<10240x128xf32, #tpu.memory_space<vmem_shared>>) offsets(%dma_start3A_1085 : memref<40xi32, #tpu.memory_space<vmem>>) semaphore(%arg20 : memref<!tpu.dma_semaphore, #tpu.memory_space<semaphore_mem>>) {add = true}
      %ge3A_1089 = arith.constant 1 : i32
      %ge3A_1090 = arith.cmpi sge, %add3A_1046, %ge3A_1089 : i32
      %convert_element_type3A_1091 = arith.extui %ge3A_1090 : i1 to i32
      %cond3A_1092 = arith.constant 0 : i32
      %cond3A_1093 = arith.cmpi ne, %convert_element_type3A_1091, %cond3A_1092 : i32
      scf.if %cond3A_1093 {
        %dma_wait3A_1284 = arith.constant 3 : i32
        %dma_wait3A_1285 = arith.constant 3 : i32
        %dma_wait3A_1286 = arith.constant 0 : i32
        %dma_wait3A_1287 = arith.constant 0 : i32
        %dma_wait3A_1288 = arith.constant 0 : i32
        %dma_wait3A_1289 = tpu.memref_slice %arg5[%dma_wait3A_1284, %dma_wait3A_1287, %dma_wait3A_1288] : memref<8x40x128xf32, #tpu.memory_space<vmem>> -> memref<1x40x128xf32, #tpu.memory_space<vmem>>
        %dma_wait3A_1290 = tpu.memref_squeeze %dma_wait3A_1289 : memref<1x40x128xf32, #tpu.memory_space<vmem>> -> memref<40x128xf32, #tpu.memory_space<vmem>>
        %dma_wait3A_1291 = arith.constant 0 : i32
        %dma_wait3A_1292 = tpu.memref_slice %arg6[%dma_wait3A_1285, %dma_wait3A_1286, %dma_wait3A_1291] : memref<8x1x40xi32, #tpu.memory_space<vmem>> -> memref<1x1x40xi32, #tpu.memory_space<vmem>>
        %dma_wait3A_1293 = tpu.memref_squeeze %dma_wait3A_1292 : memref<1x1x40xi32, #tpu.memory_space<vmem>> -> memref<40xi32, #tpu.memory_space<vmem>>
        %dma_wait3A_1294 = arith.constant 0 : i32
        %dma_wait3A_1295 = arith.constant 0 : i32
        %dma_wait3A_1296 = tpu.memref_slice %arg7[%dma_wait3A_1294, %dma_wait3A_1295] : memref<10240x128xf32, #tpu.memory_space<vmem_shared>> -> memref<10240x128xf32, #tpu.memory_space<vmem_shared>>
        tpu.wait_indirect_dma semaphore(%arg19 : memref<!tpu.dma_semaphore, #tpu.memory_space<semaphore_mem>>) src(%dma_wait3A_1290 : memref<40x128xf32, #tpu.memory_space<vmem>>) dst(%dma_wait3A_1296 : memref<10240x128xf32, #tpu.memory_space<vmem_shared>>)
      } else {
      }
      %add3A_1094 = arith.constant 8 : i32
      %add3A_1095 = arith.addi %add3A_1046, %add3A_1094 : i32
      %sub3A_1096 = arith.constant 1 : i32
      %sub3A_1097 = arith.subi %add3A_1095, %sub3A_1096 : i32
      %lt3A_1098 = arith.constant 250 : i32
      %lt3A_1099 = arith.cmpi slt, %sub3A_1097, %lt3A_1098 : i32
      %convert_element_type3A_1100 = arith.extui %lt3A_1099 : i1 to i32
      %cond3A_1101 = arith.constant 0 : i32
      %cond3A_1102 = arith.cmpi ne, %convert_element_type3A_1100, %cond3A_1101 : i32
      scf.if %cond3A_1102 {
        %add3A_1284 = arith.constant 8 : i32
        %add3A_1285 = arith.addi %add3A_1046, %add3A_1284 : i32
        %sub3A_1286 = arith.constant 1 : i32
        %sub3A_1287 = arith.subi %add3A_1285, %sub3A_1286 : i32
        %mul3A_1288 = arith.constant 40 : i32
        %mul3A_1289 = arith.muli %sub3A_1287, %mul3A_1288 : i32
        %add3A_1290 = arith.addi %mul3A_2, %mul3A_1289 : i32
        %dma_start3A_1291 = arith.constant 3 : i32
        %dma_start3A_1292 = arith.constant 0 : i32
        %dma_start3A_1293 = arith.constant 0 : i32
        %dma_start3A_1294 = tpu.memref_slice %arg5[%dma_start3A_1291, %dma_start3A_1292, %dma_start3A_1293] : memref<8x40x128xf32, #tpu.memory_space<vmem>> -> memref<1x40x128xf32, #tpu.memory_space<vmem>>
        %dma_start3A_1295 = tpu.memref_squeeze %dma_start3A_1294 : memref<1x40x128xf32, #tpu.memory_space<vmem>> -> memref<40x128xf32, #tpu.memory_space<vmem>>
        %dma_start3A_1296 = arith.constant 0 : i32
        %dma_start3A_1297 = tpu.memref_slice %arg2[%add3A_1290, %dma_start3A_1296] : memref<320000x128xf32, #tpu.memory_space<hbm>> -> memref<40x128xf32, #tpu.memory_space<hbm>>
        %dma_start3A_1298 = arith.constant 0 : i32
        %dma_start3A_1299 = arith.constant 0 : i32
        %dma_start3A_1300 = tpu.memref_slice %arg5[%dma_start3A_1291, %dma_start3A_1298, %dma_start3A_1299] : memref<8x40x128xf32, #tpu.memory_space<vmem>> -> memref<1x40x128xf32, #tpu.memory_space<vmem>>
        %dma_start3A_1301 = tpu.memref_squeeze %dma_start3A_1300 : memref<1x40x128xf32, #tpu.memory_space<vmem>> -> memref<40x128xf32, #tpu.memory_space<vmem>>
        %dma_start3A_1302 = arith.constant 0 : i32
        %dma_start3A_1303 = tpu.memref_slice %arg2[%add3A_1290, %dma_start3A_1302] : memref<320000x128xf32, #tpu.memory_space<hbm>> -> memref<40x128xf32, #tpu.memory_space<hbm>>
        tpu.enqueue_dma source(%dma_start3A_1303 : memref<40x128xf32, #tpu.memory_space<hbm>>) target(%dma_start3A_1301 : memref<40x128xf32, #tpu.memory_space<vmem>>) target_semaphore(%arg11 : memref<!tpu.dma_semaphore, #tpu.memory_space<semaphore_mem>>)
        %mul3A_1304 = arith.constant 40 : i32
        %mul3A_1305 = arith.muli %sub3A_1287, %mul3A_1304 : i32
        %add3A_1306 = arith.addi %mul3A_2, %mul3A_1305 : i32
        %dma_start3A_1307 = arith.constant 3 : i32
        %dma_start3A_1308 = arith.constant 0 : i32
        %dma_start3A_1309 = arith.constant 0 : i32
        %dma_start3A_1310 = tpu.memref_slice %arg6[%dma_start3A_1307, %dma_start3A_1308, %dma_start3A_1309] : memref<8x1x40xi32, #tpu.memory_space<vmem>> -> memref<1x1x40xi32, #tpu.memory_space<vmem>>
        %dma_start3A_1311 = tpu.memref_squeeze %dma_start3A_1310 : memref<1x1x40xi32, #tpu.memory_space<vmem>> -> memref<40xi32, #tpu.memory_space<vmem>>
        %dma_start3A_1312 = tpu.memref_slice %arg3[%add3A_1306] : memref<320000xi32, #tpu.memory_space<hbm>> -> memref<40xi32, #tpu.memory_space<hbm>>
        %dma_start3A_1313 = arith.constant 0 : i32
        %dma_start3A_1314 = tpu.memref_slice %arg6[%dma_start3A_1307, %dma_start3A_1308, %dma_start3A_1313] : memref<8x1x40xi32, #tpu.memory_space<vmem>> -> memref<1x1x40xi32, #tpu.memory_space<vmem>>
        %dma_start3A_1315 = tpu.memref_squeeze %dma_start3A_1314 : memref<1x1x40xi32, #tpu.memory_space<vmem>> -> memref<40xi32, #tpu.memory_space<vmem>>
        %dma_start3A_1316 = tpu.memref_slice %arg3[%add3A_1306] : memref<320000xi32, #tpu.memory_space<hbm>> -> memref<40xi32, #tpu.memory_space<hbm>>
        tpu.enqueue_dma source(%dma_start3A_1316 : memref<40xi32, #tpu.memory_space<hbm>>) target(%dma_start3A_1315 : memref<40xi32, #tpu.memory_space<vmem>>) target_semaphore(%arg11 : memref<!tpu.dma_semaphore, #tpu.memory_space<semaphore_mem>>)
      } else {
      }
      %mul3A_1103 = arith.constant 8 : i32
      %mul3A_1104 = arith.muli %scan3A_806, %mul3A_1103 : i32
      %add3A_1105 = arith.constant 5 : i32
      %add3A_1106 = arith.addi %mul3A_1104, %add3A_1105 : i32
      %mul3A_1107 = arith.constant 40 : i32
      %mul3A_1108 = arith.muli %add3A_1106, %mul3A_1107 : i32
      %add3A_1109 = arith.addi %mul3A_2, %mul3A_1108 : i32
      %dma_wait3A_1110 = arith.constant 5 : i32
      %dma_wait3A_1111 = arith.constant 0 : i32
      %dma_wait3A_1112 = arith.constant 0 : i32
      %dma_wait3A_1113 = tpu.memref_slice %arg5[%dma_wait3A_1110, %dma_wait3A_1111, %dma_wait3A_1112] : memref<8x40x128xf32, #tpu.memory_space<vmem>> -> memref<1x40x128xf32, #tpu.memory_space<vmem>>
      %dma_wait3A_1114 = tpu.memref_squeeze %dma_wait3A_1113 : memref<1x40x128xf32, #tpu.memory_space<vmem>> -> memref<40x128xf32, #tpu.memory_space<vmem>>
      %dma_wait3A_1115 = arith.constant 0 : i32
      %dma_wait3A_1116 = tpu.memref_slice %arg2[%add3A_1109, %dma_wait3A_1115] : memref<320000x128xf32, #tpu.memory_space<hbm>> -> memref<40x128xf32, #tpu.memory_space<hbm>>
      %dma_wait3A_1117 = arith.constant 0 : i32
      %dma_wait3A_1118 = arith.constant 0 : i32
      %dma_wait3A_1119 = tpu.memref_slice %arg5[%dma_wait3A_1110, %dma_wait3A_1117, %dma_wait3A_1118] : memref<8x40x128xf32, #tpu.memory_space<vmem>> -> memref<1x40x128xf32, #tpu.memory_space<vmem>>
      %dma_wait3A_1120 = tpu.memref_squeeze %dma_wait3A_1119 : memref<1x40x128xf32, #tpu.memory_space<vmem>> -> memref<40x128xf32, #tpu.memory_space<vmem>>
      %dma_wait3A_1121 = arith.constant 0 : i32
      %dma_wait3A_1122 = tpu.memref_slice %arg2[%add3A_1109, %dma_wait3A_1121] : memref<320000x128xf32, #tpu.memory_space<hbm>> -> memref<40x128xf32, #tpu.memory_space<hbm>>
      tpu.wait_dma2 semaphore(%arg13 : memref<!tpu.dma_semaphore, #tpu.memory_space<semaphore_mem>>) src(%dma_wait3A_1122 : memref<40x128xf32, #tpu.memory_space<hbm>>) dst(%dma_wait3A_1120 : memref<40x128xf32, #tpu.memory_space<vmem>>)
      %mul3A_1123 = arith.constant 40 : i32
      %mul3A_1124 = arith.muli %add3A_1106, %mul3A_1123 : i32
      %add3A_1125 = arith.addi %mul3A_2, %mul3A_1124 : i32
      %dma_wait3A_1126 = arith.constant 5 : i32
      %dma_wait3A_1127 = arith.constant 0 : i32
      %dma_wait3A_1128 = arith.constant 0 : i32
      %dma_wait3A_1129 = tpu.memref_slice %arg6[%dma_wait3A_1126, %dma_wait3A_1127, %dma_wait3A_1128] : memref<8x1x40xi32, #tpu.memory_space<vmem>> -> memref<1x1x40xi32, #tpu.memory_space<vmem>>
      %dma_wait3A_1130 = tpu.memref_squeeze %dma_wait3A_1129 : memref<1x1x40xi32, #tpu.memory_space<vmem>> -> memref<40xi32, #tpu.memory_space<vmem>>
      %dma_wait3A_1131 = tpu.memref_slice %arg3[%add3A_1125] : memref<320000xi32, #tpu.memory_space<hbm>> -> memref<40xi32, #tpu.memory_space<hbm>>
      %dma_wait3A_1132 = arith.constant 0 : i32
      %dma_wait3A_1133 = tpu.memref_slice %arg6[%dma_wait3A_1126, %dma_wait3A_1127, %dma_wait3A_1132] : memref<8x1x40xi32, #tpu.memory_space<vmem>> -> memref<1x1x40xi32, #tpu.memory_space<vmem>>
      %dma_wait3A_1134 = tpu.memref_squeeze %dma_wait3A_1133 : memref<1x1x40xi32, #tpu.memory_space<vmem>> -> memref<40xi32, #tpu.memory_space<vmem>>
      %dma_wait3A_1135 = tpu.memref_slice %arg3[%add3A_1125] : memref<320000xi32, #tpu.memory_space<hbm>> -> memref<40xi32, #tpu.memory_space<hbm>>
      tpu.wait_dma2 semaphore(%arg13 : memref<!tpu.dma_semaphore, #tpu.memory_space<semaphore_mem>>) src(%dma_wait3A_1135 : memref<40xi32, #tpu.memory_space<hbm>>) dst(%dma_wait3A_1134 : memref<40xi32, #tpu.memory_space<vmem>>)
      %dma_start3A_1136 = arith.constant 5 : i32
      %dma_start3A_1137 = arith.constant 5 : i32
      %dma_start3A_1138 = arith.constant 0 : i32
      %dma_start3A_1139 = arith.constant 0 : i32
      %dma_start3A_1140 = arith.constant 0 : i32
      %dma_start3A_1141 = tpu.memref_slice %arg5[%dma_start3A_1136, %dma_start3A_1139, %dma_start3A_1140] : memref<8x40x128xf32, #tpu.memory_space<vmem>> -> memref<1x40x128xf32, #tpu.memory_space<vmem>>
      %dma_start3A_1142 = tpu.memref_squeeze %dma_start3A_1141 : memref<1x40x128xf32, #tpu.memory_space<vmem>> -> memref<40x128xf32, #tpu.memory_space<vmem>>
      %dma_start3A_1143 = arith.constant 0 : i32
      %dma_start3A_1144 = tpu.memref_slice %arg6[%dma_start3A_1137, %dma_start3A_1138, %dma_start3A_1143] : memref<8x1x40xi32, #tpu.memory_space<vmem>> -> memref<1x1x40xi32, #tpu.memory_space<vmem>>
      %dma_start3A_1145 = tpu.memref_squeeze %dma_start3A_1144 : memref<1x1x40xi32, #tpu.memory_space<vmem>> -> memref<40xi32, #tpu.memory_space<vmem>>
      %dma_start3A_1146 = arith.constant 0 : i32
      %dma_start3A_1147 = arith.constant 0 : i32
      %dma_start3A_1148 = tpu.memref_slice %arg7[%dma_start3A_1146, %dma_start3A_1147] : memref<10240x128xf32, #tpu.memory_space<vmem_shared>> -> memref<10240x128xf32, #tpu.memory_space<vmem_shared>>
      tpu.enqueue_indirect_dma source(%dma_start3A_1142 : memref<40x128xf32, #tpu.memory_space<vmem>>) target(%dma_start3A_1148 : memref<10240x128xf32, #tpu.memory_space<vmem_shared>>) offsets(%dma_start3A_1145 : memref<40xi32, #tpu.memory_space<vmem>>) semaphore(%arg21 : memref<!tpu.dma_semaphore, #tpu.memory_space<semaphore_mem>>) {add = true}
      %ge3A_1149 = arith.constant 1 : i32
      %ge3A_1150 = arith.cmpi sge, %add3A_1106, %ge3A_1149 : i32
      %convert_element_type3A_1151 = arith.extui %ge3A_1150 : i1 to i32
      %cond3A_1152 = arith.constant 0 : i32
      %cond3A_1153 = arith.cmpi ne, %convert_element_type3A_1151, %cond3A_1152 : i32
      scf.if %cond3A_1153 {
        %dma_wait3A_1284 = arith.constant 4 : i32
        %dma_wait3A_1285 = arith.constant 4 : i32
        %dma_wait3A_1286 = arith.constant 0 : i32
        %dma_wait3A_1287 = arith.constant 0 : i32
        %dma_wait3A_1288 = arith.constant 0 : i32
        %dma_wait3A_1289 = tpu.memref_slice %arg5[%dma_wait3A_1284, %dma_wait3A_1287, %dma_wait3A_1288] : memref<8x40x128xf32, #tpu.memory_space<vmem>> -> memref<1x40x128xf32, #tpu.memory_space<vmem>>
        %dma_wait3A_1290 = tpu.memref_squeeze %dma_wait3A_1289 : memref<1x40x128xf32, #tpu.memory_space<vmem>> -> memref<40x128xf32, #tpu.memory_space<vmem>>
        %dma_wait3A_1291 = arith.constant 0 : i32
        %dma_wait3A_1292 = tpu.memref_slice %arg6[%dma_wait3A_1285, %dma_wait3A_1286, %dma_wait3A_1291] : memref<8x1x40xi32, #tpu.memory_space<vmem>> -> memref<1x1x40xi32, #tpu.memory_space<vmem>>
        %dma_wait3A_1293 = tpu.memref_squeeze %dma_wait3A_1292 : memref<1x1x40xi32, #tpu.memory_space<vmem>> -> memref<40xi32, #tpu.memory_space<vmem>>
        %dma_wait3A_1294 = arith.constant 0 : i32
        %dma_wait3A_1295 = arith.constant 0 : i32
        %dma_wait3A_1296 = tpu.memref_slice %arg7[%dma_wait3A_1294, %dma_wait3A_1295] : memref<10240x128xf32, #tpu.memory_space<vmem_shared>> -> memref<10240x128xf32, #tpu.memory_space<vmem_shared>>
        tpu.wait_indirect_dma semaphore(%arg20 : memref<!tpu.dma_semaphore, #tpu.memory_space<semaphore_mem>>) src(%dma_wait3A_1290 : memref<40x128xf32, #tpu.memory_space<vmem>>) dst(%dma_wait3A_1296 : memref<10240x128xf32, #tpu.memory_space<vmem_shared>>)
      } else {
      }
      %add3A_1154 = arith.constant 8 : i32
      %add3A_1155 = arith.addi %add3A_1106, %add3A_1154 : i32
      %sub3A_1156 = arith.constant 1 : i32
      %sub3A_1157 = arith.subi %add3A_1155, %sub3A_1156 : i32
      %lt3A_1158 = arith.constant 250 : i32
      %lt3A_1159 = arith.cmpi slt, %sub3A_1157, %lt3A_1158 : i32
      %convert_element_type3A_1160 = arith.extui %lt3A_1159 : i1 to i32
      %cond3A_1161 = arith.constant 0 : i32
      %cond3A_1162 = arith.cmpi ne, %convert_element_type3A_1160, %cond3A_1161 : i32
      scf.if %cond3A_1162 {
        %add3A_1284 = arith.constant 8 : i32
        %add3A_1285 = arith.addi %add3A_1106, %add3A_1284 : i32
        %sub3A_1286 = arith.constant 1 : i32
        %sub3A_1287 = arith.subi %add3A_1285, %sub3A_1286 : i32
        %mul3A_1288 = arith.constant 40 : i32
        %mul3A_1289 = arith.muli %sub3A_1287, %mul3A_1288 : i32
        %add3A_1290 = arith.addi %mul3A_2, %mul3A_1289 : i32
        %dma_start3A_1291 = arith.constant 4 : i32
        %dma_start3A_1292 = arith.constant 0 : i32
        %dma_start3A_1293 = arith.constant 0 : i32
        %dma_start3A_1294 = tpu.memref_slice %arg5[%dma_start3A_1291, %dma_start3A_1292, %dma_start3A_1293] : memref<8x40x128xf32, #tpu.memory_space<vmem>> -> memref<1x40x128xf32, #tpu.memory_space<vmem>>
        %dma_start3A_1295 = tpu.memref_squeeze %dma_start3A_1294 : memref<1x40x128xf32, #tpu.memory_space<vmem>> -> memref<40x128xf32, #tpu.memory_space<vmem>>
        %dma_start3A_1296 = arith.constant 0 : i32
        %dma_start3A_1297 = tpu.memref_slice %arg2[%add3A_1290, %dma_start3A_1296] : memref<320000x128xf32, #tpu.memory_space<hbm>> -> memref<40x128xf32, #tpu.memory_space<hbm>>
        %dma_start3A_1298 = arith.constant 0 : i32
        %dma_start3A_1299 = arith.constant 0 : i32
        %dma_start3A_1300 = tpu.memref_slice %arg5[%dma_start3A_1291, %dma_start3A_1298, %dma_start3A_1299] : memref<8x40x128xf32, #tpu.memory_space<vmem>> -> memref<1x40x128xf32, #tpu.memory_space<vmem>>
        %dma_start3A_1301 = tpu.memref_squeeze %dma_start3A_1300 : memref<1x40x128xf32, #tpu.memory_space<vmem>> -> memref<40x128xf32, #tpu.memory_space<vmem>>
        %dma_start3A_1302 = arith.constant 0 : i32
        %dma_start3A_1303 = tpu.memref_slice %arg2[%add3A_1290, %dma_start3A_1302] : memref<320000x128xf32, #tpu.memory_space<hbm>> -> memref<40x128xf32, #tpu.memory_space<hbm>>
        tpu.enqueue_dma source(%dma_start3A_1303 : memref<40x128xf32, #tpu.memory_space<hbm>>) target(%dma_start3A_1301 : memref<40x128xf32, #tpu.memory_space<vmem>>) target_semaphore(%arg12 : memref<!tpu.dma_semaphore, #tpu.memory_space<semaphore_mem>>)
        %mul3A_1304 = arith.constant 40 : i32
        %mul3A_1305 = arith.muli %sub3A_1287, %mul3A_1304 : i32
        %add3A_1306 = arith.addi %mul3A_2, %mul3A_1305 : i32
        %dma_start3A_1307 = arith.constant 4 : i32
        %dma_start3A_1308 = arith.constant 0 : i32
        %dma_start3A_1309 = arith.constant 0 : i32
        %dma_start3A_1310 = tpu.memref_slice %arg6[%dma_start3A_1307, %dma_start3A_1308, %dma_start3A_1309] : memref<8x1x40xi32, #tpu.memory_space<vmem>> -> memref<1x1x40xi32, #tpu.memory_space<vmem>>
        %dma_start3A_1311 = tpu.memref_squeeze %dma_start3A_1310 : memref<1x1x40xi32, #tpu.memory_space<vmem>> -> memref<40xi32, #tpu.memory_space<vmem>>
        %dma_start3A_1312 = tpu.memref_slice %arg3[%add3A_1306] : memref<320000xi32, #tpu.memory_space<hbm>> -> memref<40xi32, #tpu.memory_space<hbm>>
        %dma_start3A_1313 = arith.constant 0 : i32
        %dma_start3A_1314 = tpu.memref_slice %arg6[%dma_start3A_1307, %dma_start3A_1308, %dma_start3A_1313] : memref<8x1x40xi32, #tpu.memory_space<vmem>> -> memref<1x1x40xi32, #tpu.memory_space<vmem>>
        %dma_start3A_1315 = tpu.memref_squeeze %dma_start3A_1314 : memref<1x1x40xi32, #tpu.memory_space<vmem>> -> memref<40xi32, #tpu.memory_space<vmem>>
        %dma_start3A_1316 = tpu.memref_slice %arg3[%add3A_1306] : memref<320000xi32, #tpu.memory_space<hbm>> -> memref<40xi32, #tpu.memory_space<hbm>>
        tpu.enqueue_dma source(%dma_start3A_1316 : memref<40xi32, #tpu.memory_space<hbm>>) target(%dma_start3A_1315 : memref<40xi32, #tpu.memory_space<vmem>>) target_semaphore(%arg12 : memref<!tpu.dma_semaphore, #tpu.memory_space<semaphore_mem>>)
      } else {
      }
      %mul3A_1163 = arith.constant 8 : i32
      %mul3A_1164 = arith.muli %scan3A_806, %mul3A_1163 : i32
      %add3A_1165 = arith.constant 6 : i32
      %add3A_1166 = arith.addi %mul3A_1164, %add3A_1165 : i32
      %mul3A_1167 = arith.constant 40 : i32
      %mul3A_1168 = arith.muli %add3A_1166, %mul3A_1167 : i32
      %add3A_1169 = arith.addi %mul3A_2, %mul3A_1168 : i32
      %dma_wait3A_1170 = arith.constant 6 : i32
      %dma_wait3A_1171 = arith.constant 0 : i32
      %dma_wait3A_1172 = arith.constant 0 : i32
      %dma_wait3A_1173 = tpu.memref_slice %arg5[%dma_wait3A_1170, %dma_wait3A_1171, %dma_wait3A_1172] : memref<8x40x128xf32, #tpu.memory_space<vmem>> -> memref<1x40x128xf32, #tpu.memory_space<vmem>>
      %dma_wait3A_1174 = tpu.memref_squeeze %dma_wait3A_1173 : memref<1x40x128xf32, #tpu.memory_space<vmem>> -> memref<40x128xf32, #tpu.memory_space<vmem>>
      %dma_wait3A_1175 = arith.constant 0 : i32
      %dma_wait3A_1176 = tpu.memref_slice %arg2[%add3A_1169, %dma_wait3A_1175] : memref<320000x128xf32, #tpu.memory_space<hbm>> -> memref<40x128xf32, #tpu.memory_space<hbm>>
      %dma_wait3A_1177 = arith.constant 0 : i32
      %dma_wait3A_1178 = arith.constant 0 : i32
      %dma_wait3A_1179 = tpu.memref_slice %arg5[%dma_wait3A_1170, %dma_wait3A_1177, %dma_wait3A_1178] : memref<8x40x128xf32, #tpu.memory_space<vmem>> -> memref<1x40x128xf32, #tpu.memory_space<vmem>>
      %dma_wait3A_1180 = tpu.memref_squeeze %dma_wait3A_1179 : memref<1x40x128xf32, #tpu.memory_space<vmem>> -> memref<40x128xf32, #tpu.memory_space<vmem>>
      %dma_wait3A_1181 = arith.constant 0 : i32
      %dma_wait3A_1182 = tpu.memref_slice %arg2[%add3A_1169, %dma_wait3A_1181] : memref<320000x128xf32, #tpu.memory_space<hbm>> -> memref<40x128xf32, #tpu.memory_space<hbm>>
      tpu.wait_dma2 semaphore(%arg14 : memref<!tpu.dma_semaphore, #tpu.memory_space<semaphore_mem>>) src(%dma_wait3A_1182 : memref<40x128xf32, #tpu.memory_space<hbm>>) dst(%dma_wait3A_1180 : memref<40x128xf32, #tpu.memory_space<vmem>>)
      %mul3A_1183 = arith.constant 40 : i32
      %mul3A_1184 = arith.muli %add3A_1166, %mul3A_1183 : i32
      %add3A_1185 = arith.addi %mul3A_2, %mul3A_1184 : i32
      %dma_wait3A_1186 = arith.constant 6 : i32
      %dma_wait3A_1187 = arith.constant 0 : i32
      %dma_wait3A_1188 = arith.constant 0 : i32
      %dma_wait3A_1189 = tpu.memref_slice %arg6[%dma_wait3A_1186, %dma_wait3A_1187, %dma_wait3A_1188] : memref<8x1x40xi32, #tpu.memory_space<vmem>> -> memref<1x1x40xi32, #tpu.memory_space<vmem>>
      %dma_wait3A_1190 = tpu.memref_squeeze %dma_wait3A_1189 : memref<1x1x40xi32, #tpu.memory_space<vmem>> -> memref<40xi32, #tpu.memory_space<vmem>>
      %dma_wait3A_1191 = tpu.memref_slice %arg3[%add3A_1185] : memref<320000xi32, #tpu.memory_space<hbm>> -> memref<40xi32, #tpu.memory_space<hbm>>
      %dma_wait3A_1192 = arith.constant 0 : i32
      %dma_wait3A_1193 = tpu.memref_slice %arg6[%dma_wait3A_1186, %dma_wait3A_1187, %dma_wait3A_1192] : memref<8x1x40xi32, #tpu.memory_space<vmem>> -> memref<1x1x40xi32, #tpu.memory_space<vmem>>
      %dma_wait3A_1194 = tpu.memref_squeeze %dma_wait3A_1193 : memref<1x1x40xi32, #tpu.memory_space<vmem>> -> memref<40xi32, #tpu.memory_space<vmem>>
      %dma_wait3A_1195 = tpu.memref_slice %arg3[%add3A_1185] : memref<320000xi32, #tpu.memory_space<hbm>> -> memref<40xi32, #tpu.memory_space<hbm>>
      tpu.wait_dma2 semaphore(%arg14 : memref<!tpu.dma_semaphore, #tpu.memory_space<semaphore_mem>>) src(%dma_wait3A_1195 : memref<40xi32, #tpu.memory_space<hbm>>) dst(%dma_wait3A_1194 : memref<40xi32, #tpu.memory_space<vmem>>)
      %dma_start3A_1196 = arith.constant 6 : i32
      %dma_start3A_1197 = arith.constant 6 : i32
      %dma_start3A_1198 = arith.constant 0 : i32
      %dma_start3A_1199 = arith.constant 0 : i32
      %dma_start3A_1200 = arith.constant 0 : i32
      %dma_start3A_1201 = tpu.memref_slice %arg5[%dma_start3A_1196, %dma_start3A_1199, %dma_start3A_1200] : memref<8x40x128xf32, #tpu.memory_space<vmem>> -> memref<1x40x128xf32, #tpu.memory_space<vmem>>
      %dma_start3A_1202 = tpu.memref_squeeze %dma_start3A_1201 : memref<1x40x128xf32, #tpu.memory_space<vmem>> -> memref<40x128xf32, #tpu.memory_space<vmem>>
      %dma_start3A_1203 = arith.constant 0 : i32
      %dma_start3A_1204 = tpu.memref_slice %arg6[%dma_start3A_1197, %dma_start3A_1198, %dma_start3A_1203] : memref<8x1x40xi32, #tpu.memory_space<vmem>> -> memref<1x1x40xi32, #tpu.memory_space<vmem>>
      %dma_start3A_1205 = tpu.memref_squeeze %dma_start3A_1204 : memref<1x1x40xi32, #tpu.memory_space<vmem>> -> memref<40xi32, #tpu.memory_space<vmem>>
      %dma_start3A_1206 = arith.constant 0 : i32
      %dma_start3A_1207 = arith.constant 0 : i32
      %dma_start3A_1208 = tpu.memref_slice %arg7[%dma_start3A_1206, %dma_start3A_1207] : memref<10240x128xf32, #tpu.memory_space<vmem_shared>> -> memref<10240x128xf32, #tpu.memory_space<vmem_shared>>
      tpu.enqueue_indirect_dma source(%dma_start3A_1202 : memref<40x128xf32, #tpu.memory_space<vmem>>) target(%dma_start3A_1208 : memref<10240x128xf32, #tpu.memory_space<vmem_shared>>) offsets(%dma_start3A_1205 : memref<40xi32, #tpu.memory_space<vmem>>) semaphore(%arg22 : memref<!tpu.dma_semaphore, #tpu.memory_space<semaphore_mem>>) {add = true}
      %ge3A_1209 = arith.constant 1 : i32
      %ge3A_1210 = arith.cmpi sge, %add3A_1166, %ge3A_1209 : i32
      %convert_element_type3A_1211 = arith.extui %ge3A_1210 : i1 to i32
      %cond3A_1212 = arith.constant 0 : i32
      %cond3A_1213 = arith.cmpi ne, %convert_element_type3A_1211, %cond3A_1212 : i32
      scf.if %cond3A_1213 {
        %dma_wait3A_1284 = arith.constant 5 : i32
        %dma_wait3A_1285 = arith.constant 5 : i32
        %dma_wait3A_1286 = arith.constant 0 : i32
        %dma_wait3A_1287 = arith.constant 0 : i32
        %dma_wait3A_1288 = arith.constant 0 : i32
        %dma_wait3A_1289 = tpu.memref_slice %arg5[%dma_wait3A_1284, %dma_wait3A_1287, %dma_wait3A_1288] : memref<8x40x128xf32, #tpu.memory_space<vmem>> -> memref<1x40x128xf32, #tpu.memory_space<vmem>>
        %dma_wait3A_1290 = tpu.memref_squeeze %dma_wait3A_1289 : memref<1x40x128xf32, #tpu.memory_space<vmem>> -> memref<40x128xf32, #tpu.memory_space<vmem>>
        %dma_wait3A_1291 = arith.constant 0 : i32
        %dma_wait3A_1292 = tpu.memref_slice %arg6[%dma_wait3A_1285, %dma_wait3A_1286, %dma_wait3A_1291] : memref<8x1x40xi32, #tpu.memory_space<vmem>> -> memref<1x1x40xi32, #tpu.memory_space<vmem>>
        %dma_wait3A_1293 = tpu.memref_squeeze %dma_wait3A_1292 : memref<1x1x40xi32, #tpu.memory_space<vmem>> -> memref<40xi32, #tpu.memory_space<vmem>>
        %dma_wait3A_1294 = arith.constant 0 : i32
        %dma_wait3A_1295 = arith.constant 0 : i32
        %dma_wait3A_1296 = tpu.memref_slice %arg7[%dma_wait3A_1294, %dma_wait3A_1295] : memref<10240x128xf32, #tpu.memory_space<vmem_shared>> -> memref<10240x128xf32, #tpu.memory_space<vmem_shared>>
        tpu.wait_indirect_dma semaphore(%arg21 : memref<!tpu.dma_semaphore, #tpu.memory_space<semaphore_mem>>) src(%dma_wait3A_1290 : memref<40x128xf32, #tpu.memory_space<vmem>>) dst(%dma_wait3A_1296 : memref<10240x128xf32, #tpu.memory_space<vmem_shared>>)
      } else {
      }
      %add3A_1214 = arith.constant 8 : i32
      %add3A_1215 = arith.addi %add3A_1166, %add3A_1214 : i32
      %sub3A_1216 = arith.constant 1 : i32
      %sub3A_1217 = arith.subi %add3A_1215, %sub3A_1216 : i32
      %lt3A_1218 = arith.constant 250 : i32
      %lt3A_1219 = arith.cmpi slt, %sub3A_1217, %lt3A_1218 : i32
      %convert_element_type3A_1220 = arith.extui %lt3A_1219 : i1 to i32
      %cond3A_1221 = arith.constant 0 : i32
      %cond3A_1222 = arith.cmpi ne, %convert_element_type3A_1220, %cond3A_1221 : i32
      scf.if %cond3A_1222 {
        %add3A_1284 = arith.constant 8 : i32
        %add3A_1285 = arith.addi %add3A_1166, %add3A_1284 : i32
        %sub3A_1286 = arith.constant 1 : i32
        %sub3A_1287 = arith.subi %add3A_1285, %sub3A_1286 : i32
        %mul3A_1288 = arith.constant 40 : i32
        %mul3A_1289 = arith.muli %sub3A_1287, %mul3A_1288 : i32
        %add3A_1290 = arith.addi %mul3A_2, %mul3A_1289 : i32
        %dma_start3A_1291 = arith.constant 5 : i32
        %dma_start3A_1292 = arith.constant 0 : i32
        %dma_start3A_1293 = arith.constant 0 : i32
        %dma_start3A_1294 = tpu.memref_slice %arg5[%dma_start3A_1291, %dma_start3A_1292, %dma_start3A_1293] : memref<8x40x128xf32, #tpu.memory_space<vmem>> -> memref<1x40x128xf32, #tpu.memory_space<vmem>>
        %dma_start3A_1295 = tpu.memref_squeeze %dma_start3A_1294 : memref<1x40x128xf32, #tpu.memory_space<vmem>> -> memref<40x128xf32, #tpu.memory_space<vmem>>
        %dma_start3A_1296 = arith.constant 0 : i32
        %dma_start3A_1297 = tpu.memref_slice %arg2[%add3A_1290, %dma_start3A_1296] : memref<320000x128xf32, #tpu.memory_space<hbm>> -> memref<40x128xf32, #tpu.memory_space<hbm>>
        %dma_start3A_1298 = arith.constant 0 : i32
        %dma_start3A_1299 = arith.constant 0 : i32
        %dma_start3A_1300 = tpu.memref_slice %arg5[%dma_start3A_1291, %dma_start3A_1298, %dma_start3A_1299] : memref<8x40x128xf32, #tpu.memory_space<vmem>> -> memref<1x40x128xf32, #tpu.memory_space<vmem>>
        %dma_start3A_1301 = tpu.memref_squeeze %dma_start3A_1300 : memref<1x40x128xf32, #tpu.memory_space<vmem>> -> memref<40x128xf32, #tpu.memory_space<vmem>>
        %dma_start3A_1302 = arith.constant 0 : i32
        %dma_start3A_1303 = tpu.memref_slice %arg2[%add3A_1290, %dma_start3A_1302] : memref<320000x128xf32, #tpu.memory_space<hbm>> -> memref<40x128xf32, #tpu.memory_space<hbm>>
        tpu.enqueue_dma source(%dma_start3A_1303 : memref<40x128xf32, #tpu.memory_space<hbm>>) target(%dma_start3A_1301 : memref<40x128xf32, #tpu.memory_space<vmem>>) target_semaphore(%arg13 : memref<!tpu.dma_semaphore, #tpu.memory_space<semaphore_mem>>)
        %mul3A_1304 = arith.constant 40 : i32
        %mul3A_1305 = arith.muli %sub3A_1287, %mul3A_1304 : i32
        %add3A_1306 = arith.addi %mul3A_2, %mul3A_1305 : i32
        %dma_start3A_1307 = arith.constant 5 : i32
        %dma_start3A_1308 = arith.constant 0 : i32
        %dma_start3A_1309 = arith.constant 0 : i32
        %dma_start3A_1310 = tpu.memref_slice %arg6[%dma_start3A_1307, %dma_start3A_1308, %dma_start3A_1309] : memref<8x1x40xi32, #tpu.memory_space<vmem>> -> memref<1x1x40xi32, #tpu.memory_space<vmem>>
        %dma_start3A_1311 = tpu.memref_squeeze %dma_start3A_1310 : memref<1x1x40xi32, #tpu.memory_space<vmem>> -> memref<40xi32, #tpu.memory_space<vmem>>
        %dma_start3A_1312 = tpu.memref_slice %arg3[%add3A_1306] : memref<320000xi32, #tpu.memory_space<hbm>> -> memref<40xi32, #tpu.memory_space<hbm>>
        %dma_start3A_1313 = arith.constant 0 : i32
        %dma_start3A_1314 = tpu.memref_slice %arg6[%dma_start3A_1307, %dma_start3A_1308, %dma_start3A_1313] : memref<8x1x40xi32, #tpu.memory_space<vmem>> -> memref<1x1x40xi32, #tpu.memory_space<vmem>>
        %dma_start3A_1315 = tpu.memref_squeeze %dma_start3A_1314 : memref<1x1x40xi32, #tpu.memory_space<vmem>> -> memref<40xi32, #tpu.memory_space<vmem>>
        %dma_start3A_1316 = tpu.memref_slice %arg3[%add3A_1306] : memref<320000xi32, #tpu.memory_space<hbm>> -> memref<40xi32, #tpu.memory_space<hbm>>
        tpu.enqueue_dma source(%dma_start3A_1316 : memref<40xi32, #tpu.memory_space<hbm>>) target(%dma_start3A_1315 : memref<40xi32, #tpu.memory_space<vmem>>) target_semaphore(%arg13 : memref<!tpu.dma_semaphore, #tpu.memory_space<semaphore_mem>>)
      } else {
      }
      %mul3A_1223 = arith.constant 8 : i32
      %mul3A_1224 = arith.muli %scan3A_806, %mul3A_1223 : i32
      %add3A_1225 = arith.constant 7 : i32
      %add3A_1226 = arith.addi %mul3A_1224, %add3A_1225 : i32
      %mul3A_1227 = arith.constant 40 : i32
      %mul3A_1228 = arith.muli %add3A_1226, %mul3A_1227 : i32
      %add3A_1229 = arith.addi %mul3A_2, %mul3A_1228 : i32
      %dma_wait3A_1230 = arith.constant 7 : i32
      %dma_wait3A_1231 = arith.constant 0 : i32
      %dma_wait3A_1232 = arith.constant 0 : i32
      %dma_wait3A_1233 = tpu.memref_slice %arg5[%dma_wait3A_1230, %dma_wait3A_1231, %dma_wait3A_1232] : memref<8x40x128xf32, #tpu.memory_space<vmem>> -> memref<1x40x128xf32, #tpu.memory_space<vmem>>
      %dma_wait3A_1234 = tpu.memref_squeeze %dma_wait3A_1233 : memref<1x40x128xf32, #tpu.memory_space<vmem>> -> memref<40x128xf32, #tpu.memory_space<vmem>>
      %dma_wait3A_1235 = arith.constant 0 : i32
      %dma_wait3A_1236 = tpu.memref_slice %arg2[%add3A_1229, %dma_wait3A_1235] : memref<320000x128xf32, #tpu.memory_space<hbm>> -> memref<40x128xf32, #tpu.memory_space<hbm>>
      %dma_wait3A_1237 = arith.constant 0 : i32
      %dma_wait3A_1238 = arith.constant 0 : i32
      %dma_wait3A_1239 = tpu.memref_slice %arg5[%dma_wait3A_1230, %dma_wait3A_1237, %dma_wait3A_1238] : memref<8x40x128xf32, #tpu.memory_space<vmem>> -> memref<1x40x128xf32, #tpu.memory_space<vmem>>
      %dma_wait3A_1240 = tpu.memref_squeeze %dma_wait3A_1239 : memref<1x40x128xf32, #tpu.memory_space<vmem>> -> memref<40x128xf32, #tpu.memory_space<vmem>>
      %dma_wait3A_1241 = arith.constant 0 : i32
      %dma_wait3A_1242 = tpu.memref_slice %arg2[%add3A_1229, %dma_wait3A_1241] : memref<320000x128xf32, #tpu.memory_space<hbm>> -> memref<40x128xf32, #tpu.memory_space<hbm>>
      tpu.wait_dma2 semaphore(%arg15 : memref<!tpu.dma_semaphore, #tpu.memory_space<semaphore_mem>>) src(%dma_wait3A_1242 : memref<40x128xf32, #tpu.memory_space<hbm>>) dst(%dma_wait3A_1240 : memref<40x128xf32, #tpu.memory_space<vmem>>)
      %mul3A_1243 = arith.constant 40 : i32
      %mul3A_1244 = arith.muli %add3A_1226, %mul3A_1243 : i32
      %add3A_1245 = arith.addi %mul3A_2, %mul3A_1244 : i32
      %dma_wait3A_1246 = arith.constant 7 : i32
      %dma_wait3A_1247 = arith.constant 0 : i32
      %dma_wait3A_1248 = arith.constant 0 : i32
      %dma_wait3A_1249 = tpu.memref_slice %arg6[%dma_wait3A_1246, %dma_wait3A_1247, %dma_wait3A_1248] : memref<8x1x40xi32, #tpu.memory_space<vmem>> -> memref<1x1x40xi32, #tpu.memory_space<vmem>>
      %dma_wait3A_1250 = tpu.memref_squeeze %dma_wait3A_1249 : memref<1x1x40xi32, #tpu.memory_space<vmem>> -> memref<40xi32, #tpu.memory_space<vmem>>
      %dma_wait3A_1251 = tpu.memref_slice %arg3[%add3A_1245] : memref<320000xi32, #tpu.memory_space<hbm>> -> memref<40xi32, #tpu.memory_space<hbm>>
      %dma_wait3A_1252 = arith.constant 0 : i32
      %dma_wait3A_1253 = tpu.memref_slice %arg6[%dma_wait3A_1246, %dma_wait3A_1247, %dma_wait3A_1252] : memref<8x1x40xi32, #tpu.memory_space<vmem>> -> memref<1x1x40xi32, #tpu.memory_space<vmem>>
      %dma_wait3A_1254 = tpu.memref_squeeze %dma_wait3A_1253 : memref<1x1x40xi32, #tpu.memory_space<vmem>> -> memref<40xi32, #tpu.memory_space<vmem>>
      %dma_wait3A_1255 = tpu.memref_slice %arg3[%add3A_1245] : memref<320000xi32, #tpu.memory_space<hbm>> -> memref<40xi32, #tpu.memory_space<hbm>>
      tpu.wait_dma2 semaphore(%arg15 : memref<!tpu.dma_semaphore, #tpu.memory_space<semaphore_mem>>) src(%dma_wait3A_1255 : memref<40xi32, #tpu.memory_space<hbm>>) dst(%dma_wait3A_1254 : memref<40xi32, #tpu.memory_space<vmem>>)
      %dma_start3A_1256 = arith.constant 7 : i32
      %dma_start3A_1257 = arith.constant 7 : i32
      %dma_start3A_1258 = arith.constant 0 : i32
      %dma_start3A_1259 = arith.constant 0 : i32
      %dma_start3A_1260 = arith.constant 0 : i32
      %dma_start3A_1261 = tpu.memref_slice %arg5[%dma_start3A_1256, %dma_start3A_1259, %dma_start3A_1260] : memref<8x40x128xf32, #tpu.memory_space<vmem>> -> memref<1x40x128xf32, #tpu.memory_space<vmem>>
      %dma_start3A_1262 = tpu.memref_squeeze %dma_start3A_1261 : memref<1x40x128xf32, #tpu.memory_space<vmem>> -> memref<40x128xf32, #tpu.memory_space<vmem>>
      %dma_start3A_1263 = arith.constant 0 : i32
      %dma_start3A_1264 = tpu.memref_slice %arg6[%dma_start3A_1257, %dma_start3A_1258, %dma_start3A_1263] : memref<8x1x40xi32, #tpu.memory_space<vmem>> -> memref<1x1x40xi32, #tpu.memory_space<vmem>>
      %dma_start3A_1265 = tpu.memref_squeeze %dma_start3A_1264 : memref<1x1x40xi32, #tpu.memory_space<vmem>> -> memref<40xi32, #tpu.memory_space<vmem>>
      %dma_start3A_1266 = arith.constant 0 : i32
      %dma_start3A_1267 = arith.constant 0 : i32
      %dma_start3A_1268 = tpu.memref_slice %arg7[%dma_start3A_1266, %dma_start3A_1267] : memref<10240x128xf32, #tpu.memory_space<vmem_shared>> -> memref<10240x128xf32, #tpu.memory_space<vmem_shared>>
      tpu.enqueue_indirect_dma source(%dma_start3A_1262 : memref<40x128xf32, #tpu.memory_space<vmem>>) target(%dma_start3A_1268 : memref<10240x128xf32, #tpu.memory_space<vmem_shared>>) offsets(%dma_start3A_1265 : memref<40xi32, #tpu.memory_space<vmem>>) semaphore(%arg23 : memref<!tpu.dma_semaphore, #tpu.memory_space<semaphore_mem>>) {add = true}
      %ge3A_1269 = arith.constant 1 : i32
      %ge3A_1270 = arith.cmpi sge, %add3A_1226, %ge3A_1269 : i32
      %convert_element_type3A_1271 = arith.extui %ge3A_1270 : i1 to i32
      %cond3A_1272 = arith.constant 0 : i32
      %cond3A_1273 = arith.cmpi ne, %convert_element_type3A_1271, %cond3A_1272 : i32
      scf.if %cond3A_1273 {
        %dma_wait3A_1284 = arith.constant 6 : i32
        %dma_wait3A_1285 = arith.constant 6 : i32
        %dma_wait3A_1286 = arith.constant 0 : i32
        %dma_wait3A_1287 = arith.constant 0 : i32
        %dma_wait3A_1288 = arith.constant 0 : i32
        %dma_wait3A_1289 = tpu.memref_slice %arg5[%dma_wait3A_1284, %dma_wait3A_1287, %dma_wait3A_1288] : memref<8x40x128xf32, #tpu.memory_space<vmem>> -> memref<1x40x128xf32, #tpu.memory_space<vmem>>
        %dma_wait3A_1290 = tpu.memref_squeeze %dma_wait3A_1289 : memref<1x40x128xf32, #tpu.memory_space<vmem>> -> memref<40x128xf32, #tpu.memory_space<vmem>>
        %dma_wait3A_1291 = arith.constant 0 : i32
        %dma_wait3A_1292 = tpu.memref_slice %arg6[%dma_wait3A_1285, %dma_wait3A_1286, %dma_wait3A_1291] : memref<8x1x40xi32, #tpu.memory_space<vmem>> -> memref<1x1x40xi32, #tpu.memory_space<vmem>>
        %dma_wait3A_1293 = tpu.memref_squeeze %dma_wait3A_1292 : memref<1x1x40xi32, #tpu.memory_space<vmem>> -> memref<40xi32, #tpu.memory_space<vmem>>
        %dma_wait3A_1294 = arith.constant 0 : i32
        %dma_wait3A_1295 = arith.constant 0 : i32
        %dma_wait3A_1296 = tpu.memref_slice %arg7[%dma_wait3A_1294, %dma_wait3A_1295] : memref<10240x128xf32, #tpu.memory_space<vmem_shared>> -> memref<10240x128xf32, #tpu.memory_space<vmem_shared>>
        tpu.wait_indirect_dma semaphore(%arg22 : memref<!tpu.dma_semaphore, #tpu.memory_space<semaphore_mem>>) src(%dma_wait3A_1290 : memref<40x128xf32, #tpu.memory_space<vmem>>) dst(%dma_wait3A_1296 : memref<10240x128xf32, #tpu.memory_space<vmem_shared>>)
      } else {
      }
      %add3A_1274 = arith.constant 8 : i32
      %add3A_1275 = arith.addi %add3A_1226, %add3A_1274 : i32
      %sub3A_1276 = arith.constant 1 : i32
      %sub3A_1277 = arith.subi %add3A_1275, %sub3A_1276 : i32
      %lt3A_1278 = arith.constant 250 : i32
      %lt3A_1279 = arith.cmpi slt, %sub3A_1277, %lt3A_1278 : i32
      %convert_element_type3A_1280 = arith.extui %lt3A_1279 : i1 to i32
      %cond3A_1281 = arith.constant 0 : i32
      %cond3A_1282 = arith.cmpi ne, %convert_element_type3A_1280, %cond3A_1281 : i32
      scf.if %cond3A_1282 {
        %add3A_1284 = arith.constant 8 : i32
        %add3A_1285 = arith.addi %add3A_1226, %add3A_1284 : i32
        %sub3A_1286 = arith.constant 1 : i32
        %sub3A_1287 = arith.subi %add3A_1285, %sub3A_1286 : i32
        %mul3A_1288 = arith.constant 40 : i32
        %mul3A_1289 = arith.muli %sub3A_1287, %mul3A_1288 : i32
        %add3A_1290 = arith.addi %mul3A_2, %mul3A_1289 : i32
        %dma_start3A_1291 = arith.constant 6 : i32
        %dma_start3A_1292 = arith.constant 0 : i32
        %dma_start3A_1293 = arith.constant 0 : i32
        %dma_start3A_1294 = tpu.memref_slice %arg5[%dma_start3A_1291, %dma_start3A_1292, %dma_start3A_1293] : memref<8x40x128xf32, #tpu.memory_space<vmem>> -> memref<1x40x128xf32, #tpu.memory_space<vmem>>
        %dma_start3A_1295 = tpu.memref_squeeze %dma_start3A_1294 : memref<1x40x128xf32, #tpu.memory_space<vmem>> -> memref<40x128xf32, #tpu.memory_space<vmem>>
        %dma_start3A_1296 = arith.constant 0 : i32
        %dma_start3A_1297 = tpu.memref_slice %arg2[%add3A_1290, %dma_start3A_1296] : memref<320000x128xf32, #tpu.memory_space<hbm>> -> memref<40x128xf32, #tpu.memory_space<hbm>>
        %dma_start3A_1298 = arith.constant 0 : i32
        %dma_start3A_1299 = arith.constant 0 : i32
        %dma_start3A_1300 = tpu.memref_slice %arg5[%dma_start3A_1291, %dma_start3A_1298, %dma_start3A_1299] : memref<8x40x128xf32, #tpu.memory_space<vmem>> -> memref<1x40x128xf32, #tpu.memory_space<vmem>>
        %dma_start3A_1301 = tpu.memref_squeeze %dma_start3A_1300 : memref<1x40x128xf32, #tpu.memory_space<vmem>> -> memref<40x128xf32, #tpu.memory_space<vmem>>
        %dma_start3A_1302 = arith.constant 0 : i32
        %dma_start3A_1303 = tpu.memref_slice %arg2[%add3A_1290, %dma_start3A_1302] : memref<320000x128xf32, #tpu.memory_space<hbm>> -> memref<40x128xf32, #tpu.memory_space<hbm>>
        tpu.enqueue_dma source(%dma_start3A_1303 : memref<40x128xf32, #tpu.memory_space<hbm>>) target(%dma_start3A_1301 : memref<40x128xf32, #tpu.memory_space<vmem>>) target_semaphore(%arg14 : memref<!tpu.dma_semaphore, #tpu.memory_space<semaphore_mem>>)
        %mul3A_1304 = arith.constant 40 : i32
        %mul3A_1305 = arith.muli %sub3A_1287, %mul3A_1304 : i32
        %add3A_1306 = arith.addi %mul3A_2, %mul3A_1305 : i32
        %dma_start3A_1307 = arith.constant 6 : i32
        %dma_start3A_1308 = arith.constant 0 : i32
        %dma_start3A_1309 = arith.constant 0 : i32
        %dma_start3A_1310 = tpu.memref_slice %arg6[%dma_start3A_1307, %dma_start3A_1308, %dma_start3A_1309] : memref<8x1x40xi32, #tpu.memory_space<vmem>> -> memref<1x1x40xi32, #tpu.memory_space<vmem>>
        %dma_start3A_1311 = tpu.memref_squeeze %dma_start3A_1310 : memref<1x1x40xi32, #tpu.memory_space<vmem>> -> memref<40xi32, #tpu.memory_space<vmem>>
        %dma_start3A_1312 = tpu.memref_slice %arg3[%add3A_1306] : memref<320000xi32, #tpu.memory_space<hbm>> -> memref<40xi32, #tpu.memory_space<hbm>>
        %dma_start3A_1313 = arith.constant 0 : i32
        %dma_start3A_1314 = tpu.memref_slice %arg6[%dma_start3A_1307, %dma_start3A_1308, %dma_start3A_1313] : memref<8x1x40xi32, #tpu.memory_space<vmem>> -> memref<1x1x40xi32, #tpu.memory_space<vmem>>
        %dma_start3A_1315 = tpu.memref_squeeze %dma_start3A_1314 : memref<1x1x40xi32, #tpu.memory_space<vmem>> -> memref<40xi32, #tpu.memory_space<vmem>>
        %dma_start3A_1316 = tpu.memref_slice %arg3[%add3A_1306] : memref<320000xi32, #tpu.memory_space<hbm>> -> memref<40xi32, #tpu.memory_space<hbm>>
        tpu.enqueue_dma source(%dma_start3A_1316 : memref<40xi32, #tpu.memory_space<hbm>>) target(%dma_start3A_1315 : memref<40xi32, #tpu.memory_space<vmem>>) target_semaphore(%arg14 : memref<!tpu.dma_semaphore, #tpu.memory_space<semaphore_mem>>)
      } else {
      }
      %scan3A_1283 = arith.constant 0 : i32
      scf.yield %scan3A_1283 : i32
    }
    %scan3A_685 = arith.constant 31 : i32
    %add3A_686 = arith.constant 9920 : i32
    %add3A_687 = arith.addi %mul3A_2, %add3A_686 : i32
    %dma_wait3A_688 = arith.constant 0 : i32
    %dma_wait3A_689 = arith.constant 0 : i32
    %dma_wait3A_690 = arith.constant 0 : i32
    %dma_wait3A_691 = tpu.memref_slice %arg5[%dma_wait3A_688, %dma_wait3A_689, %dma_wait3A_690] : memref<8x40x128xf32, #tpu.memory_space<vmem>> -> memref<1x40x128xf32, #tpu.memory_space<vmem>>
    %dma_wait3A_692 = tpu.memref_squeeze %dma_wait3A_691 : memref<1x40x128xf32, #tpu.memory_space<vmem>> -> memref<40x128xf32, #tpu.memory_space<vmem>>
    %dma_wait3A_693 = arith.constant 0 : i32
    %dma_wait3A_694 = tpu.memref_slice %arg2[%add3A_687, %dma_wait3A_693] : memref<320000x128xf32, #tpu.memory_space<hbm>> -> memref<40x128xf32, #tpu.memory_space<hbm>>
    %dma_wait3A_695 = arith.constant 0 : i32
    %dma_wait3A_696 = arith.constant 0 : i32
    %dma_wait3A_697 = tpu.memref_slice %arg5[%dma_wait3A_688, %dma_wait3A_695, %dma_wait3A_696] : memref<8x40x128xf32, #tpu.memory_space<vmem>> -> memref<1x40x128xf32, #tpu.memory_space<vmem>>
    %dma_wait3A_698 = tpu.memref_squeeze %dma_wait3A_697 : memref<1x40x128xf32, #tpu.memory_space<vmem>> -> memref<40x128xf32, #tpu.memory_space<vmem>>
    %dma_wait3A_699 = arith.constant 0 : i32
    %dma_wait3A_700 = tpu.memref_slice %arg2[%add3A_687, %dma_wait3A_699] : memref<320000x128xf32, #tpu.memory_space<hbm>> -> memref<40x128xf32, #tpu.memory_space<hbm>>
    tpu.wait_dma2 semaphore(%arg8 : memref<!tpu.dma_semaphore, #tpu.memory_space<semaphore_mem>>) src(%dma_wait3A_700 : memref<40x128xf32, #tpu.memory_space<hbm>>) dst(%dma_wait3A_698 : memref<40x128xf32, #tpu.memory_space<vmem>>)
    %add3A_701 = arith.constant 9920 : i32
    %add3A_702 = arith.addi %mul3A_2, %add3A_701 : i32
    %dma_wait3A_703 = arith.constant 0 : i32
    %dma_wait3A_704 = arith.constant 0 : i32
    %dma_wait3A_705 = arith.constant 0 : i32
    %dma_wait3A_706 = tpu.memref_slice %arg6[%dma_wait3A_703, %dma_wait3A_704, %dma_wait3A_705] : memref<8x1x40xi32, #tpu.memory_space<vmem>> -> memref<1x1x40xi32, #tpu.memory_space<vmem>>
    %dma_wait3A_707 = tpu.memref_squeeze %dma_wait3A_706 : memref<1x1x40xi32, #tpu.memory_space<vmem>> -> memref<40xi32, #tpu.memory_space<vmem>>
    %dma_wait3A_708 = tpu.memref_slice %arg3[%add3A_702] : memref<320000xi32, #tpu.memory_space<hbm>> -> memref<40xi32, #tpu.memory_space<hbm>>
    %dma_wait3A_709 = arith.constant 0 : i32
    %dma_wait3A_710 = tpu.memref_slice %arg6[%dma_wait3A_703, %dma_wait3A_704, %dma_wait3A_709] : memref<8x1x40xi32, #tpu.memory_space<vmem>> -> memref<1x1x40xi32, #tpu.memory_space<vmem>>
    %dma_wait3A_711 = tpu.memref_squeeze %dma_wait3A_710 : memref<1x1x40xi32, #tpu.memory_space<vmem>> -> memref<40xi32, #tpu.memory_space<vmem>>
    %dma_wait3A_712 = tpu.memref_slice %arg3[%add3A_702] : memref<320000xi32, #tpu.memory_space<hbm>> -> memref<40xi32, #tpu.memory_space<hbm>>
    tpu.wait_dma2 semaphore(%arg8 : memref<!tpu.dma_semaphore, #tpu.memory_space<semaphore_mem>>) src(%dma_wait3A_712 : memref<40xi32, #tpu.memory_space<hbm>>) dst(%dma_wait3A_711 : memref<40xi32, #tpu.memory_space<vmem>>)
    %dma_start3A_713 = arith.constant 0 : i32
    %dma_start3A_714 = arith.constant 0 : i32
    %dma_start3A_715 = arith.constant 0 : i32
    %dma_start3A_716 = arith.constant 0 : i32
    %dma_start3A_717 = arith.constant 0 : i32
    %dma_start3A_718 = tpu.memref_slice %arg5[%dma_start3A_713, %dma_start3A_716, %dma_start3A_717] : memref<8x40x128xf32, #tpu.memory_space<vmem>> -> memref<1x40x128xf32, #tpu.memory_space<vmem>>
    %dma_start3A_719 = tpu.memref_squeeze %dma_start3A_718 : memref<1x40x128xf32, #tpu.memory_space<vmem>> -> memref<40x128xf32, #tpu.memory_space<vmem>>
    %dma_start3A_720 = arith.constant 0 : i32
    %dma_start3A_721 = tpu.memref_slice %arg6[%dma_start3A_714, %dma_start3A_715, %dma_start3A_720] : memref<8x1x40xi32, #tpu.memory_space<vmem>> -> memref<1x1x40xi32, #tpu.memory_space<vmem>>
    %dma_start3A_722 = tpu.memref_squeeze %dma_start3A_721 : memref<1x1x40xi32, #tpu.memory_space<vmem>> -> memref<40xi32, #tpu.memory_space<vmem>>
    %dma_start3A_723 = arith.constant 0 : i32
    %dma_start3A_724 = arith.constant 0 : i32
    %dma_start3A_725 = tpu.memref_slice %arg7[%dma_start3A_723, %dma_start3A_724] : memref<10240x128xf32, #tpu.memory_space<vmem_shared>> -> memref<10240x128xf32, #tpu.memory_space<vmem_shared>>
    tpu.enqueue_indirect_dma source(%dma_start3A_719 : memref<40x128xf32, #tpu.memory_space<vmem>>) target(%dma_start3A_725 : memref<10240x128xf32, #tpu.memory_space<vmem_shared>>) offsets(%dma_start3A_722 : memref<40xi32, #tpu.memory_space<vmem>>) semaphore(%arg16 : memref<!tpu.dma_semaphore, #tpu.memory_space<semaphore_mem>>) {add = true}
    %dma_wait3A_726 = arith.constant 7 : i32
    %dma_wait3A_727 = arith.constant 7 : i32
    %dma_wait3A_728 = arith.constant 0 : i32
    %dma_wait3A_729 = arith.constant 0 : i32
    %dma_wait3A_730 = arith.constant 0 : i32
    %dma_wait3A_731 = tpu.memref_slice %arg5[%dma_wait3A_726, %dma_wait3A_729, %dma_wait3A_730] : memref<8x40x128xf32, #tpu.memory_space<vmem>> -> memref<1x40x128xf32, #tpu.memory_space<vmem>>
    %dma_wait3A_732 = tpu.memref_squeeze %dma_wait3A_731 : memref<1x40x128xf32, #tpu.memory_space<vmem>> -> memref<40x128xf32, #tpu.memory_space<vmem>>
    %dma_wait3A_733 = arith.constant 0 : i32
    %dma_wait3A_734 = tpu.memref_slice %arg6[%dma_wait3A_727, %dma_wait3A_728, %dma_wait3A_733] : memref<8x1x40xi32, #tpu.memory_space<vmem>> -> memref<1x1x40xi32, #tpu.memory_space<vmem>>
    %dma_wait3A_735 = tpu.memref_squeeze %dma_wait3A_734 : memref<1x1x40xi32, #tpu.memory_space<vmem>> -> memref<40xi32, #tpu.memory_space<vmem>>
    %dma_wait3A_736 = arith.constant 0 : i32
    %dma_wait3A_737 = arith.constant 0 : i32
    %dma_wait3A_738 = tpu.memref_slice %arg7[%dma_wait3A_736, %dma_wait3A_737] : memref<10240x128xf32, #tpu.memory_space<vmem_shared>> -> memref<10240x128xf32, #tpu.memory_space<vmem_shared>>
    tpu.wait_indirect_dma semaphore(%arg23 : memref<!tpu.dma_semaphore, #tpu.memory_space<semaphore_mem>>) src(%dma_wait3A_732 : memref<40x128xf32, #tpu.memory_space<vmem>>) dst(%dma_wait3A_738 : memref<10240x128xf32, #tpu.memory_space<vmem_shared>>)
    %add3A_739 = arith.constant 9960 : i32
    %add3A_740 = arith.addi %mul3A_2, %add3A_739 : i32
    %dma_wait3A_741 = arith.constant 1 : i32
    %dma_wait3A_742 = arith.constant 0 : i32
    %dma_wait3A_743 = arith.constant 0 : i32
    %dma_wait3A_744 = tpu.memref_slice %arg5[%dma_wait3A_741, %dma_wait3A_742, %dma_wait3A_743] : memref<8x40x128xf32, #tpu.memory_space<vmem>> -> memref<1x40x128xf32, #tpu.memory_space<vmem>>
    %dma_wait3A_745 = tpu.memref_squeeze %dma_wait3A_744 : memref<1x40x128xf32, #tpu.memory_space<vmem>> -> memref<40x128xf32, #tpu.memory_space<vmem>>
    %dma_wait3A_746 = arith.constant 0 : i32
    %dma_wait3A_747 = tpu.memref_slice %arg2[%add3A_740, %dma_wait3A_746] : memref<320000x128xf32, #tpu.memory_space<hbm>> -> memref<40x128xf32, #tpu.memory_space<hbm>>
    %dma_wait3A_748 = arith.constant 0 : i32
    %dma_wait3A_749 = arith.constant 0 : i32
    %dma_wait3A_750 = tpu.memref_slice %arg5[%dma_wait3A_741, %dma_wait3A_748, %dma_wait3A_749] : memref<8x40x128xf32, #tpu.memory_space<vmem>> -> memref<1x40x128xf32, #tpu.memory_space<vmem>>
    %dma_wait3A_751 = tpu.memref_squeeze %dma_wait3A_750 : memref<1x40x128xf32, #tpu.memory_space<vmem>> -> memref<40x128xf32, #tpu.memory_space<vmem>>
    %dma_wait3A_752 = arith.constant 0 : i32
    %dma_wait3A_753 = tpu.memref_slice %arg2[%add3A_740, %dma_wait3A_752] : memref<320000x128xf32, #tpu.memory_space<hbm>> -> memref<40x128xf32, #tpu.memory_space<hbm>>
    tpu.wait_dma2 semaphore(%arg9 : memref<!tpu.dma_semaphore, #tpu.memory_space<semaphore_mem>>) src(%dma_wait3A_753 : memref<40x128xf32, #tpu.memory_space<hbm>>) dst(%dma_wait3A_751 : memref<40x128xf32, #tpu.memory_space<vmem>>)
    %add3A_754 = arith.constant 9960 : i32
    %add3A_755 = arith.addi %mul3A_2, %add3A_754 : i32
    %dma_wait3A_756 = arith.constant 1 : i32
    %dma_wait3A_757 = arith.constant 0 : i32
    %dma_wait3A_758 = arith.constant 0 : i32
    %dma_wait3A_759 = tpu.memref_slice %arg6[%dma_wait3A_756, %dma_wait3A_757, %dma_wait3A_758] : memref<8x1x40xi32, #tpu.memory_space<vmem>> -> memref<1x1x40xi32, #tpu.memory_space<vmem>>
    %dma_wait3A_760 = tpu.memref_squeeze %dma_wait3A_759 : memref<1x1x40xi32, #tpu.memory_space<vmem>> -> memref<40xi32, #tpu.memory_space<vmem>>
    %dma_wait3A_761 = tpu.memref_slice %arg3[%add3A_755] : memref<320000xi32, #tpu.memory_space<hbm>> -> memref<40xi32, #tpu.memory_space<hbm>>
    %dma_wait3A_762 = arith.constant 0 : i32
    %dma_wait3A_763 = tpu.memref_slice %arg6[%dma_wait3A_756, %dma_wait3A_757, %dma_wait3A_762] : memref<8x1x40xi32, #tpu.memory_space<vmem>> -> memref<1x1x40xi32, #tpu.memory_space<vmem>>
    %dma_wait3A_764 = tpu.memref_squeeze %dma_wait3A_763 : memref<1x1x40xi32, #tpu.memory_space<vmem>> -> memref<40xi32, #tpu.memory_space<vmem>>
    %dma_wait3A_765 = tpu.memref_slice %arg3[%add3A_755] : memref<320000xi32, #tpu.memory_space<hbm>> -> memref<40xi32, #tpu.memory_space<hbm>>
    tpu.wait_dma2 semaphore(%arg9 : memref<!tpu.dma_semaphore, #tpu.memory_space<semaphore_mem>>) src(%dma_wait3A_765 : memref<40xi32, #tpu.memory_space<hbm>>) dst(%dma_wait3A_764 : memref<40xi32, #tpu.memory_space<vmem>>)
    %dma_start3A_766 = arith.constant 1 : i32
    %dma_start3A_767 = arith.constant 1 : i32
    %dma_start3A_768 = arith.constant 0 : i32
    %dma_start3A_769 = arith.constant 0 : i32
    %dma_start3A_770 = arith.constant 0 : i32
    %dma_start3A_771 = tpu.memref_slice %arg5[%dma_start3A_766, %dma_start3A_769, %dma_start3A_770] : memref<8x40x128xf32, #tpu.memory_space<vmem>> -> memref<1x40x128xf32, #tpu.memory_space<vmem>>
    %dma_start3A_772 = tpu.memref_squeeze %dma_start3A_771 : memref<1x40x128xf32, #tpu.memory_space<vmem>> -> memref<40x128xf32, #tpu.memory_space<vmem>>
    %dma_start3A_773 = arith.constant 0 : i32
    %dma_start3A_774 = tpu.memref_slice %arg6[%dma_start3A_767, %dma_start3A_768, %dma_start3A_773] : memref<8x1x40xi32, #tpu.memory_space<vmem>> -> memref<1x1x40xi32, #tpu.memory_space<vmem>>
    %dma_start3A_775 = tpu.memref_squeeze %dma_start3A_774 : memref<1x1x40xi32, #tpu.memory_space<vmem>> -> memref<40xi32, #tpu.memory_space<vmem>>
    %dma_start3A_776 = arith.constant 0 : i32
    %dma_start3A_777 = arith.constant 0 : i32
    %dma_start3A_778 = tpu.memref_slice %arg7[%dma_start3A_776, %dma_start3A_777] : memref<10240x128xf32, #tpu.memory_space<vmem_shared>> -> memref<10240x128xf32, #tpu.memory_space<vmem_shared>>
    tpu.enqueue_indirect_dma source(%dma_start3A_772 : memref<40x128xf32, #tpu.memory_space<vmem>>) target(%dma_start3A_778 : memref<10240x128xf32, #tpu.memory_space<vmem_shared>>) offsets(%dma_start3A_775 : memref<40xi32, #tpu.memory_space<vmem>>) semaphore(%arg17 : memref<!tpu.dma_semaphore, #tpu.memory_space<semaphore_mem>>) {add = true}
    %dma_wait3A_779 = arith.constant 0 : i32
    %dma_wait3A_780 = arith.constant 0 : i32
    %dma_wait3A_781 = arith.constant 0 : i32
    %dma_wait3A_782 = arith.constant 0 : i32
    %dma_wait3A_783 = arith.constant 0 : i32
    %dma_wait3A_784 = tpu.memref_slice %arg5[%dma_wait3A_779, %dma_wait3A_782, %dma_wait3A_783] : memref<8x40x128xf32, #tpu.memory_space<vmem>> -> memref<1x40x128xf32, #tpu.memory_space<vmem>>
    %dma_wait3A_785 = tpu.memref_squeeze %dma_wait3A_784 : memref<1x40x128xf32, #tpu.memory_space<vmem>> -> memref<40x128xf32, #tpu.memory_space<vmem>>
    %dma_wait3A_786 = arith.constant 0 : i32
    %dma_wait3A_787 = tpu.memref_slice %arg6[%dma_wait3A_780, %dma_wait3A_781, %dma_wait3A_786] : memref<8x1x40xi32, #tpu.memory_space<vmem>> -> memref<1x1x40xi32, #tpu.memory_space<vmem>>
    %dma_wait3A_788 = tpu.memref_squeeze %dma_wait3A_787 : memref<1x1x40xi32, #tpu.memory_space<vmem>> -> memref<40xi32, #tpu.memory_space<vmem>>
    %dma_wait3A_789 = arith.constant 0 : i32
    %dma_wait3A_790 = arith.constant 0 : i32
    %dma_wait3A_791 = tpu.memref_slice %arg7[%dma_wait3A_789, %dma_wait3A_790] : memref<10240x128xf32, #tpu.memory_space<vmem_shared>> -> memref<10240x128xf32, #tpu.memory_space<vmem_shared>>
    tpu.wait_indirect_dma semaphore(%arg16 : memref<!tpu.dma_semaphore, #tpu.memory_space<semaphore_mem>>) src(%dma_wait3A_785 : memref<40x128xf32, #tpu.memory_space<vmem>>) dst(%dma_wait3A_791 : memref<10240x128xf32, #tpu.memory_space<vmem_shared>>)
    %dma_wait3A_792 = arith.constant 1 : i32
    %dma_wait3A_793 = arith.constant 1 : i32
    %dma_wait3A_794 = arith.constant 0 : i32
    %dma_wait3A_795 = arith.constant 0 : i32
    %dma_wait3A_796 = arith.constant 0 : i32
    %dma_wait3A_797 = tpu.memref_slice %arg5[%dma_wait3A_792, %dma_wait3A_795, %dma_wait3A_796] : memref<8x40x128xf32, #tpu.memory_space<vmem>> -> memref<1x40x128xf32, #tpu.memory_space<vmem>>
    %dma_wait3A_798 = tpu.memref_squeeze %dma_wait3A_797 : memref<1x40x128xf32, #tpu.memory_space<vmem>> -> memref<40x128xf32, #tpu.memory_space<vmem>>
    %dma_wait3A_799 = arith.constant 0 : i32
    %dma_wait3A_800 = tpu.memref_slice %arg6[%dma_wait3A_793, %dma_wait3A_794, %dma_wait3A_799] : memref<8x1x40xi32, #tpu.memory_space<vmem>> -> memref<1x1x40xi32, #tpu.memory_space<vmem>>
    %dma_wait3A_801 = tpu.memref_squeeze %dma_wait3A_800 : memref<1x1x40xi32, #tpu.memory_space<vmem>> -> memref<40xi32, #tpu.memory_space<vmem>>
    %dma_wait3A_802 = arith.constant 0 : i32
    %dma_wait3A_803 = arith.constant 0 : i32
    %dma_wait3A_804 = tpu.memref_slice %arg7[%dma_wait3A_802, %dma_wait3A_803] : memref<10240x128xf32, #tpu.memory_space<vmem_shared>> -> memref<10240x128xf32, #tpu.memory_space<vmem_shared>>
    tpu.wait_indirect_dma semaphore(%arg17 : memref<!tpu.dma_semaphore, #tpu.memory_space<semaphore_mem>>) src(%dma_wait3A_798 : memref<40x128xf32, #tpu.memory_space<vmem>>) dst(%dma_wait3A_804 : memref<10240x128xf32, #tpu.memory_space<vmem_shared>>)
    %barrier3A_805 = arith.constant 0 : index
    tpu.barrier barrier_id(%barrier3A_805)
    "tpu.region"() ({
      %run_scoped3A = tpu.sem_alloc : memref<!tpu.dma_semaphore, #tpu.memory_space<semaphore_mem>>
      %dma_start3A_806 = arith.constant 0 : i32
      %dma_start3A_807 = tpu.memref_slice %arg4[%arg0, %mul3A_199, %dma_start3A_806] : memref<2x10240x128xf32, #tpu.memory_space<hbm>> -> memref<1x640x128xf32, #tpu.memory_space<hbm>>
      %dma_start3A_808 = tpu.memref_squeeze %dma_start3A_807 : memref<1x640x128xf32, #tpu.memory_space<hbm>> -> memref<640x128xf32, #tpu.memory_space<hbm>>
      %dma_start3A_809 = arith.constant 0 : i32
      %dma_start3A_810 = tpu.memref_slice %arg7[%mul3A_199, %dma_start3A_809] : memref<10240x128xf32, #tpu.memory_space<vmem_shared>> -> memref<640x128xf32, #tpu.memory_space<vmem_shared>>
      tpu.enqueue_dma source(%dma_start3A_810 : memref<640x128xf32, #tpu.memory_space<vmem_shared>>) target(%dma_start3A_808 : memref<640x128xf32, #tpu.memory_space<hbm>>) target_semaphore(%run_scoped3A : memref<!tpu.dma_semaphore, #tpu.memory_space<semaphore_mem>>)
      %dma_wait3A_811 = arith.constant 0 : i32
      %dma_wait3A_812 = tpu.memref_slice %arg4[%arg0, %mul3A_199, %dma_wait3A_811] : memref<2x10240x128xf32, #tpu.memory_space<hbm>> -> memref<1x640x128xf32, #tpu.memory_space<hbm>>
      %dma_wait3A_813 = tpu.memref_squeeze %dma_wait3A_812 : memref<1x640x128xf32, #tpu.memory_space<hbm>> -> memref<640x128xf32, #tpu.memory_space<hbm>>
      %dma_wait3A_814 = arith.constant 0 : i32
      %dma_wait3A_815 = tpu.memref_slice %arg7[%mul3A_199, %dma_wait3A_814] : memref<10240x128xf32, #tpu.memory_space<vmem_shared>> -> memref<640x128xf32, #tpu.memory_space<vmem_shared>>
      tpu.wait_dma2 semaphore(%run_scoped3A : memref<!tpu.dma_semaphore, #tpu.memory_space<semaphore_mem>>) src(%dma_wait3A_815 : memref<640x128xf32, #tpu.memory_space<vmem_shared>>) dst(%dma_wait3A_813 : memref<640x128xf32, #tpu.memory_space<hbm>>)
      tpu.yield
    }) : () -> ()
    return
  }
}

module attributes {stable_mosaic.version = 14 : i64} {
  func.func @_mlp_body(%arg0: i32, %arg1: memref<2048x128xf32, #tpu.memory_space<vmem>>, %arg2: memref<2x2048x128xf32, #tpu.memory_space<vmem>>, %arg3: memref<256x256xf32, #tpu.memory_space<vmem>>, %arg4: memref<1x256xf32, #tpu.memory_space<vmem>>, %arg5: memref<256x256xf32, #tpu.memory_space<vmem>>, %arg6: memref<1x256xf32, #tpu.memory_space<vmem>>, %arg7: memref<1x256xf32, #tpu.memory_space<vmem>>, %arg8: memref<1x1xf32, #tpu.memory_space<vmem>>, %arg9: memref<16x128xf32, #tpu.memory_space<vmem>>) attributes {dimension_semantics = [#tpu.dimension_semantics<arbitrary>], iteration_bounds = array<i64: 5>, scalar_prefetch = 0 : i64, scratch_operands = 0 : i64, tpu.core_type = #tpu.core_type<tc>, window_params = [{transform_indices = @transform_0, window_bounds = array<i64: 2048, 128>}, {transform_indices = @transform_1, window_bounds = array<i64: 2, 2048, 128>}, {pipeline_mode = #tpu.pipeline_mode<synchronous>, transform_indices = @transform_2, window_bounds = array<i64: 256, 256>}, {pipeline_mode = #tpu.pipeline_mode<synchronous>, transform_indices = @transform_3, window_bounds = array<i64: 1, 256>}, {pipeline_mode = #tpu.pipeline_mode<synchronous>, transform_indices = @transform_4, window_bounds = array<i64: 256, 256>}, {pipeline_mode = #tpu.pipeline_mode<synchronous>, transform_indices = @transform_5, window_bounds = array<i64: 1, 256>}, {pipeline_mode = #tpu.pipeline_mode<synchronous>, transform_indices = @transform_6, window_bounds = array<i64: 1, 256>}, {pipeline_mode = #tpu.pipeline_mode<synchronous>, transform_indices = @transform_7, window_bounds = array<i64: 1, 1>}, {transform_indices = @transform_8, window_bounds = array<i64: 16, 128>}]} {
    %get3A = arith.constant 0 : index
    %get3A_0 = arith.constant 0 : index
    %get3A_1 = arith.constant 0 : index
    %get3A_2 = vector.load %arg2[%get3A, %get3A_0, %get3A_1] : memref<2x2048x128xf32, #tpu.memory_space<vmem>>, vector<1x2048x128xf32>
    %get3A_3 = vector.shape_cast %get3A_2 : vector<1x2048x128xf32> to vector<2048x128xf32>
    %get3A_4 = arith.constant 1 : index
    %get3A_5 = arith.constant 0 : index
    %get3A_6 = arith.constant 0 : index
    %get3A_7 = vector.load %arg2[%get3A_4, %get3A_5, %get3A_6] : memref<2x2048x128xf32, #tpu.memory_space<vmem>>, vector<1x2048x128xf32>
    %get3A_8 = vector.shape_cast %get3A_7 : vector<1x2048x128xf32> to vector<2048x128xf32>
    %add3A = arith.addf %get3A_3, %get3A_8 : vector<2048x128xf32>
    %get3A_9 = arith.constant 0 : index
    %get3A_10 = arith.constant 0 : index
    %get3A_11 = vector.load %arg1[%get3A_9, %get3A_10] : memref<2048x128xf32, #tpu.memory_space<vmem>>, vector<2048x128xf32>
    %concatenate3A = tpu.concatenate %get3A_11, %add3A in 1 : vector<2048x128xf32>, vector<2048x128xf32> -> vector<2048x256xf32>
    %convert_element_type3A = arith.truncf %concatenate3A : vector<2048x256xf32> to vector<2048x256xbf16>
    %get3A_12 = arith.constant 0 : index
    %get3A_13 = arith.constant 0 : index
    %get3A_14 = vector.load %arg3[%get3A_12, %get3A_13] : memref<256x256xf32, #tpu.memory_space<vmem>>, vector<256x256xf32>
    %convert_element_type3A_15 = arith.truncf %get3A_14 : vector<256x256xf32> to vector<256x256xbf16>
    %dot_general3A = arith.constant dense<0.000000e+00> : vector<2048x256xf32>
    %dot_general3A_16 = tpu.matmul %convert_element_type3A, %convert_element_type3A_15, %dot_general3A {dimension_numbers = #tpu.dot_dimension_numbers<[1], [1], [0], [0], [0, 0, 1, 0], [], []>, transpose_lhs_hint = false} : vector<2048x256xbf16>, vector<256x256xbf16>, vector<2048x256xf32> -> vector<2048x256xf32>
    %get3A_17 = arith.constant 0 : index
    %get3A_18 = arith.constant 0 : index
    %get3A_19 = vector.load %arg4[%get3A_17, %get3A_18] : memref<1x256xf32, #tpu.memory_space<vmem>>, vector<1x256xf32>
    %add3A_20 = vector.broadcast %get3A_19 : vector<1x256xf32> to vector<2048x256xf32>
    %add3A_21 = arith.addf %dot_general3A_16, %add3A_20 : vector<2048x256xf32>
    %ge3A = arith.constant 0.000000e+00 : f32
    %ge3A_22 = vector.broadcast %ge3A : f32 to vector<2048x256xf32>
    %ge3A_23 = arith.cmpf oge, %add3A_21, %ge3A_22 : vector<2048x256xf32>
    %mul3A = arith.constant 0.00999999977 : f32
    %mul3A_24 = vector.broadcast %mul3A : f32 to vector<2048x256xf32>
    %mul3A_25 = arith.mulf %mul3A_24, %add3A_21 : vector<2048x256xf32>
    %select_n3A = arith.select %ge3A_23, %add3A_21, %mul3A_25 : vector<2048x256xi1>, vector<2048x256xf32>
    %convert_element_type3A_26 = arith.truncf %select_n3A : vector<2048x256xf32> to vector<2048x256xbf16>
    %get3A_27 = arith.constant 0 : index
    %get3A_28 = arith.constant 0 : index
    %get3A_29 = vector.load %arg5[%get3A_27, %get3A_28] : memref<256x256xf32, #tpu.memory_space<vmem>>, vector<256x256xf32>
    %convert_element_type3A_30 = arith.truncf %get3A_29 : vector<256x256xf32> to vector<256x256xbf16>
    %dot_general3A_31 = arith.constant dense<0.000000e+00> : vector<2048x256xf32>
    %dot_general3A_32 = tpu.matmul %convert_element_type3A_26, %convert_element_type3A_30, %dot_general3A_31 {dimension_numbers = #tpu.dot_dimension_numbers<[1], [1], [0], [0], [0, 0, 1, 0], [], []>, transpose_lhs_hint = false} : vector<2048x256xbf16>, vector<256x256xbf16>, vector<2048x256xf32> -> vector<2048x256xf32>
    %get3A_33 = arith.constant 0 : index
    %get3A_34 = arith.constant 0 : index
    %get3A_35 = vector.load %arg6[%get3A_33, %get3A_34] : memref<1x256xf32, #tpu.memory_space<vmem>>, vector<1x256xf32>
    %add3A_36 = vector.broadcast %get3A_35 : vector<1x256xf32> to vector<2048x256xf32>
    %add3A_37 = arith.addf %dot_general3A_32, %add3A_36 : vector<2048x256xf32>
    %ge3A_38 = arith.constant 0.000000e+00 : f32
    %ge3A_39 = vector.broadcast %ge3A_38 : f32 to vector<2048x256xf32>
    %ge3A_40 = arith.cmpf oge, %add3A_37, %ge3A_39 : vector<2048x256xf32>
    %mul3A_41 = arith.constant 0.00999999977 : f32
    %mul3A_42 = vector.broadcast %mul3A_41 : f32 to vector<2048x256xf32>
    %mul3A_43 = arith.mulf %mul3A_42, %add3A_37 : vector<2048x256xf32>
    %select_n3A_44 = arith.select %ge3A_40, %add3A_37, %mul3A_43 : vector<2048x256xi1>, vector<2048x256xf32>
    %get3A_45 = arith.constant 0 : index
    %get3A_46 = arith.constant 0 : index
    %get3A_47 = vector.load %arg7[%get3A_45, %get3A_46] : memref<1x256xf32, #tpu.memory_space<vmem>>, vector<1x256xf32>
    %mul3A_48 = vector.broadcast %get3A_47 : vector<1x256xf32> to vector<2048x256xf32>
    %mul3A_49 = arith.mulf %select_n3A_44, %mul3A_48 : vector<2048x256xf32>
    %reduce_sum3A = arith.constant dense<0.000000e+00> : vector<2048xf32>
    %reduce_sum3A_50 = vector.multi_reduction <add>, %mul3A_49, %reduce_sum3A [1] : vector<2048x256xf32> to vector<2048xf32>
    %get3A_51 = arith.constant 0 : index
    %get3A_52 = arith.constant 0 : index
    %get3A_53 = vector.load %arg8[%get3A_51, %get3A_52] : memref<1x1xf32, #tpu.memory_space<vmem>>, vector<1x1xf32>
    %get3A_54 = vector.extract %get3A_53[0, 0] : f32 from vector<1x1xf32>
    %add3A_55 = vector.broadcast %get3A_54 : f32 to vector<2048xf32>
    %add3A_56 = arith.addf %reduce_sum3A_50, %add3A_55 : vector<2048xf32>
    %logistic3A = arith.negf %add3A_56 : vector<2048xf32>
    %logistic3A_57 = math.exp %logistic3A : vector<2048xf32>
    %logistic3A_58 = arith.constant 1.000000e+00 : f32
    %logistic3A_59 = vector.broadcast %logistic3A_58 : f32 to vector<2048xf32>
    %logistic3A_60 = arith.addf %logistic3A_59, %logistic3A_57 : vector<2048xf32>
    %logistic3A_61 = arith.divf %logistic3A_59, %logistic3A_60 : vector<2048xf32>
    %reshape3A = vector.shape_cast %logistic3A_61 : vector<2048xf32> to vector<16x128xf32>
    %swap3A = arith.constant 0 : index
    %swap3A_62 = arith.constant 0 : index
    %swap3A_63 = vector.load %arg9[%swap3A, %swap3A_62] : memref<16x128xf32, #tpu.memory_space<vmem>>, vector<16x128xf32>
    tpu.vector_store %arg9[%swap3A, %swap3A_62], %reshape3A {strides = array<i32>} : memref<16x128xf32, #tpu.memory_space<vmem>>, vector<16x128xf32>,
    return
  }
  func.func @transform_0(%arg0: i32) -> (i32, i32) {
    %c0_i32 = arith.constant 0 : i32
    %c0_i32_0 = arith.constant 0 : i32
    return %arg0, %c0_i32 : i32, i32
  }
  func.func @transform_1(%arg0: i32) -> (i32, i32, i32) {
    %c0_i32 = arith.constant 0 : i32
    %c0_i32_0 = arith.constant 0 : i32
    %c0_i32_1 = arith.constant 0 : i32
    return %c0_i32, %arg0, %c0_i32_0 : i32, i32, i32
  }
  func.func @transform_2(%arg0: i32) -> (i32, i32) {
    %c0_i32 = arith.constant 0 : i32
    %c0_i32_0 = arith.constant 0 : i32
    %c0_i32_1 = arith.constant 0 : i32
    return %c0_i32, %c0_i32_0 : i32, i32
  }
  func.func @transform_3(%arg0: i32) -> (i32, i32) {
    %c0_i32 = arith.constant 0 : i32
    %c0_i32_0 = arith.constant 0 : i32
    %c0_i32_1 = arith.constant 0 : i32
    return %c0_i32, %c0_i32_0 : i32, i32
  }
  func.func @transform_4(%arg0: i32) -> (i32, i32) {
    %c0_i32 = arith.constant 0 : i32
    %c0_i32_0 = arith.constant 0 : i32
    %c0_i32_1 = arith.constant 0 : i32
    return %c0_i32, %c0_i32_0 : i32, i32
  }
  func.func @transform_5(%arg0: i32) -> (i32, i32) {
    %c0_i32 = arith.constant 0 : i32
    %c0_i32_0 = arith.constant 0 : i32
    %c0_i32_1 = arith.constant 0 : i32
    return %c0_i32, %c0_i32_0 : i32, i32
  }
  func.func @transform_6(%arg0: i32) -> (i32, i32) {
    %c0_i32 = arith.constant 0 : i32
    %c0_i32_0 = arith.constant 0 : i32
    %c0_i32_1 = arith.constant 0 : i32
    return %c0_i32, %c0_i32_0 : i32, i32
  }
  func.func @transform_7(%arg0: i32) -> (i32, i32) {
    %c0_i32 = arith.constant 0 : i32
    %c0_i32_0 = arith.constant 0 : i32
    %c0_i32_1 = arith.constant 0 : i32
    return %c0_i32, %c0_i32_0 : i32, i32
  }
  func.func @transform_8(%arg0: i32) -> (i32, i32) {
    %c0_i32 = arith.constant 0 : i32
    %c0_i32_0 = arith.constant 0 : i32
    return %arg0, %c0_i32 : i32, i32
  }
}

</mosaic_0001>

<sc_bundles>
// kernel: kernel.4.cloned.1.call-start
scs
__scs_entry_jumppad:
0x0: {  	(pc) =	sbr.rel $0x88, $3  }
0x1: {  	(tag) =	ssettag $0x0;
	lr =	simm.s32 $0x1  }
0x2: {  	[smem:$0x3F98] =	sst lr;
	_ =	strace $0xD0000000  }
0x3: {  	_ = 	snop  }
0x4: {  	_ = 	snop  }
0x5: {  	_ = 	snop  }
0x6: {  	_ = 	snop  }
0x7: {  	_ = 	snop  }
__scs_overlays_trampoline_lowered:
0x8: {  	[smem:$0x3FA7] =	sst s0  }
0x9: {  	[smem:$0x3FA8] =	sst s1  }
0xa: {  	[smem:$0x3FA9] =	sst s2  }
0xb: {  	[smem:$0x3FAA] =	sst s3  }
0xc: {  	[smem:$0x3FAB] =	sst s4  }
0xd: {  	[smem:$0x3FAC] =	sst s5  }
0xe: {  	[smem:$0x3FAD] =	sst s6  }
0xf: {  	[smem:$0x3FAE] =	sst s7  }
0x10: {  	[smem:$0x3FAF] =	sst s8  }
0x11: {  	[smem:$0x3FB0] =	sst s9;
	s0 =	simm.s32 @!p0 $0x0  }
0x12: {  	s1 =	sld [smem:$0x3F96];
	s0 =	simm.s32 @p0 $0x1  }
0x13: {  	[smem:$0x3FB1] =	sst s0;
	s0 =	simm.s32 @!p1 $0x0  }
0x14: {  	s2 =	sld [smem:$0x3F95];
	s0 =	simm.s32 @p1 $0x1  }
0x15: {  	[smem:$0x3FB2] =	sst s0;
	s0 =	simm.s32 @!p2 $0x0  }
0x16: {  	s3 =	sld [smem:$0x3FDB];
	s0 =	simm.s32 @p2 $0x1  }
0x17: {  	s4 =	simm.s32 $0x1BF5;
	[smem:$0x3FB4] =	sst s0  }
0x18: {  	s0 =	sld [smem:$0x3F97];
	_ =	swait.ge [sflag:s4], $0x0  }
0x19: {  	s7 =	sld [smem:$0x3F98]  }
0x1a: {  	s8 =	sadd.s32 $0xFFFFE003, lr  }
0x1b: {  	s9 =	sadd.s32 $0xFFFFFEF7, lr;
	s5 =	simm.s32 $0xFFFFFFFF;
	p2 =	slt.u32 s8, $0xFFFFF086  }
0x1c: {  	p1 =	slt.u32 s9, $0xF7A;
	s5 =	simm.s32 @!p2 $0x0  }
0x1d: {  	s5 =	simm.s32 @p1 $0x1;
	p0 =	seq.s32 s7, s2  }
0x1e: {  	s7 =	smul.u32 @!p0 $0xF7A, s2;
	p2 =	seq.s32 @!p0 s5, $0x0  }
0x1f: {  	s9 =	smul.u32 $0xF7A, s1;
	s8 =	simm.s32 @!p0 $0x1BF5;
	p2 =	por !p2, p0  }
0x20: {  	[sflag:s8] =	ssyncset.s32 @!p0 $0xFFFFF086;
	s6 =	sadd.s32 @!p0 s3, s7;
	s7 =	simm.s32 @!p0 $0x108  }
0x21: {  	s3 =	sadd.s32 s3, s9;
	s6 =	sadd.s32 @!p0 $0x88, s6;
	s7 =	simm.s32 @p2 $0x1082  }
0x22: {  	[simem:s7], [sflag:s8] =	dma.local @!p0 [hbm:s6], $0xF7A  }
0x23: {  	s9 =	sor.u32 $0xD0000000, s2;
	s6 =	simm.s32 $0x108;
	_ =	swait.ge @!p0 [sflag:s8], $0x0  }
0x24: {  	s3 =	sadd.s32 $0x88, s3;
	s6 =	simm.s32 @!p1 $0x1082;
	[sflag:s4] =	ssyncset.s32 $0xFFFFF086  }
0x25: {  	[simem:s6], [sflag:s4] =	dma.local [hbm:s3], $0xF7A  }
0x26: {  	[smem:$0x3F98] =	sst s1;
	(tag) =	ssettag s2;
	_ =	strace s9  }
0x27: {  	s1 =	sld [smem:$0x3FA8]  }
0x28: {  	s2 =	sld [smem:$0x3FA9]  }
0x29: {  	s4 =	sld [smem:$0x3FAB]  }
0x2a: {  	p0 =	seq.s32 s5, $0x0;
	s5 =	sld [smem:$0x3FAC]  }
0x2b: {  	s6 =	sld [smem:$0x3FAD]  }
0x2c: {  	s7 =	sld [smem:$0x3FAE]  }
0x2d: {  	s3 =	simm.s32 $0x108;
	s8 =	sld [smem:$0x3FAF]  }
0x2e: {  	s3 =	simm.s32 @!p0 $0x1082;
	s9 =	sld [smem:$0x3FB0]  }
0x2f: {  	lr =	sadd.s32 s0, s3;
	s0 =	sld [smem:$0x3FA7]  }
0x30: {  	s3 =	sld [smem:$0x3FAA]  }
0x31: {  	[smem:$0x3FB3] =	sst s10  }
0x32: {  	s10 =	sld [smem:$0x3FB1];
	_ =	sdelay $0x3  }
0x33: {  	p0 =	seq.s32 s10, $0x1;
	s10 =	sld [smem:$0x3FB3];
	_ =	sdelay $0x3  }
0x34: {  	[smem:$0x3FB3] =	sst s10  }
0x35: {  	s10 =	sld [smem:$0x3FB2];
	_ =	sdelay $0x3  }
0x36: {  	p1 =	seq.s32 s10, $0x1;
	s10 =	sld [smem:$0x3FB3];
	_ =	sdelay $0x3  }
0x37: {  	[smem:$0x3FB3] =	sst s10  }
0x38: {  	s10 =	sld [smem:$0x3FB4]  }
0x39: {  	_ = 	snop;
	(pc) =	sbr.ind lr, $3  }
0x3a: {  	_ = 	snop  }
0x3b: {  	_ = 	snop  }
0x3c: {  	p2 =	seq.s32 s10, $0x1;
	s10 =	sld [smem:$0x3FB3]  }
0x3d: {  	_ =	shalt  }
0x3e: {  	_ =	shalt  }
0x3f: {  	_ =	shalt  }
0x40: {  	_ =	shalt  }
0x41: {  	_ =	shalt  }
0x42: {  	_ =	shalt  }
0x43: {  	_ =	shalt  }
0x44: {  	_ =	shalt  }
0x45: {  	_ =	shalt  }
0x46: {  	_ =	shalt  }
0x47: {  	_ =	shalt  }
0x48: {  	_ =	shalt  }
0x49: {  	_ =	shalt  }
0x4a: {  	_ =	shalt  }
0x4b: {  	_ =	shalt  }
0x4c: {  	_ =	shalt  }
0x4d: {  	_ =	shalt  }
0x4e: {  	_ =	shalt  }
0x4f: {  	_ =	shalt  }
0x50: {  	_ =	shalt  }
0x51: {  	_ =	shalt  }
0x52: {  	_ =	shalt  }
0x53: {  	_ =	shalt  }
0x54: {  	_ =	shalt  }
0x55: {  	_ =	shalt  }
0x56: {  	_ =	shalt  }
0x57: {  	_ =	shalt  }
0x58: {  	_ =	shalt  }
0x59: {  	_ =	shalt  }
0x5a: {  	_ =	shalt  }
0x5b: {  	_ =	shalt  }
0x5c: {  	_ =	shalt  }
0x5d: {  	_ =	shalt  }
0x5e: {  	_ =	shalt  }
0x5f: {  	_ =	shalt  }
0x60: {  	_ =	shalt  }
0x61: {  	_ =	shalt  }
0x62: {  	_ =	shalt  }
0x63: {  	_ =	shalt  }
0x64: {  	_ =	shalt  }
0x65: {  	_ =	shalt  }
0x66: {  	_ =	shalt  }
0x67: {  	_ =	shalt  }
0x68: {  	_ =	shalt  }
0x69: {  	_ =	shalt  }
0x6a: {  	_ =	shalt  }
0x6b: {  	_ =	shalt  }
0x6c: {  	_ =	shalt  }
0x6d: {  	_ =	shalt  }
0x6e: {  	_ =	shalt  }
0x6f: {  	_ =	shalt  }
0x70: {  	_ =	shalt  }
0x71: {  	_ =	shalt  }
0x72: {  	_ =	shalt  }
0x73: {  	_ =	shalt  }
0x74: {  	_ =	shalt  }
0x75: {  	_ =	shalt  }
0x76: {  	_ =	shalt  }
0x77: {  	_ =	shalt  }
0x78: {  	_ =	shalt  }
0x79: {  	_ =	shalt  }
0x7a: {  	_ =	shalt  }
0x7b: {  	_ =	shalt  }
0x7c: {  	_ =	shalt  }
0x7d: {  	_ =	shalt  }
0x7e: {  	_ =	shalt  }
0x7f: {  	_ =	shalt  }
0x80: {  	_ =	shalt  }
0x81: {  	_ =	shalt  }
0x82: {  	_ =	shalt  }
0x83: {  	_ =	shalt  }
0x84: {  	_ =	shalt  }
0x85: {  	_ =	shalt  }
0x86: {  	_ =	shalt  }
0x87: {  	_ =	shalt  }
.Lfunc_end0:
.L_simem_size_0:
called_computation_lowered:
.L_overlay_start_0:
0x88: {  	s2 =	sld [smem:$0x3FD9]  }
0x89: {  	s3 =	sld [smem:$0x3FFE];
	_ =	sdelay $0x1  }
0x8a: {  	s1 =	srdreg.scid  }
0x8b: {  	s0 =	sand.u32 $0x1, s1  }
0x8c: {  	s17 =	sshll.u32 s0, $0xA;
	s2 =	sadd.s32 s3, s2  }
0x8d: {  	s2 =	sadd.s32 s2, s17  }
0x8e: {  	[smem:$0x3FBF] =	sst s2  }
0x8f: {  	_ = 	snop  }
0x90: {  	s2 =	sld [smem:$0x3FC8]  }
0x91: {  	s18 =	sld [smem:$0x3FC7];
	(tm) =	ssettm $0x1  }
0x92: {  	s4 =	sld [smem:$0x3FFB];
	_ =	sdelay $0x3  }
0x93: {  	_ =	strace s4  }
0x94: {  	s4 =	sld [smem:$0x3FFC];
	_ =	sdelay $0x3  }
0x95: {  	_ =	strace s4  }
0x96: {  	s4 =	sld [smem:$0x3FFD];
	_ =	sdelay $0x3  }
0x97: {  	_ =	strace s4  }
0x98: {  	_ =	strace $0x8FFFFFFF  }
0x99: {  	s19 =	sld [smem:$0x3FDB];
	_ =	sdelay $0x1  }
0x9a: {  	s5 =	simm.s32 $_scs_section_size  }
0x9b: {  	s6 =	simm.s32 $_size__tile_overlayer_lowered;
	s7 =	simm.s32 $_tile_overlayer_lowered  }
0x9c: {  	s22 =	simm.s32 $0x1BFF;
	s21 =	sshll.u32 s7, $0x1;
	s4 =	sadd.s32 s5, s19  }
0x9d: {  	s8 =	simm.s32 $0x0;
	s20 =	sshll.u32 s6, $0x1;
	s6 =	sadd.s32 s21, s4  }
0x9e: {  	[timem:s8], [sflag:s22] =	dma.local [hbm:s6], s20  }
0x9f: {  	_ =	swait.ge [sflag:s22], s20  }
0xa0: {  	s5 =	ssub.s32 $0x0, s20;
	[sflag:s22] =	ssyncset.done $0x0  }
0xa1: {  	[sflag:s22] =	ssyncadd.s32 s5;
	_ =	sdelay $0x1  }
0xa2: {  	s23 =	simm.s32 $0x1B8B  }
0xa3: {  	_ =	swait.ge [sflag:s23], $0x1  }
0xa4: {  	[sflag:s23] =	ssyncset.done $0x0  }
0xa5: {  	s25 =	simm.s32 $0x1B8E;
	s24 =	sld [smem:$0x3FFE];
	[sflag:s23] =	ssyncadd.s32 $0xFFFFFFFF  }
0xa6: {  	s26 =	simm.s32 $execute0_lowered;
	[smem:$0x3FD2] =	sst s25  }
0xa7: {  	s6 =	sshll.u32 s26, $0x1;
	_ =	strace $0x80000046;
	[dreg:$0x1] =	wrdreg $0xFFFFFFFF  }
0xa8: {  	s28 =	simm.s32 $_size_execute0_lowered;
	s4 =	sadd.s32 s4, s6;
	[dreg:$0x0] =	wrdreg $0x0  }
0xa9: {  	s6 =	sshll.u32 s28, $0x1;
	[dreg:$0x2] =	wrdreg s4  }
0xaa: {  	[dreg:$0x3] =	wrdreg s6  }
0xab: {  	[dreg:$0x4] =	wrdreg $0xC0  }
0xac: {  	_ =	task [dreg:s8], $0x5FFFF  }
0xad: {  	[dreg:$0x1] =	wrdreg $0xFFFFFFFF  }
0xae: {  	[dreg:$0x0] =	wrdreg $0x60  }
0xaf: {  	[dreg:$0x2] =	wrdreg s2  }
0xb0: {  	[dreg:$0x3] =	wrdreg s18  }
0xb1: {  	[dreg:$0x4] =	wrdreg s24  }
0xb2: {  	[dreg:$0x5] =	wrdreg $0xA4000  }
0xb3: {  	[dreg:$0x6] =	wrdreg $0x9  }
0xb4: {  	_ =	task.clear_ibuf [dreg:s8], $0x7FFFF;
	_ =	strace $0x90000046  }
0xb5: {  	s29 =	simm.s32 $0x9;
	_ =	strace $0x80000048  }
0xb6: {  	_ =	swait.ge [sflag:s29], $0x1  }
0xb7: {  	[sflag:s29] =	ssyncadd.s32 $0xFFFFFFFF  }
0xb8: {  	_ =	strace $0x90000048  }
0xb9: {  	_ =	sfence  }
0xba: {  	s30 =	sld [smem:$0x0];
	_ =	sdelay $0x2  }
0xbb: {  	s31 =	sshll.u32 s1, $0xD;
	s1 =	sshrl.u32 s1, $0x2  }
0xbc: {  	s3 =	sand.u32 $0x4000, s31;
	s1 =	sadd.s32 s1, s30  }
0xbd: {  	s0 =	sor.u32 s3, s0;
	s1 =	sshll.u32 s1, $0x11  }
0xbe: {  	s0 =	sor.u32 s1, s0  }
0xbf: {  	s0 =	sadd.s32 $0x8F2B, s0  }
0xc0: {  	[sflag:s0] =	ssyncadd.remote.s32 $0x1  }
0xc1: {  	_ =	sfence.sel $0xFFFF  }
0xc2: {  	[dreg:$0x0] =	wrdreg $0xFFFFFFFF;
	(pc) =	sbr.abs _section_cstart, $3  }
0xc3: {  	[dreg:$0x1] =	wrdreg $0xFFFFFFFF  }
0xc4: {  	_ =	task.clear_ibuf [dreg:s8], $0x2FFFF;
	_ =	strace $0x9FFFFFFF  }
0xc5: {  	(tm) =	ssettm $0x7FFFFFFF  }
tec
execute0_lowered:
.L_overlay_start_1:
0x0: {  	(tag) =	ssettag $0x1  }
0x1: {  	s1 =	rddreg [dreg:$0x0]  }
0x2: {  	s2 =	rddreg [dreg:$0x1]  }
0x3: {  	s0 =	rddreg [dreg:$0x2]  }
0x4: {  	s4 =	rddreg [dreg:$0x3]  }
0x5: {  	s3 =	srdreg.scid;
	s9 =	stileid.u32  }
0x6: {  	s5 =	simm.s32 $0x0;
	s3 =	sand.u32 $0x1, s3;
	s7 =	smul.u32 $0x14000, s9  }
0x7: {  	[smem:$0x7FF] =	sst s5;
	s6 =	smul.u32 $0x140000, s3;
	s8 =	sshll.u32 s3, $0x4  }
0x8: {  	s23 =	smul.u32 $0x50000, s9;
	s3 =	ssub.s32 $0x2, s3;
	s8 =	sor.u32 s9, s8  }
0x9: {  	s26 =	sshrl.u32 s3, $0x1;
	s6 =	sadd.s32 s7, s6;
	s10 =	smul.u32 $0x2710, s8  }
0xa: {  	s8 =	smul.u32 $0x27100, s8;
	s3 =	ssub.s32 s3, s26;
	s6 =	sshrl.u32 s6, $0x3  }
0xb: {  	_ =	strace $0x80000047;
	s3 =	smax.u32 s3, $0x1;
	s0 =	sadd.s32 s6, s0  }
0xc: {  	s30 =	sadd.s32 s1, s8;
	s7 =	sshrl.u32 s10, $0x3;
	[dreg:$0x18] =	wrdreg s3  }
0xd: {  	s8 =	sadd.s32 $0x28, s10;
	s13 =	sadd.s32 $0x50, s10;
	[dreg:$0x5] =	wrdreg s10  }
0xe: {  	[dreg:$0x6] =	wrdreg s30;
	s6 =	sadd.s32 s2, s7;
	s11 =	sshll.u32 s8, $0x4  }
0xf: {  	s7 =	sshrl.u32 s8, $0x3;
	s0 =	sadd.s32 $0x1200, s0;
	[dreg:$0x7] =	wrdreg s6  }
0x10: {  	s8 =	sshrl.u32 s23, $0x2;
	s23 =	sadd.s32 $0x190, s10;
	[dreg:$0x17] =	wrdreg s0  }
0x11: {  	s18 =	sadd.s32 $0xA0, s10;
	s6 =	sadd.s32 s1, s11;
	[smem:$0x7F9] =	sst s23  }
0x12: {  	s14 =	sshll.u32 s13, $0x4;
	s12 =	sadd.s32 s2, s7;
	[dreg:$0x8] =	wrdreg s6  }
0x13: {  	s21 =	sadd.s32 $0xC8, s10;
	s7 =	sadd.s32 s1, s14;
	[dreg:$0x9] =	wrdreg s12  }
0x14: {  	s6 =	sshrl.u32 s13, $0x3;
	[dreg:$0xa] =	wrdreg s7;
	s13 =	sadd.s32 s8, s4  }
0x15: {  	s7 =	sshrl.u32 s18, $0x3;
	s6 =	sadd.s32 s2, s6;
	[dreg:$0x14] =	wrdreg s13  }
0x16: {  	s22 =	sshll.u32 s21, $0x4;
	s20 =	sadd.s32 s2, s7;
	[dreg:$0xb] =	wrdreg s6  }
0x17: {  	s7 =	sadd.s32 s1, s22;
	[dreg:$0xf] =	wrdreg s20  }
0x18: {  	s26 =	sadd.s32 $0x1400, s13;
	[dreg:$0x10] =	wrdreg s7  }
0x19: {  	s31 =	simm.s32 $0xA;
	s30 =	sadd.s32 $0x2800, s13;
	[dreg:$0x15] =	wrdreg s26  }
0x1a: {  	s28 =	simm.s32 $0x8;
	s8 =	sadd.s32 $0x6400, s13;
	[dreg:$0x16] =	wrdreg s30  }
0x1b: {  	s29 =	simm.s32 $0xF;
	s9 =	sadd.s32 $0x7800, s13;
	[dreg:$0x1b] =	wrdreg s8  }
0x1c: {  	s15 =	sadd.s32 $0x78, s10;
	s11 =	sadd.s32 $0x8C00, s13;
	[dreg:$0x1c] =	wrdreg s9  }
0x1d: {  	s24 =	sadd.s32 $0xF0, s10;
	s12 =	sadd.s32 $0xA000, s13;
	[dreg:$0x1d] =	wrdreg s11  }
0x1e: {  	s16 =	sshll.u32 s15, $0x4;
	s14 =	sadd.s32 $0xB400, s13;
	[dreg:$0x1e] =	wrdreg s12  }
0x1f: {  	s17 =	sshrl.u32 s15, $0x3;
	s15 =	sadd.s32 $0xC800, s13;
	[dreg:$0x1f] =	wrdreg s14  }
0x20: {  	s19 =	sshll.u32 s18, $0x4;
	s18 =	sadd.s32 $0x10400, s13;
	[smem:$0x7F1] =	sst s15  }
0x21: {  	s3 =	simm.s32 $0x8C00;
	s22 =	sadd.s32 $0x168, s10;
	[smem:$0x7F4] =	sst s18  }
0x22: {  	s25 =	sshll.u32 s24, $0x4;
	s6 =	sadd.s32 s1, s16;
	[smem:$0x7F8] =	sst s22  }
0x23: {  	s23 =	simm.s32 $0xA080;
	s7 =	sadd.s32 s1, s25;
	[dreg:$0xc] =	wrdreg s6  }
0x24: {  	s0 =	simm.s32 $0x4;
	s16 =	sadd.s32 $0xDC00, s13;
	[dreg:$0x12] =	wrdreg s7  }
0x25: {  	s20 =	sadd.s32 $0x12C00, s13;
	s25 =	sadd.s32 $0x1E0, s10;
	[smem:$0x7F2] =	sst s16  }
0x26: {  	s26 =	sadd.s32 $0x208, s10;
	s30 =	sadd.s32 $0x230, s10;
	[smem:$0x7F6] =	sst s20  }
0x27: {  	s22 =	simm.s32 $0x1400;
	s15 =	simm.s32 $0x10;
	[smem:$0x7FB] =	sst s25  }
0x28: {  	s8 =	simm.s32 $0x1;
	s9 =	simm.s32 $0x28;
	[smem:$0x7FC] =	sst s26  }
0x29: {  	s11 =	simm.s32 $0x2;
	s6 =	sadd.s32 s2, s17;
	[smem:$0x7FD] =	sst s30  }
0x2a: {  	s12 =	simm.s32 $0x9;
	s7 =	sadd.s32 $0x5000, s13;
	[dreg:$0xd] =	wrdreg s6  }
0x2b: {  	s14 =	simm.s32 $0x0;
	s17 =	sadd.s32 $0xF000, s13;
	[dreg:$0x1a] =	wrdreg s7  }
0x2c: {  	s20 =	simm.s32 $0xA000;
	s6 =	sadd.s32 s1, s19;
	[smem:$0x7F3] =	sst s17  }
0x2d: {  	s25 =	simm.s32 $0x6;
	s19 =	sadd.s32 $0x11800, s13;
	[dreg:$0xe] =	wrdreg s6  }
0x2e: {  	s6 =	sshrl.u32 s21, $0x3;
	[smem:$0x7F5] =	sst s19;
	s21 =	sadd.s32 $0x140, s10  }
.Ltmp0:
0x2f: {  	s6 =	sadd.s32 s2, s6;
	[smem:$0x7F7] =	sst s21;
	(pc) =	sbr.rel .LBB2_1-.Ltmp0, $4  }
0x30: {  	[dreg:$0x11] =	wrdreg s6;
	s6 =	sshrl.u32 s24, $0x3;
	s24 =	sadd.s32 $0x1B8, s10  }
0x31: {  	s26 =	simm.s32 $0xD;
	s6 =	sadd.s32 s2, s6;
	[smem:$0x7FA] =	sst s24  }
0x32: {  	s21 =	simm.s32 $0x3;
	[dreg:$0x13] =	wrdreg s6;
	s6 =	sadd.s32 $0x3C00, s13  }
0x33: {  	v0 =	vimm.f32 $0.0e+00;
	s10 =	simm.s32 $0xA380;
	s24 =	simm.s32 $0xB;
	[dreg:$0x19] =	wrdreg s6  }
.LBB2_6:
0x34: {  	_ =	swait.ge [sflag:s8], $0x1400  }
0x35: {  	[sflag:s8] =	ssyncset.done $0x0  }
0x36: {  	[sflag:s8] =	ssyncadd.s32 $0xFFFFEC00  }
0x37: {  	_ =	swait.ge [sflag:s8], $0x28  }
0x38: {  	[sflag:s8] =	ssyncset.done $0x0  }
0x39: {  	s15 =	simm.s32 $0x10;
	[sflag:s8] =	ssyncadd.s32 $0xFFFFFFD8  }
0x3a: {  	[spmem:s4] =	stream.indirect.scatter.add.f32 [tilespmem:s5], [sflag:$0x9], $0x80, s20, s9, $0xb8;
	[tilespmem:$0x1E400] =	vst v63  }
0x3b: {  	_ =	swait.ge [sflag:s15], $0x1400  }
0x3c: {  	[sflag:s15] =	ssyncset.done $0x0  }
0x3d: {  	[sflag:s15] =	ssyncadd.s32 $0xFFFFEC00  }
0x3e: {  	_ =	swait.ge [sflag:s11], $0x1400  }
0x3f: {  	[sflag:s11] =	ssyncset.done $0x0  }
0x40: {  	[sflag:s11] =	ssyncadd.s32 $0xFFFFEC00  }
0x41: {  	_ =	swait.ge [sflag:s11], $0x28  }
0x42: {  	[sflag:s11] =	ssyncset.done $0x0  }
0x43: {  	[sflag:s11] =	ssyncadd.s32 $0xFFFFFFD8  }
0x44: {  	[spmem:s4] =	stream.indirect.scatter.add.f32 [tilespmem:s22], [sflag:$0xA], $0x80, s23, s9, $0xb8;
	[tilespmem:$0x1E400] =	vst v63  }
0x45: {  	_ =	swait.ge [sflag:s12], $0x1400  }
0x46: {  	[sflag:s12] =	ssyncset.done $0x0  }
0x47: {  	[sflag:s12] =	ssyncadd.s32 $0xFFFFEC00  }
0x48: {  	_ =	swait.ge [sflag:s31], $0x1400  }
0x49: {  	[sflag:s31] =	ssyncset.done $0x0  }
0x4a: {  	[sflag:s31] =	ssyncadd.s32 $0xFFFFEC00  }
0x4b: {  	s6 =	stileid.u32;
	[bflag:$0x0] =	sbarrier.arrive $0xFFFF  }
0x4c: {  	s18 =	simm.s32 $0x11;
	s6 =	sshll.u32 s6, $0x6;
	s13 =	rddreg [dreg:$0x14]  }
0x4d: {  	s6 =	sor.u32 $0x1C11, s6;
	s14 =	rddreg [dreg:$0x17];
	s7 =	sshrl.u32 s13, $0x3  }
0x4e: {  	[hbm:s14], [sflag:s6] =	dma.local [spmem:s7], $0x2800  }
0x4f: {  	_ =	swait.ge [sflag:s18], $0x2800  }
0x50: {  	s19 =	sld [smem:$0x7F0];
	_ =	sdelay $0x2  }
0x51: {  	s30 =	rddreg [dreg:$0x18];
	s14 =	sadd.s32 $0x1, s19  }
0x52: {  	p0 =	sne.s32 s14, s30  }
.Ltmp1:
0x53: {  	_ = 	snop;
	(pc) =	sbr.rel @!p0 .LBB2_7-.Ltmp1, $3  }
0x54: {  	_ =	sdelay $0x1  }
0x55: {  	[sflag:s18] =	ssyncset.done $0x0  }
0x56: {  	[sflag:s18] =	ssyncadd.s32 $0xFFFFD800  }
.LBB2_1:
0x57: {  	[smem:$0x7F0] =	sst s14  }
0x58: {  	s6 =	rddreg [dreg:$0x6]  }
0x59: {  	[tilespmem:s5], [sflag:$0x1] =	stream.linear.gather [hbm4b:s6+s5], $0x1400, $0x38;
	[tilespmem:$0x1E400] =	vst v63  }
0x5a: {  	s17 =	rddreg [dreg:$0x7]  }
0x5b: {  	[tilespmem:s20], [sflag:$0x1] =	stream.linear.gather [hbm4b:s17+s5], $0x28, $0x38;
	[tilespmem:$0x1E400] =	vst v63  }
0x5c: {  	s18 =	rddreg [dreg:$0x8]  }
0x5d: {  	[tilespmem:s22], [sflag:$0x2] =	stream.linear.gather [hbm4b:s18+s5], $0x1400, $0x38;
	[tilespmem:$0x1E400] =	vst v63  }
0x5e: {  	s19 =	rddreg [dreg:$0x9]  }
0x5f: {  	[tilespmem:s23], [sflag:$0x2] =	stream.linear.gather [hbm4b:s19+s5], $0x28, $0x38;
	[tilespmem:$0x1E400] =	vst v63  }
0x60: {  	s30 =	rddreg [dreg:$0xa];
	s7 =	simm.s32 $0x2800  }
0x61: {  	[tilespmem:s7], [sflag:$0x3] =	stream.linear.gather [hbm4b:s30+s5], $0x1400, $0x38;
	[tilespmem:$0x1E400] =	vst v63  }
0x62: {  	s14 =	rddreg [dreg:$0xb];
	s16 =	simm.s32 $0xA100  }
0x63: {  	[tilespmem:s16], [sflag:$0x3] =	stream.linear.gather [hbm4b:s14+s5], $0x28, $0x38;
	[tilespmem:$0x1E400] =	vst v63  }
0x64: {  	s17 =	rddreg [dreg:$0xc];
	s18 =	simm.s32 $0x3C00  }
0x65: {  	[tilespmem:s18], [sflag:$0x4] =	stream.linear.gather [hbm4b:s17+s5], $0x1400, $0x38;
	[tilespmem:$0x1E400] =	vst v63  }
0x66: {  	s19 =	rddreg [dreg:$0xd];
	s30 =	simm.s32 $0xA180  }
0x67: {  	[tilespmem:s30], [sflag:$0x4] =	stream.linear.gather [hbm4b:s19+s5], $0x28, $0x38;
	[tilespmem:$0x1E400] =	vst v63  }
0x68: {  	s14 =	rddreg [dreg:$0xe];
	s16 =	simm.s32 $0x5000  }
0x69: {  	[tilespmem:s16], [sflag:$0x5] =	stream.linear.gather [hbm4b:s14+s5], $0x1400, $0x38;
	[tilespmem:$0x1E400] =	vst v63  }
0x6a: {  	s17 =	rddreg [dreg:$0xf];
	s18 =	simm.s32 $0xA200  }
0x6b: {  	[tilespmem:s18], [sflag:$0x5] =	stream.linear.gather [hbm4b:s17+s5], $0x28, $0x38;
	[tilespmem:$0x1E400] =	vst v63  }
0x6c: {  	s19 =	rddreg [dreg:$0x10];
	s30 =	simm.s32 $0x6400  }
0x6d: {  	[tilespmem:s30], [sflag:$0x6] =	stream.linear.gather [hbm4b:s19+s5], $0x1400, $0x38;
	[tilespmem:$0x1E400] =	vst v63  }
0x6e: {  	s14 =	rddreg [dreg:$0x11];
	s16 =	simm.s32 $0xA280  }
0x6f: {  	[tilespmem:s16], [sflag:$0x6] =	stream.linear.gather [hbm4b:s14+s5], $0x28, $0x38;
	[tilespmem:$0x1E400] =	vst v63  }
0x70: {  	s6 =	simm.s32 $0x0;
	s17 =	rddreg [dreg:$0x12];
	s18 =	simm.s32 $0x7800  }
0x71: {  	[tilespmem:s18], [sflag:$0x7] =	stream.linear.gather [hbm4b:s17+s5], $0x1400, $0x38;
	[tilespmem:$0x1E400] =	vst v63  }
0x72: {  	s7 =	simm.s32 $0x200;
	s19 =	rddreg [dreg:$0x13];
	s30 =	simm.s32 $0xA300  }
0x73: {  	[tilespmem:s30], [sflag:$0x7] =	stream.linear.gather [hbm4b:s19+s5], $0x28, $0x38;
	[tilespmem:$0x1E400] =	vst v63  }
.LBB2_2:
0x74: {  	p0 =	sne.s32 s7, $0x4E00;
	[tilespmem:s6+$0x8C70] =	vst v0  }
0x75: {  	[tilespmem:s6+$0x8C00] =	vst v0  }
0x76: {  	[tilespmem:s6+$0x8C10] =	vst v0  }
.Ltmp2:
0x77: {  	[tilespmem:s6+$0x8C20] =	vst v0;
	(pc) =	sbr.rel @p0 .LBB2_2-.Ltmp2, $4  }
0x78: {  	[tilespmem:s6+$0x8C30] =	vst v0  }
0x79: {  	[tilespmem:s6+$0x8C40] =	vst v0  }
0x7a: {  	[tilespmem:s6+$0x8C50] =	vst v0  }
0x7b: {  	[tilespmem:s6+$0x8C60] =	vst v0;
	s6 =	sshra.s32 s7, $0x2;
	s7 =	sadd.s32 $0x200, s7  }
0x7c: {  	[tilespmem:s6+$0x8C70] =	vst v0  }
0x7d: {  	[tilespmem:s6+$0x8C00] =	vst v0  }
0x7e: {  	[tilespmem:s6+$0x8C10] =	vst v0  }
0x7f: {  	[tilespmem:s6+$0x8C20] =	vst v0  }
0x80: {  	[tilespmem:s6+$0x8C30] =	vst v0  }
0x81: {  	[tilespmem:s6+$0x8C40] =	vst v0  }
0x82: {  	[tilespmem:s6+$0x8C50] =	vst v0  }
0x83: {  	[tilespmem:s6+$0x8C60] =	vst v0;
	s14 =	rddreg [dreg:$0x16]  }
0x84: {  	[spmem:s13] =	stream.linear.scatter [tilespmem:s3], [sflag:$0x10], $0x1400, $0x38;
	[tilespmem:$0x1E400] =	vst v63  }
0x85: {  	s13 =	rddreg [dreg:$0x15]  }
0x86: {  	[spmem:s13] =	stream.linear.scatter [tilespmem:s3], [sflag:$0x10], $0x1400, $0x38;
	[tilespmem:$0x1E400] =	vst v63  }
0x87: {  	s16 =	rddreg [dreg:$0x19]  }
0x88: {  	[spmem:s14] =	stream.linear.scatter [tilespmem:s3], [sflag:$0x10], $0x1400, $0x38;
	[tilespmem:$0x1E400] =	vst v63  }
0x89: {  	s17 =	rddreg [dreg:$0x1a]  }
0x8a: {  	[spmem:s16] =	stream.linear.scatter [tilespmem:s3], [sflag:$0x10], $0x1400, $0x38;
	[tilespmem:$0x1E400] =	vst v63  }
0x8b: {  	s18 =	rddreg [dreg:$0x1b]  }
0x8c: {  	[spmem:s17] =	stream.linear.scatter [tilespmem:s3], [sflag:$0x10], $0x1400, $0x38;
	[tilespmem:$0x1E400] =	vst v63  }
0x8d: {  	s19 =	rddreg [dreg:$0x1c]  }
0x8e: {  	[spmem:s18] =	stream.linear.scatter [tilespmem:s3], [sflag:$0x10], $0x1400, $0x38;
	[tilespmem:$0x1E400] =	vst v63  }
0x8f: {  	s30 =	rddreg [dreg:$0x1d]  }
0x90: {  	[spmem:s19] =	stream.linear.scatter [tilespmem:s3], [sflag:$0x10], $0x1400, $0x38;
	[tilespmem:$0x1E400] =	vst v63  }
0x91: {  	s7 =	rddreg [dreg:$0x1e]  }
0x92: {  	[spmem:s30] =	stream.linear.scatter [tilespmem:s3], [sflag:$0x10], $0x1400, $0x38;
	[tilespmem:$0x1E400] =	vst v63  }
0x93: {  	s13 =	rddreg [dreg:$0x1f]  }
0x94: {  	[spmem:s7] =	stream.linear.scatter [tilespmem:s3], [sflag:$0x10], $0x1400, $0x38;
	[tilespmem:$0x1E400] =	vst v63  }
0x95: {  	s14 =	sld [smem:$0x7F1]  }
0x96: {  	[spmem:s13] =	stream.linear.scatter [tilespmem:s3], [sflag:$0x10], $0x1400, $0x38;
	[tilespmem:$0x1E400] =	vst v63  }
0x97: {  	s16 =	sld [smem:$0x7F2]  }
0x98: {  	[spmem:s14] =	stream.linear.scatter [tilespmem:s3], [sflag:$0x10], $0x1400, $0x38;
	[tilespmem:$0x1E400] =	vst v63  }
0x99: {  	s17 =	sld [smem:$0x7F3]  }
0x9a: {  	[spmem:s16] =	stream.linear.scatter [tilespmem:s3], [sflag:$0x10], $0x1400, $0x38;
	[tilespmem:$0x1E400] =	vst v63  }
0x9b: {  	s18 =	sld [smem:$0x7F4]  }
0x9c: {  	[spmem:s17] =	stream.linear.scatter [tilespmem:s3], [sflag:$0x10], $0x1400, $0x38;
	[tilespmem:$0x1E400] =	vst v63  }
0x9d: {  	s19 =	sld [smem:$0x7F5]  }
0x9e: {  	[spmem:s18] =	stream.linear.scatter [tilespmem:s3], [sflag:$0x10], $0x1400, $0x38;
	[tilespmem:$0x1E400] =	vst v63  }
0x9f: {  	s30 =	sld [smem:$0x7F6]  }
0xa0: {  	[spmem:s19] =	stream.linear.scatter [tilespmem:s3], [sflag:$0x10], $0x1400, $0x38;
	[tilespmem:$0x1E400] =	vst v63  }
0xa1: {  	_ = 	snop  }
0xa2: {  	[spmem:s30] =	stream.linear.scatter [tilespmem:s3], [sflag:$0x10], $0x1400, $0x38;
	[tilespmem:$0x1E400] =	vst v63  }
0xa3: {  	_ =	swait.ge [sflag:s15], $0x1400  }
0xa4: {  	[sflag:s15] =	ssyncset.done $0x0  }
0xa5: {  	[sflag:s15] =	ssyncadd.s32 $0xFFFFEC00  }
0xa6: {  	_ =	swait.ge [sflag:s15], $0x1400  }
0xa7: {  	[sflag:s15] =	ssyncset.done $0x0  }
0xa8: {  	[sflag:s15] =	ssyncadd.s32 $0xFFFFEC00  }
0xa9: {  	_ =	swait.ge [sflag:s15], $0x1400  }
0xaa: {  	[sflag:s15] =	ssyncset.done $0x0  }
0xab: {  	[sflag:s15] =	ssyncadd.s32 $0xFFFFEC00  }
0xac: {  	_ =	swait.ge [sflag:s15], $0x1400  }
0xad: {  	[sflag:s15] =	ssyncset.done $0x0  }
0xae: {  	[sflag:s15] =	ssyncadd.s32 $0xFFFFEC00  }
0xaf: {  	_ =	swait.ge [sflag:s15], $0x1400  }
0xb0: {  	[sflag:s15] =	ssyncset.done $0x0  }
0xb1: {  	[sflag:s15] =	ssyncadd.s32 $0xFFFFEC00  }
0xb2: {  	_ =	swait.ge [sflag:s15], $0x1400  }
0xb3: {  	[sflag:s15] =	ssyncset.done $0x0  }
0xb4: {  	[sflag:s15] =	ssyncadd.s32 $0xFFFFEC00  }
0xb5: {  	_ =	swait.ge [sflag:s15], $0x1400  }
0xb6: {  	[sflag:s15] =	ssyncset.done $0x0  }
0xb7: {  	[sflag:s15] =	ssyncadd.s32 $0xFFFFEC00  }
0xb8: {  	_ =	swait.ge [sflag:s15], $0x1400  }
0xb9: {  	[sflag:s15] =	ssyncset.done $0x0  }
0xba: {  	[sflag:s15] =	ssyncadd.s32 $0xFFFFEC00  }
0xbb: {  	_ =	swait.ge [sflag:s15], $0x1400  }
0xbc: {  	[sflag:s15] =	ssyncset.done $0x0  }
0xbd: {  	[sflag:s15] =	ssyncadd.s32 $0xFFFFEC00  }
0xbe: {  	_ =	swait.ge [sflag:s15], $0x1400  }
0xbf: {  	[sflag:s15] =	ssyncset.done $0x0  }
0xc0: {  	[sflag:s15] =	ssyncadd.s32 $0xFFFFEC00  }
0xc1: {  	_ =	swait.ge [sflag:s15], $0x1400  }
0xc2: {  	[sflag:s15] =	ssyncset.done $0x0  }
0xc3: {  	[sflag:s15] =	ssyncadd.s32 $0xFFFFEC00  }
0xc4: {  	_ =	swait.ge [sflag:s15], $0x1400  }
0xc5: {  	[sflag:s15] =	ssyncset.done $0x0  }
0xc6: {  	[sflag:s15] =	ssyncadd.s32 $0xFFFFEC00  }
0xc7: {  	_ =	swait.ge [sflag:s15], $0x1400  }
0xc8: {  	[sflag:s15] =	ssyncset.done $0x0  }
0xc9: {  	[sflag:s15] =	ssyncadd.s32 $0xFFFFEC00  }
0xca: {  	_ =	swait.ge [sflag:s15], $0x1400  }
0xcb: {  	[sflag:s15] =	ssyncset.done $0x0  }
0xcc: {  	[sflag:s15] =	ssyncadd.s32 $0xFFFFEC00  }
0xcd: {  	_ =	swait.ge [sflag:s15], $0x1400  }
0xce: {  	[sflag:s15] =	ssyncset.done $0x0  }
0xcf: {  	[sflag:s15] =	ssyncadd.s32 $0xFFFFEC00  }
0xd0: {  	_ =	swait.ge [sflag:s15], $0x1400  }
0xd1: {  	[sflag:s15] =	ssyncset.done $0x0  }
0xd2: {  	[sflag:s15] =	ssyncadd.s32 $0xFFFFEC00  }
0xd3: {  	s7 =	simm.s32 $0x0;
	[bflag:$0x0] =	sbarrier.arrive $0xFFFF  }
.LBB2_4:
0xd4: {  	_ =	swait.ge [sflag:s8], $0x1400  }
0xd5: {  	[sflag:s8] =	ssyncset.done $0x0  }
0xd6: {  	[sflag:s8] =	ssyncadd.s32 $0xFFFFEC00  }
0xd7: {  	_ =	swait.ge [sflag:s8], $0x28  }
0xd8: {  	p0 =	seq.s32 s7, $0x0;
	[sflag:s8] =	ssyncset.done $0x0  }
0xd9: {  	s30 =	simm.s32 @!p0 $0x10;
	[sflag:s8] =	ssyncadd.s32 $0xFFFFFFD8  }
0xda: {  	[spmem:s4] =	stream.indirect.scatter.add.f32 [tilespmem:s5], [sflag:$0x9], $0x80, s20, s9, $0xb8;
	[tilespmem:$0x1E400] =	vst v63  }
0xdb: {  	s6 =	sadd.s32 @!p0 $0x118, s7;
	_ =	swait.ge @!p0 [sflag:s30], $0x1400  }
0xdc: {  	s6 =	simm.s32 @p0 $0x118;
	s13 =	rddreg [dreg:$0x5]  }
0xdd: {  	s6 =	sadd.s32 s13, s6  }
0xde: {  	[sflag:s30] =	ssyncset.done @!p0 $0x0;
	s19 =	sshll.u32 s6, $0x4  }
0xdf: {  	[sflag:s30] =	ssyncadd.s32 @!p0 $0xFFFFEC00;
	s6 =	sshrl.u32 s6, $0x3;
	s19 =	sadd.s32 s1, s19  }
0xe0: {  	[tilespmem:s3], [sflag:$0x8] =	stream.linear.gather [hbm4b:s19+s5], $0x1400, $0x38;
	[tilespmem:$0x1E400] =	vst v63  }
0xe1: {  	s6 =	sadd.s32 s2, s6  }
0xe2: {  	[tilespmem:s10], [sflag:$0x8] =	stream.linear.gather [hbm4b:s6+s5], $0x28, $0x38;
	[tilespmem:$0x1E400] =	vst v63  }
0xe3: {  	_ =	swait.ge [sflag:s11], $0x1400  }
0xe4: {  	[sflag:s11] =	ssyncset.done $0x0  }
0xe5: {  	[sflag:s11] =	ssyncadd.s32 $0xFFFFEC00  }
0xe6: {  	_ =	swait.ge [sflag:s11], $0x28  }
0xe7: {  	[sflag:s11] =	ssyncset.done $0x0  }
0xe8: {  	[sflag:s11] =	ssyncadd.s32 $0xFFFFFFD8  }
0xe9: {  	[spmem:s4] =	stream.indirect.scatter.add.f32 [tilespmem:s22], [sflag:$0xA], $0x80, s23, s9, $0xb8;
	[tilespmem:$0x1E400] =	vst v63  }
0xea: {  	_ =	swait.ge [sflag:s12], $0x1400  }
0xeb: {  	s16 =	sld [smem:$0x7F7]  }
0xec: {  	s30 =	smov.u32 s7  }
0xed: {  	s30 =	simm.s32 @p0 $0x0  }
0xee: {  	s6 =	sadd.s32 s30, s16  }
0xef: {  	[sflag:s12] =	ssyncset.done $0x0;
	s17 =	sshll.u32 s6, $0x4  }
0xf0: {  	[sflag:s12] =	ssyncadd.s32 $0xFFFFEC00;
	s6 =	sshrl.u32 s6, $0x3;
	s19 =	sadd.s32 s1, s17  }
0xf1: {  	[tilespmem:s5], [sflag:$0x1] =	stream.linear.gather [hbm4b:s19+s5], $0x1400, $0x38;
	[tilespmem:$0x1E400] =	vst v63  }
0xf2: {  	s6 =	sadd.s32 s2, s6  }
0xf3: {  	[tilespmem:s20], [sflag:$0x1] =	stream.linear.gather [hbm4b:s6+s5], $0x28, $0x38;
	[tilespmem:$0x1E400] =	vst v63  }
0xf4: {  	_ =	swait.ge [sflag:s21], $0x1400  }
0xf5: {  	[sflag:s21] =	ssyncset.done $0x0  }
0xf6: {  	[sflag:s21] =	ssyncadd.s32 $0xFFFFEC00  }
0xf7: {  	_ =	swait.ge [sflag:s21], $0x28  }
0xf8: {  	[sflag:s21] =	ssyncset.done $0x0  }
0xf9: {  	s18 =	simm.s32 $0x2800;
	s19 =	simm.s32 $0xA100;
	[sflag:s21] =	ssyncadd.s32 $0xFFFFFFD8  }
0xfa: {  	[spmem:s4] =	stream.indirect.scatter.add.f32 [tilespmem:s18], [sflag:$0xB], $0x80, s19, s9, $0xb8;
	[tilespmem:$0x1E400] =	vst v63  }
0xfb: {  	_ =	swait.ge [sflag:s31], $0x1400  }
0xfc: {  	s13 =	sld [smem:$0x7F8];
	_ =	sdelay $0x2  }
0xfd: {  	s6 =	sadd.s32 s30, s13  }
0xfe: {  	[sflag:s31] =	ssyncset.done $0x0;
	s14 =	sshll.u32 s6, $0x4  }
0xff: {  	[sflag:s31] =	ssyncadd.s32 $0xFFFFEC00;
	s6 =	sshrl.u32 s6, $0x3;
	s19 =	sadd.s32 s1, s14  }
0x100: {  	[tilespmem:s22], [sflag:$0x2] =	stream.linear.gather [hbm4b:s19+s5], $0x1400, $0x38;
	[tilespmem:$0x1E400] =	vst v63  }
0x101: {  	s6 =	sadd.s32 s2, s6  }
0x102: {  	[tilespmem:s23], [sflag:$0x2] =	stream.linear.gather [hbm4b:s6+s5], $0x28, $0x38;
	[tilespmem:$0x1E400] =	vst v63  }
0x103: {  	_ =	swait.ge [sflag:s0], $0x1400  }
0x104: {  	[sflag:s0] =	ssyncset.done $0x0  }
0x105: {  	[sflag:s0] =	ssyncadd.s32 $0xFFFFEC00  }
0x106: {  	_ =	swait.ge [sflag:s0], $0x28  }
0x107: {  	[sflag:s0] =	ssyncset.done $0x0  }
0x108: {  	s15 =	simm.s32 $0x3C00;
	s16 =	simm.s32 $0xA180;
	[sflag:s0] =	ssyncadd.s32 $0xFFFFFFD8  }
0x109: {  	[spmem:s4] =	stream.indirect.scatter.add.f32 [tilespmem:s15], [sflag:$0xC], $0x80, s16, s9, $0xb8;
	[tilespmem:$0x1E400] =	vst v63  }
0x10a: {  	_ =	swait.ge [sflag:s24], $0x1400  }
0x10b: {  	p0 =	seq.s32 s7, $0x2580;
	[sflag:s24] =	ssyncset.done $0x0  }
0x10c: {  	s6 =	simm.s32 @p0 $0x5;
	[sflag:s24] =	ssyncadd.s32 $0xFFFFEC00  }
0x10d: {  	_ =	swait.ge @p0 [sflag:s6], $0x1400  }
0x10e: {  	[sflag:s6] =	ssyncset.done @p0 $0x0  }
0x10f: {  	[sflag:s6] =	ssyncadd.s32 @p0 $0xFFFFEC00  }
0x110: {  	_ =	swait.ge @p0 [sflag:s6], $0x28  }
0x111: {  	s13 =	simm.s32 @p0 $0x5000;
	[sflag:s6] =	ssyncset.done @p0 $0x0  }
0x112: {  	s19 =	simm.s32 @p0 $0x28;
	[sflag:s6] =	ssyncadd.s32 @p0 $0xFFFFFFD8;
	s6 =	simm.s32 @p0 $0xA200  }
0x113: {  	[spmem:s4] =	stream.indirect.scatter.add.f32 @p0 [tilespmem:s13], [sflag:$0xD], $0x80, s6, s19, $0xb8;
	[tilespmem:$0x1E400] =	vst v63  }
0x114: {  	s6 =	simm.s32 @p0 $0xC  }
0x115: {  	_ =	swait.ge @p0 [sflag:s6], $0x1400  }
0x116: {  	s13 =	sld [smem:$0x7F9];
	_ =	sdelay $0x2  }
0x117: {  	[sflag:s6] =	ssyncset.done @p0 $0x0;
	s13 =	sadd.s32 @!p0 s30, s13  }
0x118: {  	s15 =	simm.s32 @!p0 $0x2800;
	[sflag:s6] =	ssyncadd.s32 @p0 $0xFFFFEC00;
	s6 =	sshll.u32 @!p0 s13, $0x4  }
0x119: {  	s13 =	sshrl.u32 @!p0 s13, $0x3;
	s14 =	sadd.s32 @!p0 s1, s6;
	s6 =	simm.s32 @!p0 $0x0  }
0x11a: {  	[tilespmem:s15], [sflag:$0x3] =	stream.linear.gather @!p0 [hbm4b:s14+s6], $0x1400, $0x38;
	[tilespmem:$0x1E400] =	vst v63  }
0x11b: {  	s13 =	sadd.s32 @!p0 s2, s13;
	s14 =	simm.s32 @!p0 $0xA100  }
0x11c: {  	[tilespmem:s14], [sflag:$0x3] =	stream.linear.gather @!p0 [hbm4b:s13+s6], $0x28, $0x38;
	[tilespmem:$0x1E400] =	vst v63  }
0x11d: {  	s13 =	simm.s32 @!p0 $0x5  }
0x11e: {  	_ =	swait.ge @!p0 [sflag:s13], $0x1400  }
0x11f: {  	[sflag:s13] =	ssyncset.done @!p0 $0x0  }
0x120: {  	[sflag:s13] =	ssyncadd.s32 @!p0 $0xFFFFEC00  }
0x121: {  	_ =	swait.ge @!p0 [sflag:s13], $0x28  }
0x122: {  	s16 =	simm.s32 @!p0 $0xC;
	s15 =	simm.s32 @!p0 $0x5000;
	[sflag:s13] =	ssyncset.done @!p0 $0x0  }
0x123: {  	s14 =	simm.s32 @!p0 $0xA200;
	[sflag:s13] =	ssyncadd.s32 @!p0 $0xFFFFFFD8;
	s13 =	simm.s32 @!p0 $0x28  }
0x124: {  	[spmem:s4] =	stream.indirect.scatter.add.f32 @!p0 [tilespmem:s15], [sflag:$0xD], $0x80, s14, s13, $0xb8;
	[tilespmem:$0x1E400] =	vst v63  }
0x125: {  	_ =	swait.ge @!p0 [sflag:s16], $0x1400  }
0x126: {  	s17 =	sld [smem:$0x7FA];
	_ =	sdelay $0x2  }
0x127: {  	s17 =	sadd.s32 @!p0 s30, s17  }
0x128: {  	[sflag:s16] =	ssyncset.done @!p0 $0x0;
	s18 =	sshll.u32 @!p0 s17, $0x4  }
0x129: {  	[sflag:s16] =	ssyncadd.s32 @!p0 $0xFFFFEC00;
	s16 =	sadd.s32 @!p0 s1, s18;
	s18 =	simm.s32 @!p0 $0x3C00  }
0x12a: {  	[tilespmem:s18], [sflag:$0x4] =	stream.linear.gather @!p0 [hbm4b:s16+s6], $0x1400, $0x38;
	[tilespmem:$0x1E400] =	vst v63  }
0x12b: {  	s16 =	sshrl.u32 @!p0 s17, $0x3  }
0x12c: {  	s17 =	simm.s32 @!p0 $0xA180;
	s16 =	sadd.s32 @!p0 s2, s16  }
0x12d: {  	[tilespmem:s17], [sflag:$0x4] =	stream.linear.gather @!p0 [hbm4b:s16+s6], $0x28, $0x38;
	[tilespmem:$0x1E400] =	vst v63  }
0x12e: {  	_ =	swait.ge [sflag:s25], $0x1400  }
0x12f: {  	[sflag:s25] =	ssyncset.done $0x0  }
0x130: {  	[sflag:s25] =	ssyncadd.s32 $0xFFFFEC00  }
0x131: {  	_ =	swait.ge [sflag:s25], $0x28  }
0x132: {  	[sflag:s25] =	ssyncset.done $0x0  }
0x133: {  	s18 =	simm.s32 $0xA280;
	s17 =	simm.s32 $0x6400;
	[sflag:s25] =	ssyncadd.s32 $0xFFFFFFD8  }
0x134: {  	[spmem:s4] =	stream.indirect.scatter.add.f32 [tilespmem:s17], [sflag:$0xE], $0x80, s18, s9, $0xb8;
	[tilespmem:$0x1E400] =	vst v63  }
0x135: {  	_ =	swait.ge [sflag:s26], $0x1400  }
0x136: {  	[sflag:s26] =	ssyncset.done $0x0  }
0x137: {  	s16 =	simm.s32 @p0 $0x7;
	[sflag:s26] =	ssyncadd.s32 $0xFFFFEC00  }
0x138: {  	_ =	swait.ge @p0 [sflag:s16], $0x1400  }
0x139: {  	[sflag:s16] =	ssyncset.done @p0 $0x0  }
0x13a: {  	[sflag:s16] =	ssyncadd.s32 @p0 $0xFFFFEC00  }
0x13b: {  	_ =	swait.ge @p0 [sflag:s16], $0x28  }
0x13c: {  	[sflag:s16] =	ssyncset.done @p0 $0x0  }
0x13d: {  	s17 =	simm.s32 @p0 $0x7800;
	[sflag:s16] =	ssyncadd.s32 @p0 $0xFFFFFFD8;
	s16 =	simm.s32 @p0 $0xA300  }
0x13e: {  	[spmem:s4] =	stream.indirect.scatter.add.f32 @p0 [tilespmem:s17], [sflag:$0xF], $0x80, s16, s19, $0xb8;
	[tilespmem:$0x1E400] =	vst v63  }
0x13f: {  	s16 =	simm.s32 @p0 $0xE  }
0x140: {  	_ =	swait.ge @p0 [sflag:s16], $0x1400  }
0x141: {  	s17 =	sld [smem:$0x7FB];
	_ =	sdelay $0x2  }
0x142: {  	s17 =	sadd.s32 @!p0 s30, s17  }
0x143: {  	[sflag:s16] =	ssyncset.done @p0 $0x0;
	s18 =	sshll.u32 @!p0 s17, $0x4  }
0x144: {  	[sflag:s16] =	ssyncadd.s32 @p0 $0xFFFFEC00;
	s16 =	sadd.s32 @!p0 s1, s18  }
0x145: {  	[tilespmem:s15], [sflag:$0x5] =	stream.linear.gather @!p0 [hbm4b:s16+s6], $0x1400, $0x38;
	[tilespmem:$0x1E400] =	vst v63  }
0x146: {  	s15 =	sshrl.u32 @!p0 s17, $0x3  }
0x147: {  	s15 =	sadd.s32 @!p0 s2, s15  }
0x148: {  	[tilespmem:s14], [sflag:$0x5] =	stream.linear.gather @!p0 [hbm4b:s15+s6], $0x28, $0x38;
	[tilespmem:$0x1E400] =	vst v63  }
0x149: {  	s14 =	simm.s32 @!p0 $0x7  }
0x14a: {  	_ =	swait.ge @!p0 [sflag:s14], $0x1400  }
0x14b: {  	[sflag:s14] =	ssyncset.done @!p0 $0x0  }
0x14c: {  	[sflag:s14] =	ssyncadd.s32 @!p0 $0xFFFFEC00  }
0x14d: {  	_ =	swait.ge @!p0 [sflag:s14], $0x28  }
0x14e: {  	[sflag:s14] =	ssyncset.done @!p0 $0x0  }
0x14f: {  	s15 =	simm.s32 @!p0 $0x7800;
	[sflag:s14] =	ssyncadd.s32 @!p0 $0xFFFFFFD8;
	s14 =	simm.s32 @!p0 $0xA300  }
0x150: {  	[spmem:s4] =	stream.indirect.scatter.add.f32 @!p0 [tilespmem:s15], [sflag:$0xF], $0x80, s14, s13, $0xb8;
	[tilespmem:$0x1E400] =	vst v63  }
0x151: {  	s13 =	simm.s32 @!p0 $0xE  }
0x152: {  	_ =	swait.ge @!p0 [sflag:s13], $0x1400  }
0x153: {  	s14 =	sld [smem:$0x7FC];
	_ =	sdelay $0x2  }
0x154: {  	s14 =	sadd.s32 @!p0 s30, s14  }
0x155: {  	[sflag:s13] =	ssyncset.done @!p0 $0x0;
	s15 =	sshll.u32 @!p0 s14, $0x4  }
0x156: {  	[sflag:s13] =	ssyncadd.s32 @!p0 $0xFFFFEC00;
	s13 =	sadd.s32 @!p0 s1, s15;
	s15 =	simm.s32 @!p0 $0x6400  }
0x157: {  	[tilespmem:s15], [sflag:$0x6] =	stream.linear.gather @!p0 [hbm4b:s13+s6], $0x1400, $0x38;
	[tilespmem:$0x1E400] =	vst v63  }
0x158: {  	s13 =	sshrl.u32 @!p0 s14, $0x3  }
0x159: {  	s14 =	simm.s32 @!p0 $0xA280;
	s13 =	sadd.s32 @!p0 s2, s13  }
0x15a: {  	[tilespmem:s14], [sflag:$0x6] =	stream.linear.gather @!p0 [hbm4b:s13+s6], $0x28, $0x38;
	[tilespmem:$0x1E400] =	vst v63  }
0x15b: {  	_ =	swait.ge [sflag:s28], $0x1400  }
0x15c: {  	[sflag:s28] =	ssyncset.done $0x0  }
0x15d: {  	[sflag:s28] =	ssyncadd.s32 $0xFFFFEC00  }
0x15e: {  	_ =	swait.ge [sflag:s28], $0x28  }
0x15f: {  	[sflag:s28] =	ssyncset.done $0x0  }
.Ltmp3:
0x160: {  	[sflag:s28] =	ssyncadd.s32 $0xFFFFFFD8;
	(pc) =	sbr.rel @p0 .LBB2_6-.Ltmp3, $4  }
0x161: {  	[spmem:s4] =	stream.indirect.scatter.add.f32 [tilespmem:s3], [sflag:$0x10], $0x80, s10, s9, $0xb8;
	[tilespmem:$0x1E400] =	vst v63  }
0x162: {  	_ =	swait.ge [sflag:s29], $0x1400  }
0x163: {  	[sflag:s29] =	ssyncset.done $0x0  }
0x164: {  	[sflag:s29] =	ssyncadd.s32 $0xFFFFEC00  }
0x165: {  	s6 =	sld [smem:$0x7FD];
	_ =	sdelay $0x2  }
0x166: {  	s6 =	sadd.s32 s30, s6  }
.Ltmp4:
0x167: {  	s13 =	sshll.u32 s6, $0x4;
	(pc) =	sbr.rel .LBB2_4-.Ltmp4, $4  }
0x168: {  	s14 =	simm.s32 $0x7800;
	s6 =	sshrl.u32 s6, $0x3;
	s13 =	sadd.s32 s1, s13  }
0x169: {  	[tilespmem:s14], [sflag:$0x7] =	stream.linear.gather [hbm4b:s13+s5], $0x1400, $0x38;
	[tilespmem:$0x1E400] =	vst v63  }
0x16a: {  	s7 =	sadd.s32 $0x140, s7;
	s30 =	simm.s32 $0xA300;
	s6 =	sadd.s32 s2, s6  }
0x16b: {  	[tilespmem:s30], [sflag:$0x7] =	stream.linear.gather [hbm4b:s6+s5], $0x28, $0x38;
	[tilespmem:$0x1E400] =	vst v63  }
.LBB2_7:
0x16c: {  	_ =	sfence.sel $0x180000  }
0x16d: {  	[bflag:$0x0] =	sbarrier.arrive $0xFFFF  }
0x16e: {  	_ =	strace $0x90000047  }
0x16f: {  	s0 =	stileid.u32;
	[bflag:$0x2] =	sbarrier.arrive $0xFFFF  }
0x170: {  	p0 =	sne.s32 s0, $0x0;
	s0 =	rddreg [dreg:$0x4]  }
0x171: {  	s0 =	sadd.s32 @!p0 $0x100000, s0  }
0x172: {  	[sflag:s0] =	ssyncadd.tile.s32 @!p0 $0x1;
	_ =	shalt  }
.Lfunc_end2:
_tile_overlayer_lowered:
.L_overlay_start_2:
0x173: {  	(tag) =	ssettag $0x2  }
0x174: {  	s0 =	rddreg [dreg:$0x0];
	s2 =	stileid.u32  }
0x175: {  	s1 =	rddreg [dreg:$0x1];
	p0 =	sne.s32 s2, $0x0  }
0x176: {  	s3 =	rddreg [dreg:$0x2];
	[bflag:$0x3] =	sbarrier.arrive $0xFFFF;
	s2 =	simm.s32 @!p0 $0x1C11  }
0x177: {  	[timem:s3], [sflag:s2] =	dma.local @!p0 [hbm:s0], s1  }
0x178: {  	s0 =	simm.s32 @!p0 $0x11  }
0x179: {  	_ =	swait.ge @!p0 [sflag:s0], s1  }
0x17a: {  	s1 =	ssub.s32 @!p0 $0x0, s1;
	[sflag:s0] =	ssyncset.done @!p0 $0x0  }
0x17b: {  	[sflag:s0] =	ssyncadd.s32 @!p0 s1  }
0x17c: {  	[bflag:$0x3] =	sbarrier.arrive $0xFFFF  }
0x17d: {  	_ =	shalt  }

</sc_bundles>
